<compile_context>
chip_gen: v7x
topology: tpu7x:2x2x1
jax: 0.10.2.dev20260603
libtpu: 0.0.44.dev20260713+nightly
codegen_flags: <defaults>
</compile_context>

<pallas_src>
import dataclasses
import functools
import math

import jax
import jax.numpy as jnp
from jax import lax
from jax.experimental import pallas as pl
from jax.experimental.pallas import tpu as pltpu
from jax.experimental.pallas import tpu_sc as plsc

N_NODES = 10000
N_PAD = 10240
N_EDGES = 320000
D_IN = 128
D_OUT = 128
DELTA = math.log(33.0)
CHUNK = 3200
NEG = -3.0e38
POS = 3.0e38

_GATHER_DNUMS = lax.GatherDimensionNumbers(
    offset_dims=(), collapsed_slice_dims=(0,), start_index_map=(0,))


def _dyng(v, idx):
  return lax.gather(v, idx[:, None], _GATHER_DNUMS, (1,),
                    mode=lax.GatherScatterMode.PROMISE_IN_BOUNDS)


def _sc_aggregate(xf, src, dst):
  mesh = plsc.VectorSubcoreMesh(core_axis_name="c", subcore_axis_name="s")
  f32 = jnp.float32
  out_type = [
      jax.ShapeDtypeStruct((D_IN, N_PAD), f32),
      jax.ShapeDtypeStruct((D_IN, N_PAD), f32),
      jax.ShapeDtypeStruct((D_IN, N_PAD), f32),
      jax.ShapeDtypeStruct((D_IN, N_PAD), f32),
      jax.ShapeDtypeStruct((8, N_PAD), f32),
  ]
  scratch = [
      pltpu.VMEM((N_PAD,), f32),
      pltpu.VMEM((N_PAD,), f32),
      pltpu.VMEM((N_PAD,), f32),
      pltpu.VMEM((N_PAD,), f32),
      pltpu.VMEM((N_PAD,), f32),
      pltpu.VMEM((N_PAD,), f32),
      pltpu.VMEM((N_PAD,), f32),
      pltpu.VMEM((N_PAD,), f32),
      pltpu.VMEM((N_PAD,), f32),
      pltpu.VMEM((N_PAD,), f32),
      pltpu.VMEM((N_PAD,), f32),
      pltpu.VMEM((CHUNK,), jnp.int32),
      pltpu.VMEM((CHUNK,), jnp.int32),
      pltpu.VMEM((CHUNK,), jnp.int32),
      pltpu.VMEM((CHUNK,), jnp.int32),
      pltpu.SemaphoreType.DMA,
      pltpu.SemaphoreType.DMA,
  ]

  cp = pltpu.CompilerParams()
  if "needs_layout_passes" in pltpu.CompilerParams.__dataclass_fields__:
    cp = dataclasses.replace(cp, needs_layout_passes=False)

  @functools.partial(pl.kernel, out_type=out_type, mesh=mesh,
                     scratch_types=scratch, compiler_params=cp)
  def sc_kernel(xf_hbm, src_hbm, dst_hbm, sum_hbm, sq_hbm, mx_hbm, mn_hbm,
                deg_hbm, xa, xb, s0, s1, q0, q1, m0, m1, n0, n1, degp,
                dste, srce, dste2, srce2, sem0, sem1):

    def start_idx(e0, db, sb, sem):
      pltpu.async_copy(dst_hbm.at[pl.ds(e0, CHUNK)], db, sem)
      pltpu.async_copy(src_hbm.at[pl.ds(e0, CHUNK)], sb, sem)

    def wait_idx(e0, db, sb, sem):
      pltpu.make_async_copy(dst_hbm.at[pl.ds(e0, CHUNK)], db, sem).wait()
      pltpu.make_async_copy(src_hbm.at[pl.ds(e0, CHUNK)], sb, sem).wait()
    wid = lax.axis_index("s") * 2 + lax.axis_index("c")
    iota = lax.iota(jnp.int32, 16)
    zero16 = jnp.zeros((16,), f32)
    neg16 = jnp.full((16,), NEG, f32)
    pos16 = jnp.full((16,), POS, f32)
    one16 = jnp.ones((16,), f32)

    sh_idx = [jnp.maximum(iota - k, 0) for k in (1, 2, 4, 8)]
    sh_ok = [iota >= k for k in (1, 2, 4, 8)]
    nxt_idx = jnp.minimum(iota + 1, 15)
    is15 = iota == 15

    @pl.loop(0, N_PAD, step=16)
    def _(i):
      degp[pl.ds(i, 16)] = zero16

    for p in range(2):
      f0 = 64 * p + 2 * wid

      @pl.loop(0, N_PAD, step=16)
      def _(i):
        sl = pl.ds(i, 16)
        s0[sl] = zero16
        s1[sl] = zero16
        q0[sl] = zero16
        q1[sl] = zero16
        m0[sl] = neg16
        m1[sl] = neg16
        n0[sl] = pos16
        n1[sl] = pos16

      pltpu.sync_copy(xf_hbm.at[f0], xa)
      pltpu.sync_copy(xf_hbm.at[f0 + 1], xb)

      def process_chunk(dbuf, sbuf):
        @pl.loop(0, CHUNK, step=32)
        def _(g0):
          da = dbuf[pl.ds(g0, 16)]
          sa = sbuf[pl.ds(g0, 16)]
          db_ = dbuf[pl.ds(g0 + 16, 16)]
          sb_ = sbuf[pl.ds(g0 + 16, 16)]
          if p == 0:
            @pl.when(wid == 0)
            def _():
              plsc.addupdate_scatter(degp, [da], one16)
              plsc.addupdate_scatter(degp, [db_], one16)
          ca, _ = plsc.scan_count(da)
          cb, _ = plsc.scan_count(db_)
          anydup = jnp.max(jnp.maximum(ca, cb)) > 1

          @pl.when(jnp.logical_not(anydup))
          def _():
            for d, s in ((da, sa), (db_, sb_)):
              for (xr, sr, qr, mr, nr) in ((xa, s0, q0, m0, n0),
                                           (xb, s1, q1, m1, n1)):
                v = plsc.load_gather(xr, [s])
                plsc.addupdate_scatter(sr, [d], v)
                plsc.addupdate_scatter(qr, [d], v * v)
                oldm = plsc.load_gather(mr, [d])
                plsc.store_scatter(mr, [d], jnp.maximum(oldm, v))
                oldn = plsc.load_gather(nr, [d])
                plsc.store_scatter(nr, [d], jnp.minimum(oldn, v))

          @pl.when(anydup)
          def _():
            for d, s in ((da, sa), (db_, sb_)):
              d_s, s_s = plsc.sort_key_val(d, s)
              idxs = [jnp.where(ok & (d_s == _dyng(d_s, ix)), ix, iota)
                      for ix, ok in zip(sh_idx, sh_ok)]
              last = (d_s != _dyng(d_s, nxt_idx)) | is15
              for (xr, sr, qr, mr, nr) in ((xa, s0, q0, m0, n0),
                                           (xb, s1, q1, m1, n1)):
                v = plsc.load_gather(xr, [s_s])
                plsc.addupdate_scatter(sr, [d_s], v)
                plsc.addupdate_scatter(qr, [d_s], v * v)
                mx = v
                mn = v
                for ix in idxs:
                  mx = jnp.maximum(mx, _dyng(mx, ix))
                  mn = jnp.minimum(mn, _dyng(mn, ix))
                oldm = plsc.load_gather(mr, [d_s], mask=last)
                plsc.store_scatter(mr, [d_s], jnp.maximum(oldm, mx),
                                   mask=last)
                oldn = plsc.load_gather(nr, [d_s], mask=last)
                plsc.store_scatter(nr, [d_s], jnp.minimum(oldn, mn),
                                   mask=last)

      start_idx(0, dste, srce, sem0)

      @pl.loop(0, N_EDGES, step=2 * CHUNK)
      def _(e0):
        for h, (db, sb, sm, dbn, sbn, smn) in enumerate((
            (dste, srce, sem0, dste2, srce2, sem1),
            (dste2, srce2, sem1, dste, srce, sem0))):
          ec = e0 + h * CHUNK
          nxt = ec + CHUNK

          @pl.when(nxt < N_EDGES)
          def _():
            start_idx(nxt, dbn, sbn, smn)

          wait_idx(ec, db, sb, sm)
          process_chunk(db, sb)

      pltpu.sync_copy(s0, sum_hbm.at[f0])
      pltpu.sync_copy(s1, sum_hbm.at[f0 + 1])
      pltpu.sync_copy(q0, sq_hbm.at[f0])
      pltpu.sync_copy(q1, sq_hbm.at[f0 + 1])
      pltpu.sync_copy(m0, mx_hbm.at[f0])
      pltpu.sync_copy(m1, mx_hbm.at[f0 + 1])
      pltpu.sync_copy(n0, mn_hbm.at[f0])
      pltpu.sync_copy(n1, mn_hbm.at[f0 + 1])

    @pl.when(wid == 0)
    def _():
      pltpu.sync_copy(degp, deg_hbm.at[0])

    @pl.when(jnp.logical_and(wid >= 1, wid < 8))
    def _():
      pltpu.sync_copy(degp, deg_hbm.at[wid])

  return sc_kernel(xf, src, dst)


def _tc_finalize_kernel(sum_ref, sq_ref, mx_ref, mn_ref, deg_ref, w_ref,
                        b_ref, out_ref):
  deg = jnp.sum(deg_ref[...], axis=0, keepdims=True)
  deg_safe = jnp.maximum(deg, 1.0)
  inv = 1.0 / deg_safe
  has = deg > 0.0
  mean = sum_ref[...] * inv
  mx = jnp.where(has, mx_ref[...], 0.0)
  mn = jnp.where(has, mn_ref[...], 0.0)
  sq = sq_ref[...] * inv
  var = jnp.maximum(sq - mean * mean, 0.0)
  std = jnp.sqrt(var + 1e-5)
  agg = jnp.concatenate([mean, mx, mn, std], axis=0)
  log_deg = jnp.log(deg + 1.0)
  amp = log_deg * (1.0 / DELTA)
  att = DELTA / jnp.maximum(log_deg, 1e-5)
  feats = jnp.concatenate([agg, agg * amp, agg * att], axis=0)
  out = lax.dot_general(feats, w_ref[...], (((0,), (0,)), ((), ())),
                        preferred_element_type=jnp.float32)
  out_ref[...] = out + b_ref[...]


def _tc_finalize(sums, sqs, mxs, mns, degs, W, b2):
  nb = 1024
  grid = (N_PAD // nb,)
  feat_spec = pl.BlockSpec((D_IN, nb), lambda i: (0, i))
  return pl.pallas_call(
      _tc_finalize_kernel,
      grid=grid,
      in_specs=[
          feat_spec, feat_spec, feat_spec, feat_spec,
          pl.BlockSpec((8, nb), lambda i: (0, i)),
          pl.BlockSpec((12 * D_IN, D_OUT), lambda i: (0, 0)),
          pl.BlockSpec((1, D_OUT), lambda i: (0, 0)),
      ],
      out_specs=pl.BlockSpec((nb, D_OUT), lambda i: (i, 0)),
      out_shape=jax.ShapeDtypeStruct((N_PAD, D_OUT), jnp.float32),
  )(sums, sqs, mxs, mns, degs, W, b2)


@jax.jit
def kernel(x, edge_index, W, b):
  src = edge_index[0].astype(jnp.int32)
  dst = edge_index[1].astype(jnp.int32)
  xf = jnp.zeros((D_IN, N_PAD), jnp.float32).at[:, :N_NODES].set(x.T)
  sums, sqs, mxs, mns, degs = _sc_aggregate(xf, src, dst)
  out = _tc_finalize(sums, sqs, mxs, mns, degs, W, b.reshape(1, D_OUT))
  return out[:N_NODES]

# --- scband reference (transcript-rebuilt; emitter-appended) ---
"""Pipeline reference for scband-pna-78125455114597 (READ-ONLY COPY).

The authoritative reference and input builder live on the scoring server;
editing this copy changes nothing except your own understanding.
"""

import jax, jax.numpy as jnp
import numpy as np

N_NODES = 10000
N_EDGES = 320000
D_IN = 128
D_OUT = 128
N_AGG = 4
N_SCALE = 3
DELTA = float(np.log(32.0 + 1.0))  # avg log-degree of training graph, ~3.4965


def setup_inputs(seed: int = 0) -> dict:
    key = jax.random.key(seed)
    k1, k2, k3 = jax.random.split(key, 3)
    x = jax.random.normal(k1, (N_NODES, D_IN), dtype=jnp.float32)
    edge_index = jax.random.randint(k2, (2, N_EDGES), 0, N_NODES, dtype=jnp.int64)
    W = jax.random.normal(k3, (N_AGG * N_SCALE * D_IN, D_OUT), dtype=jnp.float32) * 0.02
    b = jnp.zeros((D_OUT,), dtype=jnp.float32)
    return {"x": x, "edge_index": edge_index, "W": W, "b": b}


def reference(x, edge_index, W, b):
    src = edge_index[0]
    dst = edge_index[1]
    n = x.shape[0]
    msgs = jnp.take(x, src, axis=0)  # gather source features per edge [E, d]

    ones = jnp.ones((msgs.shape[0],), dtype=x.dtype)
    deg = jax.ops.segment_sum(ones, dst, num_segments=n)  # [N]
    deg_safe = jnp.maximum(deg, 1.0)

    s = jax.ops.segment_sum(msgs, dst, num_segments=n)
    mean = s / deg_safe[:, None]

    mx = jax.ops.segment_max(msgs, dst, num_segments=n)
    mx = jnp.where(deg[:, None] > 0, mx, 0.0)
    mn = -jax.ops.segment_max(-msgs, dst, num_segments=n)
    mn = jnp.where(deg[:, None] > 0, mn, 0.0)

    sq = jax.ops.segment_sum(msgs * msgs, dst, num_segments=n) / deg_safe[:, None]
    var = jax.nn.relu(sq - mean * mean)
    std = jnp.sqrt(var + 1e-5)

    agg = jnp.concatenate([mean, mx, mn, std], axis=-1)  # [N, 4d]

    log_deg = jnp.log(deg + 1.0)
    amp = (log_deg / DELTA)[:, None]
    att = (DELTA / jnp.maximum(log_deg, 1e-5))[:, None]
    feats = jnp.concatenate([agg, agg * amp, agg * att], axis=-1)  # [N, 12d]

    out = feats @ W + b
    return out

if __name__ == "__main__":
    import jax
    _d = setup_inputs()
    print(jax.jit(kernel)(*tuple(_d.values())))

</pallas_src>

<mosaic_0001>
#map = affine_map<(d0, d1) -> (0, 0)>
#map1 = affine_map<(d0, d1) -> (0)>
module attributes {stable_mosaic.version = 14 : i64} {
  func.func @sc_kernel(%arg0: i32, %arg1: i32, %arg2: memref<128x10240xf32, #tpu.memory_space<hbm>>, %arg3: memref<320000xi32, #tpu.memory_space<hbm>>, %arg4: memref<320000xi32, #tpu.memory_space<hbm>>, %arg5: memref<128x10240xf32, #tpu.memory_space<hbm>>, %arg6: memref<128x10240xf32, #tpu.memory_space<hbm>>, %arg7: memref<128x10240xf32, #tpu.memory_space<hbm>>, %arg8: memref<128x10240xf32, #tpu.memory_space<hbm>>, %arg9: memref<8x10240xf32, #tpu.memory_space<hbm>>, %arg10: memref<10240xf32, #tpu.memory_space<vmem>>, %arg11: memref<10240xf32, #tpu.memory_space<vmem>>, %arg12: memref<10240xf32, #tpu.memory_space<vmem>>, %arg13: memref<10240xf32, #tpu.memory_space<vmem>>, %arg14: memref<10240xf32, #tpu.memory_space<vmem>>, %arg15: memref<10240xf32, #tpu.memory_space<vmem>>, %arg16: memref<10240xf32, #tpu.memory_space<vmem>>, %arg17: memref<10240xf32, #tpu.memory_space<vmem>>, %arg18: memref<10240xf32, #tpu.memory_space<vmem>>, %arg19: memref<10240xf32, #tpu.memory_space<vmem>>, %arg20: memref<10240xf32, #tpu.memory_space<vmem>>, %arg21: memref<3200xi32, #tpu.memory_space<vmem>>, %arg22: memref<3200xi32, #tpu.memory_space<vmem>>, %arg23: memref<3200xi32, #tpu.memory_space<vmem>>, %arg24: memref<3200xi32, #tpu.memory_space<vmem>>, %arg25: memref<!tpu.dma_semaphore, #tpu.memory_space<semaphore_mem>>, %arg26: memref<!tpu.dma_semaphore, #tpu.memory_space<semaphore_mem>>) attributes {dimension_semantics = [#tpu.dimension_semantics<core_parallel>, #tpu.dimension_semantics<subcore_parallel>], iteration_bounds = array<i64: 2, 16>, scalar_prefetch = 0 : i64, scratch_operands = 17 : i64, tpu.core_type = #tpu.core_type<sc_vector_subcore>, window_params = [{transform_indices = #map}, {transform_indices = #map1}, {transform_indices = #map1}, {transform_indices = #map}, {transform_indices = #map}, {transform_indices = #map}, {transform_indices = #map}, {transform_indices = #map}]} {
    %mul3A = arith.constant 2 : i32
    %mul3A_0 = arith.muli %arg1, %mul3A : i32
    %add3A = arith.addi %mul3A_0, %arg0 : i32
    %iota3A = tpu.iota {dimensions = array<i32: 0>} : vector<16xi32>
    %broadcast_in_dim3A = arith.constant 0.000000e+00 : f32
    %broadcast_in_dim3A_1 = vector.broadcast %broadcast_in_dim3A : f32 to vector<16xf32>
    %broadcast_in_dim3A_2 = arith.constant -3.000000e+38 : f32
    %broadcast_in_dim3A_3 = vector.broadcast %broadcast_in_dim3A_2 : f32 to vector<16xf32>
    %broadcast_in_dim3A_4 = arith.constant 3.000000e+38 : f32
    %broadcast_in_dim3A_5 = vector.broadcast %broadcast_in_dim3A_4 : f32 to vector<16xf32>
    %broadcast_in_dim3A_6 = arith.constant 1.000000e+00 : f32
    %broadcast_in_dim3A_7 = vector.broadcast %broadcast_in_dim3A_6 : f32 to vector<16xf32>
    %sub3A = arith.constant 1 : i32
    %sub3A_8 = vector.broadcast %sub3A : i32 to vector<16xi32>
    %sub3A_9 = arith.subi %iota3A, %sub3A_8 : vector<16xi32>
    %max3A = arith.constant 0 : i32
    %max3A_10 = vector.broadcast %max3A : i32 to vector<16xi32>
    %max3A_11 = arith.maxsi %sub3A_9, %max3A_10 : vector<16xi32>
    %sub3A_12 = arith.constant 2 : i32
    %sub3A_13 = vector.broadcast %sub3A_12 : i32 to vector<16xi32>
    %sub3A_14 = arith.subi %iota3A, %sub3A_13 : vector<16xi32>
    %max3A_15 = arith.constant 0 : i32
    %max3A_16 = vector.broadcast %max3A_15 : i32 to vector<16xi32>
    %max3A_17 = arith.maxsi %sub3A_14, %max3A_16 : vector<16xi32>
    %sub3A_18 = arith.constant 4 : i32
    %sub3A_19 = vector.broadcast %sub3A_18 : i32 to vector<16xi32>
    %sub3A_20 = arith.subi %iota3A, %sub3A_19 : vector<16xi32>
    %max3A_21 = arith.constant 0 : i32
    %max3A_22 = vector.broadcast %max3A_21 : i32 to vector<16xi32>
    %max3A_23 = arith.maxsi %sub3A_20, %max3A_22 : vector<16xi32>
    %sub3A_24 = arith.constant 8 : i32
    %sub3A_25 = vector.broadcast %sub3A_24 : i32 to vector<16xi32>
    %sub3A_26 = arith.subi %iota3A, %sub3A_25 : vector<16xi32>
    %max3A_27 = arith.constant 0 : i32
    %max3A_28 = vector.broadcast %max3A_27 : i32 to vector<16xi32>
    %max3A_29 = arith.maxsi %sub3A_26, %max3A_28 : vector<16xi32>
    %ge3A = arith.constant 1 : i32
    %ge3A_30 = vector.broadcast %ge3A : i32 to vector<16xi32>
    %ge3A_31 = arith.cmpi sge, %iota3A, %ge3A_30 : vector<16xi32>
    %ge3A_32 = arith.constant 2 : i32
    %ge3A_33 = vector.broadcast %ge3A_32 : i32 to vector<16xi32>
    %ge3A_34 = arith.cmpi sge, %iota3A, %ge3A_33 : vector<16xi32>
    %ge3A_35 = arith.constant 4 : i32
    %ge3A_36 = vector.broadcast %ge3A_35 : i32 to vector<16xi32>
    %ge3A_37 = arith.cmpi sge, %iota3A, %ge3A_36 : vector<16xi32>
    %ge3A_38 = arith.constant 8 : i32
    %ge3A_39 = vector.broadcast %ge3A_38 : i32 to vector<16xi32>
    %ge3A_40 = arith.cmpi sge, %iota3A, %ge3A_39 : vector<16xi32>
    %add3A_41 = arith.constant 1 : i32
    %add3A_42 = vector.broadcast %add3A_41 : i32 to vector<16xi32>
    %add3A_43 = arith.addi %iota3A, %add3A_42 : vector<16xi32>
    %min3A = arith.constant 15 : i32
    %min3A_44 = vector.broadcast %min3A : i32 to vector<16xi32>
    %min3A_45 = arith.minsi %add3A_43, %min3A_44 : vector<16xi32>
    %eq3A = arith.constant 15 : i32
    %eq3A_46 = vector.broadcast %eq3A : i32 to vector<16xi32>
    %eq3A_47 = arith.cmpi eq, %iota3A, %eq3A_46 : vector<16xi32>
    %scan3A = arith.constant 0 : i32
    %scan3A_48 = arith.constant 640 : i32
    %scan3A_49 = arith.addi %scan3A, %scan3A_48 : i32
    %scan3A_50 = arith.constant 1 : i32
    scf.for %scan3A_124 = %scan3A to %scan3A_49 step %scan3A_50  : i32 {
      %mul3A_125 = arith.constant 16 : i32
      %mul3A_126 = arith.muli %scan3A_124, %mul3A_125 : i32
      %add3A_127 = arith.constant 0 : i32
      %add3A_128 = arith.addi %add3A_127, %mul3A_126 : i32
      %swap3A = arith.index_cast %add3A_128 : i32 to index
      %swap3A_129 = tpu.vector_load %arg20[%swap3A] {strides = array<i32>} : memref<10240xf32, #tpu.memory_space<vmem>>, vector<16xf32>,
      tpu.vector_store %arg20[%swap3A], %broadcast_in_dim3A_1 {strides = array<i32>} : memref<10240xf32, #tpu.memory_space<vmem>>, vector<16xf32>,
    }
    %scan3A_51 = arith.constant 640 : i32
    %mul3A_52 = arith.constant 2 : i32
    %mul3A_53 = arith.muli %mul3A_52, %add3A : i32
    %add3A_54 = arith.constant 0 : i32
    %add3A_55 = arith.addi %add3A_54, %mul3A_53 : i32
    %scan3A_56 = arith.constant 0 : i32
    %scan3A_57 = arith.constant 640 : i32
    %scan3A_58 = arith.addi %scan3A_56, %scan3A_57 : i32
    %scan3A_59 = arith.constant 1 : i32
    scf.for %scan3A_124 = %scan3A_56 to %scan3A_58 step %scan3A_59  : i32 {
      %mul3A_125 = arith.constant 16 : i32
      %mul3A_126 = arith.muli %scan3A_124, %mul3A_125 : i32
      %add3A_127 = arith.constant 0 : i32
      %add3A_128 = arith.addi %add3A_127, %mul3A_126 : i32
      %swap3A = arith.index_cast %add3A_128 : i32 to index
      %swap3A_129 = tpu.vector_load %arg12[%swap3A] {strides = array<i32>} : memref<10240xf32, #tpu.memory_space<vmem>>, vector<16xf32>,
      tpu.vector_store %arg12[%swap3A], %broadcast_in_dim3A_1 {strides = array<i32>} : memref<10240xf32, #tpu.memory_space<vmem>>, vector<16xf32>,
      %swap3A_130 = arith.index_cast %add3A_128 : i32 to index
      %swap3A_131 = tpu.vector_load %arg13[%swap3A_130] {strides = array<i32>} : memref<10240xf32, #tpu.memory_space<vmem>>, vector<16xf32>,
      tpu.vector_store %arg13[%swap3A_130], %broadcast_in_dim3A_1 {strides = array<i32>} : memref<10240xf32, #tpu.memory_space<vmem>>, vector<16xf32>,
      %swap3A_132 = arith.index_cast %add3A_128 : i32 to index
      %swap3A_133 = tpu.vector_load %arg14[%swap3A_132] {strides = array<i32>} : memref<10240xf32, #tpu.memory_space<vmem>>, vector<16xf32>,
      tpu.vector_store %arg14[%swap3A_132], %broadcast_in_dim3A_1 {strides = array<i32>} : memref<10240xf32, #tpu.memory_space<vmem>>, vector<16xf32>,
      %swap3A_134 = arith.index_cast %add3A_128 : i32 to index
      %swap3A_135 = tpu.vector_load %arg15[%swap3A_134] {strides = array<i32>} : memref<10240xf32, #tpu.memory_space<vmem>>, vector<16xf32>,
      tpu.vector_store %arg15[%swap3A_134], %broadcast_in_dim3A_1 {strides = array<i32>} : memref<10240xf32, #tpu.memory_space<vmem>>, vector<16xf32>,
      %swap3A_136 = arith.index_cast %add3A_128 : i32 to index
      %swap3A_137 = tpu.vector_load %arg16[%swap3A_136] {strides = array<i32>} : memref<10240xf32, #tpu.memory_space<vmem>>, vector<16xf32>,
      tpu.vector_store %arg16[%swap3A_136], %broadcast_in_dim3A_3 {strides = array<i32>} : memref<10240xf32, #tpu.memory_space<vmem>>, vector<16xf32>,
      %swap3A_138 = arith.index_cast %add3A_128 : i32 to index
      %swap3A_139 = tpu.vector_load %arg17[%swap3A_138] {strides = array<i32>} : memref<10240xf32, #tpu.memory_space<vmem>>, vector<16xf32>,
      tpu.vector_store %arg17[%swap3A_138], %broadcast_in_dim3A_3 {strides = array<i32>} : memref<10240xf32, #tpu.memory_space<vmem>>, vector<16xf32>,
      %swap3A_140 = arith.index_cast %add3A_128 : i32 to index
      %swap3A_141 = tpu.vector_load %arg18[%swap3A_140] {strides = array<i32>} : memref<10240xf32, #tpu.memory_space<vmem>>, vector<16xf32>,
      tpu.vector_store %arg18[%swap3A_140], %broadcast_in_dim3A_5 {strides = array<i32>} : memref<10240xf32, #tpu.memory_space<vmem>>, vector<16xf32>,
      %swap3A_142 = arith.index_cast %add3A_128 : i32 to index
      %swap3A_143 = tpu.vector_load %arg19[%swap3A_142] {strides = array<i32>} : memref<10240xf32, #tpu.memory_space<vmem>>, vector<16xf32>,
      tpu.vector_store %arg19[%swap3A_142], %broadcast_in_dim3A_5 {strides = array<i32>} : memref<10240xf32, #tpu.memory_space<vmem>>, vector<16xf32>,
    }
    %scan3A_60 = arith.constant 640 : i32
    "tpu.region"() ({
      %run_scoped3A = tpu.sem_alloc : memref<!tpu.dma_semaphore, #tpu.memory_space<semaphore_mem>>
      %dma_start3A_124 = arith.constant 0 : i32
      %dma_start3A_125 = tpu.memref_slice %arg2[%add3A_55, %dma_start3A_124] : memref<128x10240xf32, #tpu.memory_space<hbm>> -> memref<1x10240xf32, #tpu.memory_space<hbm>>
      %dma_start3A_126 = tpu.memref_squeeze %dma_start3A_125 : memref<1x10240xf32, #tpu.memory_space<hbm>> -> memref<10240xf32, #tpu.memory_space<hbm>>
      %dma_start3A_127 = arith.constant 0 : i32
      %dma_start3A_128 = tpu.memref_slice %arg2[%add3A_55, %dma_start3A_127] : memref<128x10240xf32, #tpu.memory_space<hbm>> -> memref<1x10240xf32, #tpu.memory_space<hbm>>
      %dma_start3A_129 = tpu.memref_squeeze %dma_start3A_128 : memref<1x10240xf32, #tpu.memory_space<hbm>> -> memref<10240xf32, #tpu.memory_space<hbm>>
      tpu.enqueue_dma source(%dma_start3A_129 : memref<10240xf32, #tpu.memory_space<hbm>>) target(%arg10 : memref<10240xf32, #tpu.memory_space<vmem>>) target_semaphore(%run_scoped3A : memref<!tpu.dma_semaphore, #tpu.memory_space<semaphore_mem>>)
      %dma_wait3A = arith.constant 0 : i32
      %dma_wait3A_130 = tpu.memref_slice %arg2[%add3A_55, %dma_wait3A] : memref<128x10240xf32, #tpu.memory_space<hbm>> -> memref<1x10240xf32, #tpu.memory_space<hbm>>
      %dma_wait3A_131 = tpu.memref_squeeze %dma_wait3A_130 : memref<1x10240xf32, #tpu.memory_space<hbm>> -> memref<10240xf32, #tpu.memory_space<hbm>>
      %dma_wait3A_132 = arith.constant 0 : i32
      %dma_wait3A_133 = tpu.memref_slice %arg2[%add3A_55, %dma_wait3A_132] : memref<128x10240xf32, #tpu.memory_space<hbm>> -> memref<1x10240xf32, #tpu.memory_space<hbm>>
      %dma_wait3A_134 = tpu.memref_squeeze %dma_wait3A_133 : memref<1x10240xf32, #tpu.memory_space<hbm>> -> memref<10240xf32, #tpu.memory_space<hbm>>
      tpu.wait_dma2 semaphore(%run_scoped3A : memref<!tpu.dma_semaphore, #tpu.memory_space<semaphore_mem>>) src(%dma_wait3A_134 : memref<10240xf32, #tpu.memory_space<hbm>>) dst(%arg10 : memref<10240xf32, #tpu.memory_space<vmem>>)
      tpu.yield
    }) : () -> ()
    %add3A_61 = arith.constant 1 : i32
    %add3A_62 = arith.addi %add3A_55, %add3A_61 : i32
    "tpu.region"() ({
      %run_scoped3A = tpu.sem_alloc : memref<!tpu.dma_semaphore, #tpu.memory_space<semaphore_mem>>
      %dma_start3A_124 = arith.constant 0 : i32
      %dma_start3A_125 = tpu.memref_slice %arg2[%add3A_62, %dma_start3A_124] : memref<128x10240xf32, #tpu.memory_space<hbm>> -> memref<1x10240xf32, #tpu.memory_space<hbm>>
      %dma_start3A_126 = tpu.memref_squeeze %dma_start3A_125 : memref<1x10240xf32, #tpu.memory_space<hbm>> -> memref<10240xf32, #tpu.memory_space<hbm>>
      %dma_start3A_127 = arith.constant 0 : i32
      %dma_start3A_128 = tpu.memref_slice %arg2[%add3A_62, %dma_start3A_127] : memref<128x10240xf32, #tpu.memory_space<hbm>> -> memref<1x10240xf32, #tpu.memory_space<hbm>>
      %dma_start3A_129 = tpu.memref_squeeze %dma_start3A_128 : memref<1x10240xf32, #tpu.memory_space<hbm>> -> memref<10240xf32, #tpu.memory_space<hbm>>
      tpu.enqueue_dma source(%dma_start3A_129 : memref<10240xf32, #tpu.memory_space<hbm>>) target(%arg11 : memref<10240xf32, #tpu.memory_space<vmem>>) target_semaphore(%run_scoped3A : memref<!tpu.dma_semaphore, #tpu.memory_space<semaphore_mem>>)
      %dma_wait3A = arith.constant 0 : i32
      %dma_wait3A_130 = tpu.memref_slice %arg2[%add3A_62, %dma_wait3A] : memref<128x10240xf32, #tpu.memory_space<hbm>> -> memref<1x10240xf32, #tpu.memory_space<hbm>>
      %dma_wait3A_131 = tpu.memref_squeeze %dma_wait3A_130 : memref<1x10240xf32, #tpu.memory_space<hbm>> -> memref<10240xf32, #tpu.memory_space<hbm>>
      %dma_wait3A_132 = arith.constant 0 : i32
      %dma_wait3A_133 = tpu.memref_slice %arg2[%add3A_62, %dma_wait3A_132] : memref<128x10240xf32, #tpu.memory_space<hbm>> -> memref<1x10240xf32, #tpu.memory_space<hbm>>
      %dma_wait3A_134 = tpu.memref_squeeze %dma_wait3A_133 : memref<1x10240xf32, #tpu.memory_space<hbm>> -> memref<10240xf32, #tpu.memory_space<hbm>>
      tpu.wait_dma2 semaphore(%run_scoped3A : memref<!tpu.dma_semaphore, #tpu.memory_space<semaphore_mem>>) src(%dma_wait3A_134 : memref<10240xf32, #tpu.memory_space<hbm>>) dst(%arg11 : memref<10240xf32, #tpu.memory_space<vmem>>)
      tpu.yield
    }) : () -> ()
    %dma_start3A = arith.constant 0 : i32
    %dma_start3A_63 = tpu.memref_slice %arg4[%dma_start3A] : memref<320000xi32, #tpu.memory_space<hbm>> -> memref<3200xi32, #tpu.memory_space<hbm>>
    %dma_start3A_64 = arith.constant 0 : i32
    %dma_start3A_65 = tpu.memref_slice %arg4[%dma_start3A_64] : memref<320000xi32, #tpu.memory_space<hbm>> -> memref<3200xi32, #tpu.memory_space<hbm>>
    tpu.enqueue_dma source(%dma_start3A_65 : memref<3200xi32, #tpu.memory_space<hbm>>) target(%arg21 : memref<3200xi32, #tpu.memory_space<vmem>>) target_semaphore(%arg25 : memref<!tpu.dma_semaphore, #tpu.memory_space<semaphore_mem>>)
    %dma_start3A_66 = arith.constant 0 : i32
    %dma_start3A_67 = tpu.memref_slice %arg3[%dma_start3A_66] : memref<320000xi32, #tpu.memory_space<hbm>> -> memref<3200xi32, #tpu.memory_space<hbm>>
    %dma_start3A_68 = arith.constant 0 : i32
    %dma_start3A_69 = tpu.memref_slice %arg3[%dma_start3A_68] : memref<320000xi32, #tpu.memory_space<hbm>> -> memref<3200xi32, #tpu.memory_space<hbm>>
    tpu.enqueue_dma source(%dma_start3A_69 : memref<3200xi32, #tpu.memory_space<hbm>>) target(%arg22 : memref<3200xi32, #tpu.memory_space<vmem>>) target_semaphore(%arg25 : memref<!tpu.dma_semaphore, #tpu.memory_space<semaphore_mem>>)
    %scan3A_70 = arith.constant 0 : i32
    %scan3A_71 = arith.constant 50 : i32
    %scan3A_72 = arith.addi %scan3A_70, %scan3A_71 : i32
    %scan3A_73 = arith.constant 1 : i32
    scf.for %scan3A_124 = %scan3A_70 to %scan3A_72 step %scan3A_73  : i32 {
      %mul3A_125 = arith.constant 6400 : i32
      %mul3A_126 = arith.muli %scan3A_124, %mul3A_125 : i32
      %add3A_127 = arith.constant 0 : i32
      %add3A_128 = arith.addi %add3A_127, %mul3A_126 : i32
      %add3A_129 = arith.constant 0 : i32
      %add3A_130 = arith.addi %add3A_128, %add3A_129 : i32
      %add3A_131 = arith.constant 3200 : i32
      %add3A_132 = arith.addi %add3A_130, %add3A_131 : i32
      %lt3A_133 = arith.constant 320000 : i32
      %lt3A_134 = arith.cmpi slt, %add3A_132, %lt3A_133 : i32
      %convert_element_type3A_135 = arith.extui %lt3A_134 : i1 to i32
      %cond3A_136 = arith.constant 0 : i32
      %cond3A_137 = arith.cmpi ne, %convert_element_type3A_135, %cond3A_136 : i32
      scf.if %cond3A_137 {
        %dma_start3A_164 = tpu.memref_slice %arg4[%add3A_132] : memref<320000xi32, #tpu.memory_space<hbm>> -> memref<3200xi32, #tpu.memory_space<hbm>>
        %dma_start3A_165 = tpu.memref_slice %arg4[%add3A_132] : memref<320000xi32, #tpu.memory_space<hbm>> -> memref<3200xi32, #tpu.memory_space<hbm>>
        tpu.enqueue_dma source(%dma_start3A_165 : memref<3200xi32, #tpu.memory_space<hbm>>) target(%arg23 : memref<3200xi32, #tpu.memory_space<vmem>>) target_semaphore(%arg26 : memref<!tpu.dma_semaphore, #tpu.memory_space<semaphore_mem>>)
        %dma_start3A_166 = tpu.memref_slice %arg3[%add3A_132] : memref<320000xi32, #tpu.memory_space<hbm>> -> memref<3200xi32, #tpu.memory_space<hbm>>
        %dma_start3A_167 = tpu.memref_slice %arg3[%add3A_132] : memref<320000xi32, #tpu.memory_space<hbm>> -> memref<3200xi32, #tpu.memory_space<hbm>>
        tpu.enqueue_dma source(%dma_start3A_167 : memref<3200xi32, #tpu.memory_space<hbm>>) target(%arg24 : memref<3200xi32, #tpu.memory_space<vmem>>) target_semaphore(%arg26 : memref<!tpu.dma_semaphore, #tpu.memory_space<semaphore_mem>>)
      } else {
      }
      %dma_wait3A = tpu.memref_slice %arg4[%add3A_130] : memref<320000xi32, #tpu.memory_space<hbm>> -> memref<3200xi32, #tpu.memory_space<hbm>>
      %dma_wait3A_138 = tpu.memref_slice %arg4[%add3A_130] : memref<320000xi32, #tpu.memory_space<hbm>> -> memref<3200xi32, #tpu.memory_space<hbm>>
      tpu.wait_dma2 semaphore(%arg25 : memref<!tpu.dma_semaphore, #tpu.memory_space<semaphore_mem>>) src(%dma_wait3A_138 : memref<3200xi32, #tpu.memory_space<hbm>>) dst(%arg21 : memref<3200xi32, #tpu.memory_space<vmem>>)
      %dma_wait3A_139 = tpu.memref_slice %arg3[%add3A_130] : memref<320000xi32, #tpu.memory_space<hbm>> -> memref<3200xi32, #tpu.memory_space<hbm>>
      %dma_wait3A_140 = tpu.memref_slice %arg3[%add3A_130] : memref<320000xi32, #tpu.memory_space<hbm>> -> memref<3200xi32, #tpu.memory_space<hbm>>
      tpu.wait_dma2 semaphore(%arg25 : memref<!tpu.dma_semaphore, #tpu.memory_space<semaphore_mem>>) src(%dma_wait3A_140 : memref<3200xi32, #tpu.memory_space<hbm>>) dst(%arg22 : memref<3200xi32, #tpu.memory_space<vmem>>)
      %scan3A_141 = arith.constant 0 : i32
      %scan3A_142 = arith.constant 100 : i32
      %scan3A_143 = arith.addi %scan3A_141, %scan3A_142 : i32
      %scan3A_144 = arith.constant 1 : i32
      scf.for %scan3A_164 = %scan3A_141 to %scan3A_143 step %scan3A_144  : i32 {
        %mul3A_165 = arith.constant 32 : i32
        %mul3A_166 = arith.muli %scan3A_164, %mul3A_165 : i32
        %add3A_167 = arith.constant 0 : i32
        %add3A_168 = arith.addi %add3A_167, %mul3A_166 : i32
        %get3A = arith.index_cast %add3A_168 : i32 to index
        %get3A_169 = tpu.vector_load %arg21[%get3A] {strides = array<i32>} : memref<3200xi32, #tpu.memory_space<vmem>>, vector<16xi32>,
        %get3A_170 = arith.index_cast %add3A_168 : i32 to index
        %get3A_171 = tpu.vector_load %arg22[%get3A_170] {strides = array<i32>} : memref<3200xi32, #tpu.memory_space<vmem>>, vector<16xi32>,
        %add3A_172 = arith.constant 16 : i32
        %add3A_173 = arith.addi %add3A_168, %add3A_172 : i32
        %get3A_174 = arith.index_cast %add3A_173 : i32 to index
        %get3A_175 = tpu.vector_load %arg21[%get3A_174] {strides = array<i32>} : memref<3200xi32, #tpu.memory_space<vmem>>, vector<16xi32>,
        %add3A_176 = arith.constant 16 : i32
        %add3A_177 = arith.addi %add3A_168, %add3A_176 : i32
        %get3A_178 = arith.index_cast %add3A_177 : i32 to index
        %get3A_179 = tpu.vector_load %arg22[%get3A_178] {strides = array<i32>} : memref<3200xi32, #tpu.memory_space<vmem>>, vector<16xi32>,
        %eq3A_180 = arith.constant 0 : i32
        %eq3A_181 = arith.cmpi eq, %add3A, %eq3A_180 : i32
        %convert_element_type3A_182 = arith.extui %eq3A_181 : i1 to i32
        %cond3A_183 = arith.constant 0 : i32
        %cond3A_184 = arith.cmpi ne, %convert_element_type3A_182, %cond3A_183 : i32
        scf.if %cond3A_184 {
          tpu.vector_store_idx %arg20[%get3A_169], %broadcast_in_dim3A_7 {add = true} : memref<10240xf32, #tpu.memory_space<vmem>>[vector<16xi32>], vector<16xf32>,
          tpu.vector_store_idx %arg20[%get3A_175], %broadcast_in_dim3A_7 {add = true} : memref<10240xf32, #tpu.memory_space<vmem>>[vector<16xi32>], vector<16xf32>,
        } else {
        }
        %broadcast_in_dim3A_185 = arith.constant true
        %broadcast_in_dim3A_186 = vector.broadcast %broadcast_in_dim3A_185 : i1 to vector<16xi1>
        %unique3A, %unique3A_187 = tpu.scan_count mask(%broadcast_in_dim3A_186 : vector<16xi1>) value(%get3A_169 : vector<16xi32>) : vector<16xi1>, vector<16xi32>
        %broadcast_in_dim3A_188 = arith.constant true
        %broadcast_in_dim3A_189 = vector.broadcast %broadcast_in_dim3A_188 : i1 to vector<16xi1>
        %unique3A_190, %unique3A_191 = tpu.scan_count mask(%broadcast_in_dim3A_189 : vector<16xi1>) value(%get3A_175 : vector<16xi32>) : vector<16xi1>, vector<16xi32>
        %max3A_192 = arith.maxsi %unique3A_187, %unique3A_191 : vector<16xi32>
        %reduce_max3A = arith.constant true
        %reduce_max3A_193 = vector.broadcast %reduce_max3A : i1 to vector<16xi1>
        %reduce_max3A_194 = arith.constant -2147483648 : i32
        %reduce_max3A_195 = vector.broadcast %reduce_max3A_194 : i32 to vector<16xi32>
        %reduce_max3A_196 = arith.xori %max3A_192, %reduce_max3A_195 : vector<16xi32>
        %reduce_max3A_197 = tpu.scan <max>, %reduce_max3A_196 masked %reduce_max3A_193 : vector<16xi32>, vector<16xi1> -> vector<16xi32>
        %reduce_max3A_198 = arith.xori %reduce_max3A_197, %reduce_max3A_195 : vector<16xi32>
        %reduce_max3A_199 = vector.extract %reduce_max3A_198[15] : i32 from vector<16xi32>
        %gt3A = arith.constant 1 : i32
        %gt3A_200 = arith.cmpi sgt, %reduce_max3A_199, %gt3A : i32
        %not3A = arith.constant true
        %not3A_201 = arith.xori %gt3A_200, %not3A : i1
        %convert_element_type3A_202 = arith.extui %not3A_201 : i1 to i32
        %cond3A_203 = arith.constant 0 : i32
        %cond3A_204 = arith.cmpi ne, %convert_element_type3A_202, %cond3A_203 : i32
        scf.if %cond3A_204 {
          %gather3A = tpu.vector_load_idx %arg10[%get3A_171] : memref<10240xf32, #tpu.memory_space<vmem>>[vector<16xi32>], vector<16xf32>,
          tpu.vector_store_idx %arg12[%get3A_169], %gather3A {add = true} : memref<10240xf32, #tpu.memory_space<vmem>>[vector<16xi32>], vector<16xf32>,
          %mul3A_208 = arith.mulf %gather3A, %gather3A : vector<16xf32>
          tpu.vector_store_idx %arg14[%get3A_169], %mul3A_208 {add = true} : memref<10240xf32, #tpu.memory_space<vmem>>[vector<16xi32>], vector<16xf32>,
          %gather3A_209 = tpu.vector_load_idx %arg16[%get3A_169] : memref<10240xf32, #tpu.memory_space<vmem>>[vector<16xi32>], vector<16xf32>,
          %max3A_210 = arith.maximumf %gather3A_209, %gather3A : vector<16xf32>
          tpu.vector_store_idx %arg16[%get3A_169], %max3A_210 : memref<10240xf32, #tpu.memory_space<vmem>>[vector<16xi32>], vector<16xf32>,
          %gather3A_211 = tpu.vector_load_idx %arg18[%get3A_169] : memref<10240xf32, #tpu.memory_space<vmem>>[vector<16xi32>], vector<16xf32>,
          %min3A_212 = arith.minimumf %gather3A_211, %gather3A : vector<16xf32>
          tpu.vector_store_idx %arg18[%get3A_169], %min3A_212 : memref<10240xf32, #tpu.memory_space<vmem>>[vector<16xi32>], vector<16xf32>,
          %gather3A_213 = tpu.vector_load_idx %arg11[%get3A_171] : memref<10240xf32, #tpu.memory_space<vmem>>[vector<16xi32>], vector<16xf32>,
          tpu.vector_store_idx %arg13[%get3A_169], %gather3A_213 {add = true} : memref<10240xf32, #tpu.memory_space<vmem>>[vector<16xi32>], vector<16xf32>,
          %mul3A_214 = arith.mulf %gather3A_213, %gather3A_213 : vector<16xf32>
          tpu.vector_store_idx %arg15[%get3A_169], %mul3A_214 {add = true} : memref<10240xf32, #tpu.memory_space<vmem>>[vector<16xi32>], vector<16xf32>,
          %gather3A_215 = tpu.vector_load_idx %arg17[%get3A_169] : memref<10240xf32, #tpu.memory_space<vmem>>[vector<16xi32>], vector<16xf32>,
          %max3A_216 = arith.maximumf %gather3A_215, %gather3A_213 : vector<16xf32>
          tpu.vector_store_idx %arg17[%get3A_169], %max3A_216 : memref<10240xf32, #tpu.memory_space<vmem>>[vector<16xi32>], vector<16xf32>,
          %gather3A_217 = tpu.vector_load_idx %arg19[%get3A_169] : memref<10240xf32, #tpu.memory_space<vmem>>[vector<16xi32>], vector<16xf32>,
          %min3A_218 = arith.minimumf %gather3A_217, %gather3A_213 : vector<16xf32>
          tpu.vector_store_idx %arg19[%get3A_169], %min3A_218 : memref<10240xf32, #tpu.memory_space<vmem>>[vector<16xi32>], vector<16xf32>,
          %gather3A_219 = tpu.vector_load_idx %arg10[%get3A_179] : memref<10240xf32, #tpu.memory_space<vmem>>[vector<16xi32>], vector<16xf32>,
          tpu.vector_store_idx %arg12[%get3A_175], %gather3A_219 {add = true} : memref<10240xf32, #tpu.memory_space<vmem>>[vector<16xi32>], vector<16xf32>,
          %mul3A_220 = arith.mulf %gather3A_219, %gather3A_219 : vector<16xf32>
          tpu.vector_store_idx %arg14[%get3A_175], %mul3A_220 {add = true} : memref<10240xf32, #tpu.memory_space<vmem>>[vector<16xi32>], vector<16xf32>,
          %gather3A_221 = tpu.vector_load_idx %arg16[%get3A_175] : memref<10240xf32, #tpu.memory_space<vmem>>[vector<16xi32>], vector<16xf32>,
          %max3A_222 = arith.maximumf %gather3A_221, %gather3A_219 : vector<16xf32>
          tpu.vector_store_idx %arg16[%get3A_175], %max3A_222 : memref<10240xf32, #tpu.memory_space<vmem>>[vector<16xi32>], vector<16xf32>,
          %gather3A_223 = tpu.vector_load_idx %arg18[%get3A_175] : memref<10240xf32, #tpu.memory_space<vmem>>[vector<16xi32>], vector<16xf32>,
          %min3A_224 = arith.minimumf %gather3A_223, %gather3A_219 : vector<16xf32>
          tpu.vector_store_idx %arg18[%get3A_175], %min3A_224 : memref<10240xf32, #tpu.memory_space<vmem>>[vector<16xi32>], vector<16xf32>,
          %gather3A_225 = tpu.vector_load_idx %arg11[%get3A_179] : memref<10240xf32, #tpu.memory_space<vmem>>[vector<16xi32>], vector<16xf32>,
          tpu.vector_store_idx %arg13[%get3A_175], %gather3A_225 {add = true} : memref<10240xf32, #tpu.memory_space<vmem>>[vector<16xi32>], vector<16xf32>,
          %mul3A_226 = arith.mulf %gather3A_225, %gather3A_225 : vector<16xf32>
          tpu.vector_store_idx %arg15[%get3A_175], %mul3A_226 {add = true} : memref<10240xf32, #tpu.memory_space<vmem>>[vector<16xi32>], vector<16xf32>,
          %gather3A_227 = tpu.vector_load_idx %arg17[%get3A_175] : memref<10240xf32, #tpu.memory_space<vmem>>[vector<16xi32>], vector<16xf32>,
          %max3A_228 = arith.maximumf %gather3A_227, %gather3A_225 : vector<16xf32>
          tpu.vector_store_idx %arg17[%get3A_175], %max3A_228 : memref<10240xf32, #tpu.memory_space<vmem>>[vector<16xi32>], vector<16xf32>,
          %gather3A_229 = tpu.vector_load_idx %arg19[%get3A_175] : memref<10240xf32, #tpu.memory_space<vmem>>[vector<16xi32>], vector<16xf32>,
          %min3A_230 = arith.minimumf %gather3A_229, %gather3A_225 : vector<16xf32>
          tpu.vector_store_idx %arg19[%get3A_175], %min3A_230 : memref<10240xf32, #tpu.memory_space<vmem>>[vector<16xi32>], vector<16xf32>,
        } else {
        }
        %convert_element_type3A_205 = arith.extui %gt3A_200 : i1 to i32
        %cond3A_206 = arith.constant 0 : i32
        %cond3A_207 = arith.cmpi ne, %convert_element_type3A_205, %cond3A_206 : i32
        scf.if %cond3A_207 {
          %masked_sort3A = arith.constant dense<true> : vector<16xi1>
          %masked_sort3A_208 = arith.constant -2147483648 : i32
          %masked_sort3A_209 = vector.broadcast %masked_sort3A_208 : i32 to vector<16xi32>
          %masked_sort3A_210 = arith.xori %get3A_169, %masked_sort3A_209 : vector<16xi32>
          %masked_sort3A_211, %masked_sort3A_212, %masked_sort3A_213 = tpu.sort %masked_sort3A_210, %get3A_171 masked %masked_sort3A : (vector<16xi32>, vector<16xi32>, vector<16xi1>) -> (vector<16xi1>, vector<16xi32>, vector<16xi32>)
          %masked_sort3A_214 = arith.xori %masked_sort3A_212, %masked_sort3A_209 : vector<16xi32>
          %broadcast_in_dim3A_215 = vector.shape_cast %max3A_11 : vector<16xi32> to vector<16x1xi32>
          %gather3A = vector.shape_cast %broadcast_in_dim3A_215 : vector<16x1xi32> to vector<16xi32>
          %gather3A_216 = tpu.dynamic_gather %masked_sort3A_214[%gather3A] in [0] : vector<16xi32>, vector<16xi32> -> vector<16xi32>
          %eq3A_217 = arith.cmpi eq, %masked_sort3A_214, %gather3A_216 : vector<16xi32>
          %and3A_218 = arith.andi %ge3A_31, %eq3A_217 : vector<16xi1>
          %select_n3A = arith.select %and3A_218, %max3A_11, %iota3A : vector<16xi1>, vector<16xi32>
          %broadcast_in_dim3A_219 = vector.shape_cast %max3A_17 : vector<16xi32> to vector<16x1xi32>
          %gather3A_220 = vector.shape_cast %broadcast_in_dim3A_219 : vector<16x1xi32> to vector<16xi32>
          %gather3A_221 = tpu.dynamic_gather %masked_sort3A_214[%gather3A_220] in [0] : vector<16xi32>, vector<16xi32> -> vector<16xi32>
          %eq3A_222 = arith.cmpi eq, %masked_sort3A_214, %gather3A_221 : vector<16xi32>
          %and3A_223 = arith.andi %ge3A_34, %eq3A_222 : vector<16xi1>
          %select_n3A_224 = arith.select %and3A_223, %max3A_17, %iota3A : vector<16xi1>, vector<16xi32>
          %broadcast_in_dim3A_225 = vector.shape_cast %max3A_23 : vector<16xi32> to vector<16x1xi32>
          %gather3A_226 = vector.shape_cast %broadcast_in_dim3A_225 : vector<16x1xi32> to vector<16xi32>
          %gather3A_227 = tpu.dynamic_gather %masked_sort3A_214[%gather3A_226] in [0] : vector<16xi32>, vector<16xi32> -> vector<16xi32>
          %eq3A_228 = arith.cmpi eq, %masked_sort3A_214, %gather3A_227 : vector<16xi32>
          %and3A_229 = arith.andi %ge3A_37, %eq3A_228 : vector<16xi1>
          %select_n3A_230 = arith.select %and3A_229, %max3A_23, %iota3A : vector<16xi1>, vector<16xi32>
          %broadcast_in_dim3A_231 = vector.shape_cast %max3A_29 : vector<16xi32> to vector<16x1xi32>
          %gather3A_232 = vector.shape_cast %broadcast_in_dim3A_231 : vector<16x1xi32> to vector<16xi32>
          %gather3A_233 = tpu.dynamic_gather %masked_sort3A_214[%gather3A_232] in [0] : vector<16xi32>, vector<16xi32> -> vector<16xi32>
          %eq3A_234 = arith.cmpi eq, %masked_sort3A_214, %gather3A_233 : vector<16xi32>
          %and3A_235 = arith.andi %ge3A_40, %eq3A_234 : vector<16xi1>
          %select_n3A_236 = arith.select %and3A_235, %max3A_29, %iota3A : vector<16xi1>, vector<16xi32>
          %broadcast_in_dim3A_237 = vector.shape_cast %min3A_45 : vector<16xi32> to vector<16x1xi32>
          %gather3A_238 = vector.shape_cast %broadcast_in_dim3A_237 : vector<16x1xi32> to vector<16xi32>
          %gather3A_239 = tpu.dynamic_gather %masked_sort3A_214[%gather3A_238] in [0] : vector<16xi32>, vector<16xi32> -> vector<16xi32>
          %ne3A = arith.cmpi ne, %masked_sort3A_214, %gather3A_239 : vector<16xi32>
          %or3A = arith.ori %ne3A, %eq3A_47 : vector<16xi1>
          %gather3A_240 = tpu.vector_load_idx %arg10[%masked_sort3A_213] : memref<10240xf32, #tpu.memory_space<vmem>>[vector<16xi32>], vector<16xf32>,
          tpu.vector_store_idx %arg12[%masked_sort3A_214], %gather3A_240 {add = true} : memref<10240xf32, #tpu.memory_space<vmem>>[vector<16xi32>], vector<16xf32>,
          %mul3A_241 = arith.mulf %gather3A_240, %gather3A_240 : vector<16xf32>
          tpu.vector_store_idx %arg14[%masked_sort3A_214], %mul3A_241 {add = true} : memref<10240xf32, #tpu.memory_space<vmem>>[vector<16xi32>], vector<16xf32>,
          %broadcast_in_dim3A_242 = vector.shape_cast %select_n3A : vector<16xi32> to vector<16x1xi32>
          %gather3A_243 = vector.shape_cast %broadcast_in_dim3A_242 : vector<16x1xi32> to vector<16xi32>
          %gather3A_244 = tpu.dynamic_gather %gather3A_240[%gather3A_243] in [0] : vector<16xf32>, vector<16xi32> -> vector<16xf32>
          %max3A_245 = arith.maximumf %gather3A_240, %gather3A_244 : vector<16xf32>
          %broadcast_in_dim3A_246 = vector.shape_cast %select_n3A : vector<16xi32> to vector<16x1xi32>
          %gather3A_247 = vector.shape_cast %broadcast_in_dim3A_246 : vector<16x1xi32> to vector<16xi32>
          %gather3A_248 = tpu.dynamic_gather %gather3A_240[%gather3A_247] in [0] : vector<16xf32>, vector<16xi32> -> vector<16xf32>
          %min3A_249 = arith.minimumf %gather3A_240, %gather3A_248 : vector<16xf32>
          %broadcast_in_dim3A_250 = vector.shape_cast %select_n3A_224 : vector<16xi32> to vector<16x1xi32>
          %gather3A_251 = vector.shape_cast %broadcast_in_dim3A_250 : vector<16x1xi32> to vector<16xi32>
          %gather3A_252 = tpu.dynamic_gather %max3A_245[%gather3A_251] in [0] : vector<16xf32>, vector<16xi32> -> vector<16xf32>
          %max3A_253 = arith.maximumf %max3A_245, %gather3A_252 : vector<16xf32>
          %broadcast_in_dim3A_254 = vector.shape_cast %select_n3A_224 : vector<16xi32> to vector<16x1xi32>
          %gather3A_255 = vector.shape_cast %broadcast_in_dim3A_254 : vector<16x1xi32> to vector<16xi32>
          %gather3A_256 = tpu.dynamic_gather %min3A_249[%gather3A_255] in [0] : vector<16xf32>, vector<16xi32> -> vector<16xf32>
          %min3A_257 = arith.minimumf %min3A_249, %gather3A_256 : vector<16xf32>
          %broadcast_in_dim3A_258 = vector.shape_cast %select_n3A_230 : vector<16xi32> to vector<16x1xi32>
          %gather3A_259 = vector.shape_cast %broadcast_in_dim3A_258 : vector<16x1xi32> to vector<16xi32>
          %gather3A_260 = tpu.dynamic_gather %max3A_253[%gather3A_259] in [0] : vector<16xf32>, vector<16xi32> -> vector<16xf32>
          %max3A_261 = arith.maximumf %max3A_253, %gather3A_260 : vector<16xf32>
          %broadcast_in_dim3A_262 = vector.shape_cast %select_n3A_230 : vector<16xi32> to vector<16x1xi32>
          %gather3A_263 = vector.shape_cast %broadcast_in_dim3A_262 : vector<16x1xi32> to vector<16xi32>
          %gather3A_264 = tpu.dynamic_gather %min3A_257[%gather3A_263] in [0] : vector<16xf32>, vector<16xi32> -> vector<16xf32>
          %min3A_265 = arith.minimumf %min3A_257, %gather3A_264 : vector<16xf32>
          %broadcast_in_dim3A_266 = vector.shape_cast %select_n3A_236 : vector<16xi32> to vector<16x1xi32>
          %gather3A_267 = vector.shape_cast %broadcast_in_dim3A_266 : vector<16x1xi32> to vector<16xi32>
          %gather3A_268 = tpu.dynamic_gather %max3A_261[%gather3A_267] in [0] : vector<16xf32>, vector<16xi32> -> vector<16xf32>
          %max3A_269 = arith.maximumf %max3A_261, %gather3A_268 : vector<16xf32>
          %broadcast_in_dim3A_270 = vector.shape_cast %select_n3A_236 : vector<16xi32> to vector<16x1xi32>
          %gather3A_271 = vector.shape_cast %broadcast_in_dim3A_270 : vector<16x1xi32> to vector<16xi32>
          %gather3A_272 = tpu.dynamic_gather %min3A_265[%gather3A_271] in [0] : vector<16xf32>, vector<16xi32> -> vector<16xf32>
          %min3A_273 = arith.minimumf %min3A_265, %gather3A_272 : vector<16xf32>
          %gather3A_274 = tpu.vector_load_idx %arg16[%masked_sort3A_214] masked %or3A : memref<10240xf32, #tpu.memory_space<vmem>>[vector<16xi32>], vector<16xf32>, vector<16xi1>
          %max3A_275 = arith.maximumf %gather3A_274, %max3A_269 : vector<16xf32>
          tpu.vector_store_idx %arg16[%masked_sort3A_214], %max3A_275 masked %or3A : memref<10240xf32, #tpu.memory_space<vmem>>[vector<16xi32>], vector<16xf32>, vector<16xi1>
          %gather3A_276 = tpu.vector_load_idx %arg18[%masked_sort3A_214] masked %or3A : memref<10240xf32, #tpu.memory_space<vmem>>[vector<16xi32>], vector<16xf32>, vector<16xi1>
          %min3A_277 = arith.minimumf %gather3A_276, %min3A_273 : vector<16xf32>
          tpu.vector_store_idx %arg18[%masked_sort3A_214], %min3A_277 masked %or3A : memref<10240xf32, #tpu.memory_space<vmem>>[vector<16xi32>], vector<16xf32>, vector<16xi1>
          %gather3A_278 = tpu.vector_load_idx %arg11[%masked_sort3A_213] : memref<10240xf32, #tpu.memory_space<vmem>>[vector<16xi32>], vector<16xf32>,
          tpu.vector_store_idx %arg13[%masked_sort3A_214], %gather3A_278 {add = true} : memref<10240xf32, #tpu.memory_space<vmem>>[vector<16xi32>], vector<16xf32>,
          %mul3A_279 = arith.mulf %gather3A_278, %gather3A_278 : vector<16xf32>
          tpu.vector_store_idx %arg15[%masked_sort3A_214], %mul3A_279 {add = true} : memref<10240xf32, #tpu.memory_space<vmem>>[vector<16xi32>], vector<16xf32>,
          %broadcast_in_dim3A_280 = vector.shape_cast %select_n3A : vector<16xi32> to vector<16x1xi32>
          %gather3A_281 = vector.shape_cast %broadcast_in_dim3A_280 : vector<16x1xi32> to vector<16xi32>
          %gather3A_282 = tpu.dynamic_gather %gather3A_278[%gather3A_281] in [0] : vector<16xf32>, vector<16xi32> -> vector<16xf32>
          %max3A_283 = arith.maximumf %gather3A_278, %gather3A_282 : vector<16xf32>
          %broadcast_in_dim3A_284 = vector.shape_cast %select_n3A : vector<16xi32> to vector<16x1xi32>
          %gather3A_285 = vector.shape_cast %broadcast_in_dim3A_284 : vector<16x1xi32> to vector<16xi32>
          %gather3A_286 = tpu.dynamic_gather %gather3A_278[%gather3A_285] in [0] : vector<16xf32>, vector<16xi32> -> vector<16xf32>
          %min3A_287 = arith.minimumf %gather3A_278, %gather3A_286 : vector<16xf32>
          %broadcast_in_dim3A_288 = vector.shape_cast %select_n3A_224 : vector<16xi32> to vector<16x1xi32>
          %gather3A_289 = vector.shape_cast %broadcast_in_dim3A_288 : vector<16x1xi32> to vector<16xi32>
          %gather3A_290 = tpu.dynamic_gather %max3A_283[%gather3A_289] in [0] : vector<16xf32>, vector<16xi32> -> vector<16xf32>
          %max3A_291 = arith.maximumf %max3A_283, %gather3A_290 : vector<16xf32>
          %broadcast_in_dim3A_292 = vector.shape_cast %select_n3A_224 : vector<16xi32> to vector<16x1xi32>
          %gather3A_293 = vector.shape_cast %broadcast_in_dim3A_292 : vector<16x1xi32> to vector<16xi32>
          %gather3A_294 = tpu.dynamic_gather %min3A_287[%gather3A_293] in [0] : vector<16xf32>, vector<16xi32> -> vector<16xf32>
          %min3A_295 = arith.minimumf %min3A_287, %gather3A_294 : vector<16xf32>
          %broadcast_in_dim3A_296 = vector.shape_cast %select_n3A_230 : vector<16xi32> to vector<16x1xi32>
          %gather3A_297 = vector.shape_cast %broadcast_in_dim3A_296 : vector<16x1xi32> to vector<16xi32>
          %gather3A_298 = tpu.dynamic_gather %max3A_291[%gather3A_297] in [0] : vector<16xf32>, vector<16xi32> -> vector<16xf32>
          %max3A_299 = arith.maximumf %max3A_291, %gather3A_298 : vector<16xf32>
          %broadcast_in_dim3A_300 = vector.shape_cast %select_n3A_230 : vector<16xi32> to vector<16x1xi32>
          %gather3A_301 = vector.shape_cast %broadcast_in_dim3A_300 : vector<16x1xi32> to vector<16xi32>
          %gather3A_302 = tpu.dynamic_gather %min3A_295[%gather3A_301] in [0] : vector<16xf32>, vector<16xi32> -> vector<16xf32>
          %min3A_303 = arith.minimumf %min3A_295, %gather3A_302 : vector<16xf32>
          %broadcast_in_dim3A_304 = vector.shape_cast %select_n3A_236 : vector<16xi32> to vector<16x1xi32>
          %gather3A_305 = vector.shape_cast %broadcast_in_dim3A_304 : vector<16x1xi32> to vector<16xi32>
          %gather3A_306 = tpu.dynamic_gather %max3A_299[%gather3A_305] in [0] : vector<16xf32>, vector<16xi32> -> vector<16xf32>
          %max3A_307 = arith.maximumf %max3A_299, %gather3A_306 : vector<16xf32>
          %broadcast_in_dim3A_308 = vector.shape_cast %select_n3A_236 : vector<16xi32> to vector<16x1xi32>
          %gather3A_309 = vector.shape_cast %broadcast_in_dim3A_308 : vector<16x1xi32> to vector<16xi32>
          %gather3A_310 = tpu.dynamic_gather %min3A_303[%gather3A_309] in [0] : vector<16xf32>, vector<16xi32> -> vector<16xf32>
          %min3A_311 = arith.minimumf %min3A_303, %gather3A_310 : vector<16xf32>
          %gather3A_312 = tpu.vector_load_idx %arg17[%masked_sort3A_214] masked %or3A : memref<10240xf32, #tpu.memory_space<vmem>>[vector<16xi32>], vector<16xf32>, vector<16xi1>
          %max3A_313 = arith.maximumf %gather3A_312, %max3A_307 : vector<16xf32>
          tpu.vector_store_idx %arg17[%masked_sort3A_214], %max3A_313 masked %or3A : memref<10240xf32, #tpu.memory_space<vmem>>[vector<16xi32>], vector<16xf32>, vector<16xi1>
          %gather3A_314 = tpu.vector_load_idx %arg19[%masked_sort3A_214] masked %or3A : memref<10240xf32, #tpu.memory_space<vmem>>[vector<16xi32>], vector<16xf32>, vector<16xi1>
          %min3A_315 = arith.minimumf %gather3A_314, %min3A_311 : vector<16xf32>
          tpu.vector_store_idx %arg19[%masked_sort3A_214], %min3A_315 masked %or3A : memref<10240xf32, #tpu.memory_space<vmem>>[vector<16xi32>], vector<16xf32>, vector<16xi1>
          %masked_sort3A_316 = arith.constant dense<true> : vector<16xi1>
          %masked_sort3A_317 = arith.constant -2147483648 : i32
          %masked_sort3A_318 = vector.broadcast %masked_sort3A_317 : i32 to vector<16xi32>
          %masked_sort3A_319 = arith.xori %get3A_175, %masked_sort3A_318 : vector<16xi32>
          %masked_sort3A_320, %masked_sort3A_321, %masked_sort3A_322 = tpu.sort %masked_sort3A_319, %get3A_179 masked %masked_sort3A_316 : (vector<16xi32>, vector<16xi32>, vector<16xi1>) -> (vector<16xi1>, vector<16xi32>, vector<16xi32>)
          %masked_sort3A_323 = arith.xori %masked_sort3A_321, %masked_sort3A_318 : vector<16xi32>
          %broadcast_in_dim3A_324 = vector.shape_cast %max3A_11 : vector<16xi32> to vector<16x1xi32>
          %gather3A_325 = vector.shape_cast %broadcast_in_dim3A_324 : vector<16x1xi32> to vector<16xi32>
          %gather3A_326 = tpu.dynamic_gather %masked_sort3A_323[%gather3A_325] in [0] : vector<16xi32>, vector<16xi32> -> vector<16xi32>
          %eq3A_327 = arith.cmpi eq, %masked_sort3A_323, %gather3A_326 : vector<16xi32>
          %and3A_328 = arith.andi %ge3A_31, %eq3A_327 : vector<16xi1>
          %select_n3A_329 = arith.select %and3A_328, %max3A_11, %iota3A : vector<16xi1>, vector<16xi32>
          %broadcast_in_dim3A_330 = vector.shape_cast %max3A_17 : vector<16xi32> to vector<16x1xi32>
          %gather3A_331 = vector.shape_cast %broadcast_in_dim3A_330 : vector<16x1xi32> to vector<16xi32>
          %gather3A_332 = tpu.dynamic_gather %masked_sort3A_323[%gather3A_331] in [0] : vector<16xi32>, vector<16xi32> -> vector<16xi32>
          %eq3A_333 = arith.cmpi eq, %masked_sort3A_323, %gather3A_332 : vector<16xi32>
          %and3A_334 = arith.andi %ge3A_34, %eq3A_333 : vector<16xi1>
          %select_n3A_335 = arith.select %and3A_334, %max3A_17, %iota3A : vector<16xi1>, vector<16xi32>
          %broadcast_in_dim3A_336 = vector.shape_cast %max3A_23 : vector<16xi32> to vector<16x1xi32>
          %gather3A_337 = vector.shape_cast %broadcast_in_dim3A_336 : vector<16x1xi32> to vector<16xi32>
          %gather3A_338 = tpu.dynamic_gather %masked_sort3A_323[%gather3A_337] in [0] : vector<16xi32>, vector<16xi32> -> vector<16xi32>
          %eq3A_339 = arith.cmpi eq, %masked_sort3A_323, %gather3A_338 : vector<16xi32>
          %and3A_340 = arith.andi %ge3A_37, %eq3A_339 : vector<16xi1>
          %select_n3A_341 = arith.select %and3A_340, %max3A_23, %iota3A : vector<16xi1>, vector<16xi32>
          %broadcast_in_dim3A_342 = vector.shape_cast %max3A_29 : vector<16xi32> to vector<16x1xi32>
          %gather3A_343 = vector.shape_cast %broadcast_in_dim3A_342 : vector<16x1xi32> to vector<16xi32>
          %gather3A_344 = tpu.dynamic_gather %masked_sort3A_323[%gather3A_343] in [0] : vector<16xi32>, vector<16xi32> -> vector<16xi32>
          %eq3A_345 = arith.cmpi eq, %masked_sort3A_323, %gather3A_344 : vector<16xi32>
          %and3A_346 = arith.andi %ge3A_40, %eq3A_345 : vector<16xi1>
          %select_n3A_347 = arith.select %and3A_346, %max3A_29, %iota3A : vector<16xi1>, vector<16xi32>
          %broadcast_in_dim3A_348 = vector.shape_cast %min3A_45 : vector<16xi32> to vector<16x1xi32>
          %gather3A_349 = vector.shape_cast %broadcast_in_dim3A_348 : vector<16x1xi32> to vector<16xi32>
          %gather3A_350 = tpu.dynamic_gather %masked_sort3A_323[%gather3A_349] in [0] : vector<16xi32>, vector<16xi32> -> vector<16xi32>
          %ne3A_351 = arith.cmpi ne, %masked_sort3A_323, %gather3A_350 : vector<16xi32>
          %or3A_352 = arith.ori %ne3A_351, %eq3A_47 : vector<16xi1>
          %gather3A_353 = tpu.vector_load_idx %arg10[%masked_sort3A_322] : memref<10240xf32, #tpu.memory_space<vmem>>[vector<16xi32>], vector<16xf32>,
          tpu.vector_store_idx %arg12[%masked_sort3A_323], %gather3A_353 {add = true} : memref<10240xf32, #tpu.memory_space<vmem>>[vector<16xi32>], vector<16xf32>,
          %mul3A_354 = arith.mulf %gather3A_353, %gather3A_353 : vector<16xf32>
          tpu.vector_store_idx %arg14[%masked_sort3A_323], %mul3A_354 {add = true} : memref<10240xf32, #tpu.memory_space<vmem>>[vector<16xi32>], vector<16xf32>,
          %broadcast_in_dim3A_355 = vector.shape_cast %select_n3A_329 : vector<16xi32> to vector<16x1xi32>
          %gather3A_356 = vector.shape_cast %broadcast_in_dim3A_355 : vector<16x1xi32> to vector<16xi32>
          %gather3A_357 = tpu.dynamic_gather %gather3A_353[%gather3A_356] in [0] : vector<16xf32>, vector<16xi32> -> vector<16xf32>
          %max3A_358 = arith.maximumf %gather3A_353, %gather3A_357 : vector<16xf32>
          %broadcast_in_dim3A_359 = vector.shape_cast %select_n3A_329 : vector<16xi32> to vector<16x1xi32>
          %gather3A_360 = vector.shape_cast %broadcast_in_dim3A_359 : vector<16x1xi32> to vector<16xi32>
          %gather3A_361 = tpu.dynamic_gather %gather3A_353[%gather3A_360] in [0] : vector<16xf32>, vector<16xi32> -> vector<16xf32>
          %min3A_362 = arith.minimumf %gather3A_353, %gather3A_361 : vector<16xf32>
          %broadcast_in_dim3A_363 = vector.shape_cast %select_n3A_335 : vector<16xi32> to vector<16x1xi32>
          %gather3A_364 = vector.shape_cast %broadcast_in_dim3A_363 : vector<16x1xi32> to vector<16xi32>
          %gather3A_365 = tpu.dynamic_gather %max3A_358[%gather3A_364] in [0] : vector<16xf32>, vector<16xi32> -> vector<16xf32>
          %max3A_366 = arith.maximumf %max3A_358, %gather3A_365 : vector<16xf32>
          %broadcast_in_dim3A_367 = vector.shape_cast %select_n3A_335 : vector<16xi32> to vector<16x1xi32>
          %gather3A_368 = vector.shape_cast %broadcast_in_dim3A_367 : vector<16x1xi32> to vector<16xi32>
          %gather3A_369 = tpu.dynamic_gather %min3A_362[%gather3A_368] in [0] : vector<16xf32>, vector<16xi32> -> vector<16xf32>
          %min3A_370 = arith.minimumf %min3A_362, %gather3A_369 : vector<16xf32>
          %broadcast_in_dim3A_371 = vector.shape_cast %select_n3A_341 : vector<16xi32> to vector<16x1xi32>
          %gather3A_372 = vector.shape_cast %broadcast_in_dim3A_371 : vector<16x1xi32> to vector<16xi32>
          %gather3A_373 = tpu.dynamic_gather %max3A_366[%gather3A_372] in [0] : vector<16xf32>, vector<16xi32> -> vector<16xf32>
          %max3A_374 = arith.maximumf %max3A_366, %gather3A_373 : vector<16xf32>
          %broadcast_in_dim3A_375 = vector.shape_cast %select_n3A_341 : vector<16xi32> to vector<16x1xi32>
          %gather3A_376 = vector.shape_cast %broadcast_in_dim3A_375 : vector<16x1xi32> to vector<16xi32>
          %gather3A_377 = tpu.dynamic_gather %min3A_370[%gather3A_376] in [0] : vector<16xf32>, vector<16xi32> -> vector<16xf32>
          %min3A_378 = arith.minimumf %min3A_370, %gather3A_377 : vector<16xf32>
          %broadcast_in_dim3A_379 = vector.shape_cast %select_n3A_347 : vector<16xi32> to vector<16x1xi32>
          %gather3A_380 = vector.shape_cast %broadcast_in_dim3A_379 : vector<16x1xi32> to vector<16xi32>
          %gather3A_381 = tpu.dynamic_gather %max3A_374[%gather3A_380] in [0] : vector<16xf32>, vector<16xi32> -> vector<16xf32>
          %max3A_382 = arith.maximumf %max3A_374, %gather3A_381 : vector<16xf32>
          %broadcast_in_dim3A_383 = vector.shape_cast %select_n3A_347 : vector<16xi32> to vector<16x1xi32>
          %gather3A_384 = vector.shape_cast %broadcast_in_dim3A_383 : vector<16x1xi32> to vector<16xi32>
          %gather3A_385 = tpu.dynamic_gather %min3A_378[%gather3A_384] in [0] : vector<16xf32>, vector<16xi32> -> vector<16xf32>
          %min3A_386 = arith.minimumf %min3A_378, %gather3A_385 : vector<16xf32>
          %gather3A_387 = tpu.vector_load_idx %arg16[%masked_sort3A_323] masked %or3A_352 : memref<10240xf32, #tpu.memory_space<vmem>>[vector<16xi32>], vector<16xf32>, vector<16xi1>
          %max3A_388 = arith.maximumf %gather3A_387, %max3A_382 : vector<16xf32>
          tpu.vector_store_idx %arg16[%masked_sort3A_323], %max3A_388 masked %or3A_352 : memref<10240xf32, #tpu.memory_space<vmem>>[vector<16xi32>], vector<16xf32>, vector<16xi1>
          %gather3A_389 = tpu.vector_load_idx %arg18[%masked_sort3A_323] masked %or3A_352 : memref<10240xf32, #tpu.memory_space<vmem>>[vector<16xi32>], vector<16xf32>, vector<16xi1>
          %min3A_390 = arith.minimumf %gather3A_389, %min3A_386 : vector<16xf32>
          tpu.vector_store_idx %arg18[%masked_sort3A_323], %min3A_390 masked %or3A_352 : memref<10240xf32, #tpu.memory_space<vmem>>[vector<16xi32>], vector<16xf32>, vector<16xi1>
          %gather3A_391 = tpu.vector_load_idx %arg11[%masked_sort3A_322] : memref<10240xf32, #tpu.memory_space<vmem>>[vector<16xi32>], vector<16xf32>,
          tpu.vector_store_idx %arg13[%masked_sort3A_323], %gather3A_391 {add = true} : memref<10240xf32, #tpu.memory_space<vmem>>[vector<16xi32>], vector<16xf32>,
          %mul3A_392 = arith.mulf %gather3A_391, %gather3A_391 : vector<16xf32>
          tpu.vector_store_idx %arg15[%masked_sort3A_323], %mul3A_392 {add = true} : memref<10240xf32, #tpu.memory_space<vmem>>[vector<16xi32>], vector<16xf32>,
          %broadcast_in_dim3A_393 = vector.shape_cast %select_n3A_329 : vector<16xi32> to vector<16x1xi32>
          %gather3A_394 = vector.shape_cast %broadcast_in_dim3A_393 : vector<16x1xi32> to vector<16xi32>
          %gather3A_395 = tpu.dynamic_gather %gather3A_391[%gather3A_394] in [0] : vector<16xf32>, vector<16xi32> -> vector<16xf32>
          %max3A_396 = arith.maximumf %gather3A_391, %gather3A_395 : vector<16xf32>
          %broadcast_in_dim3A_397 = vector.shape_cast %select_n3A_329 : vector<16xi32> to vector<16x1xi32>
          %gather3A_398 = vector.shape_cast %broadcast_in_dim3A_397 : vector<16x1xi32> to vector<16xi32>
          %gather3A_399 = tpu.dynamic_gather %gather3A_391[%gather3A_398] in [0] : vector<16xf32>, vector<16xi32> -> vector<16xf32>
          %min3A_400 = arith.minimumf %gather3A_391, %gather3A_399 : vector<16xf32>
          %broadcast_in_dim3A_401 = vector.shape_cast %select_n3A_335 : vector<16xi32> to vector<16x1xi32>
          %gather3A_402 = vector.shape_cast %broadcast_in_dim3A_401 : vector<16x1xi32> to vector<16xi32>
          %gather3A_403 = tpu.dynamic_gather %max3A_396[%gather3A_402] in [0] : vector<16xf32>, vector<16xi32> -> vector<16xf32>
          %max3A_404 = arith.maximumf %max3A_396, %gather3A_403 : vector<16xf32>
          %broadcast_in_dim3A_405 = vector.shape_cast %select_n3A_335 : vector<16xi32> to vector<16x1xi32>
          %gather3A_406 = vector.shape_cast %broadcast_in_dim3A_405 : vector<16x1xi32> to vector<16xi32>
          %gather3A_407 = tpu.dynamic_gather %min3A_400[%gather3A_406] in [0] : vector<16xf32>, vector<16xi32> -> vector<16xf32>
          %min3A_408 = arith.minimumf %min3A_400, %gather3A_407 : vector<16xf32>
          %broadcast_in_dim3A_409 = vector.shape_cast %select_n3A_341 : vector<16xi32> to vector<16x1xi32>
          %gather3A_410 = vector.shape_cast %broadcast_in_dim3A_409 : vector<16x1xi32> to vector<16xi32>
          %gather3A_411 = tpu.dynamic_gather %max3A_404[%gather3A_410] in [0] : vector<16xf32>, vector<16xi32> -> vector<16xf32>
          %max3A_412 = arith.maximumf %max3A_404, %gather3A_411 : vector<16xf32>
          %broadcast_in_dim3A_413 = vector.shape_cast %select_n3A_341 : vector<16xi32> to vector<16x1xi32>
          %gather3A_414 = vector.shape_cast %broadcast_in_dim3A_413 : vector<16x1xi32> to vector<16xi32>
          %gather3A_415 = tpu.dynamic_gather %min3A_408[%gather3A_414] in [0] : vector<16xf32>, vector<16xi32> -> vector<16xf32>
          %min3A_416 = arith.minimumf %min3A_408, %gather3A_415 : vector<16xf32>
          %broadcast_in_dim3A_417 = vector.shape_cast %select_n3A_347 : vector<16xi32> to vector<16x1xi32>
          %gather3A_418 = vector.shape_cast %broadcast_in_dim3A_417 : vector<16x1xi32> to vector<16xi32>
          %gather3A_419 = tpu.dynamic_gather %max3A_412[%gather3A_418] in [0] : vector<16xf32>, vector<16xi32> -> vector<16xf32>
          %max3A_420 = arith.maximumf %max3A_412, %gather3A_419 : vector<16xf32>
          %broadcast_in_dim3A_421 = vector.shape_cast %select_n3A_347 : vector<16xi32> to vector<16x1xi32>
          %gather3A_422 = vector.shape_cast %broadcast_in_dim3A_421 : vector<16x1xi32> to vector<16xi32>
          %gather3A_423 = tpu.dynamic_gather %min3A_416[%gather3A_422] in [0] : vector<16xf32>, vector<16xi32> -> vector<16xf32>
          %min3A_424 = arith.minimumf %min3A_416, %gather3A_423 : vector<16xf32>
          %gather3A_425 = tpu.vector_load_idx %arg17[%masked_sort3A_323] masked %or3A_352 : memref<10240xf32, #tpu.memory_space<vmem>>[vector<16xi32>], vector<16xf32>, vector<16xi1>
          %max3A_426 = arith.maximumf %gather3A_425, %max3A_420 : vector<16xf32>
          tpu.vector_store_idx %arg17[%masked_sort3A_323], %max3A_426 masked %or3A_352 : memref<10240xf32, #tpu.memory_space<vmem>>[vector<16xi32>], vector<16xf32>, vector<16xi1>
          %gather3A_427 = tpu.vector_load_idx %arg19[%masked_sort3A_323] masked %or3A_352 : memref<10240xf32, #tpu.memory_space<vmem>>[vector<16xi32>], vector<16xf32>, vector<16xi1>
          %min3A_428 = arith.minimumf %gather3A_427, %min3A_424 : vector<16xf32>
          tpu.vector_store_idx %arg19[%masked_sort3A_323], %min3A_428 masked %or3A_352 : memref<10240xf32, #tpu.memory_space<vmem>>[vector<16xi32>], vector<16xf32>, vector<16xi1>
        } else {
        }
      }
      %scan3A_145 = arith.constant 100 : i32
      %add3A_146 = arith.constant 3200 : i32
      %add3A_147 = arith.addi %add3A_128, %add3A_146 : i32
      %add3A_148 = arith.constant 3200 : i32
      %add3A_149 = arith.addi %add3A_147, %add3A_148 : i32
      %lt3A_150 = arith.constant 320000 : i32
      %lt3A_151 = arith.cmpi slt, %add3A_149, %lt3A_150 : i32
      %convert_element_type3A_152 = arith.extui %lt3A_151 : i1 to i32
      %cond3A_153 = arith.constant 0 : i32
      %cond3A_154 = arith.cmpi ne, %convert_element_type3A_152, %cond3A_153 : i32
      scf.if %cond3A_154 {
        %dma_start3A_164 = tpu.memref_slice %arg4[%add3A_149] : memref<320000xi32, #tpu.memory_space<hbm>> -> memref<3200xi32, #tpu.memory_space<hbm>>
        %dma_start3A_165 = tpu.memref_slice %arg4[%add3A_149] : memref<320000xi32, #tpu.memory_space<hbm>> -> memref<3200xi32, #tpu.memory_space<hbm>>
        tpu.enqueue_dma source(%dma_start3A_165 : memref<3200xi32, #tpu.memory_space<hbm>>) target(%arg21 : memref<3200xi32, #tpu.memory_space<vmem>>) target_semaphore(%arg25 : memref<!tpu.dma_semaphore, #tpu.memory_space<semaphore_mem>>)
        %dma_start3A_166 = tpu.memref_slice %arg3[%add3A_149] : memref<320000xi32, #tpu.memory_space<hbm>> -> memref<3200xi32, #tpu.memory_space<hbm>>
        %dma_start3A_167 = tpu.memref_slice %arg3[%add3A_149] : memref<320000xi32, #tpu.memory_space<hbm>> -> memref<3200xi32, #tpu.memory_space<hbm>>
        tpu.enqueue_dma source(%dma_start3A_167 : memref<3200xi32, #tpu.memory_space<hbm>>) target(%arg22 : memref<3200xi32, #tpu.memory_space<vmem>>) target_semaphore(%arg25 : memref<!tpu.dma_semaphore, #tpu.memory_space<semaphore_mem>>)
      } else {
      }
      %dma_wait3A_155 = tpu.memref_slice %arg4[%add3A_147] : memref<320000xi32, #tpu.memory_space<hbm>> -> memref<3200xi32, #tpu.memory_space<hbm>>
      %dma_wait3A_156 = tpu.memref_slice %arg4[%add3A_147] : memref<320000xi32, #tpu.memory_space<hbm>> -> memref<3200xi32, #tpu.memory_space<hbm>>
      tpu.wait_dma2 semaphore(%arg26 : memref<!tpu.dma_semaphore, #tpu.memory_space<semaphore_mem>>) src(%dma_wait3A_156 : memref<3200xi32, #tpu.memory_space<hbm>>) dst(%arg23 : memref<3200xi32, #tpu.memory_space<vmem>>)
      %dma_wait3A_157 = tpu.memref_slice %arg3[%add3A_147] : memref<320000xi32, #tpu.memory_space<hbm>> -> memref<3200xi32, #tpu.memory_space<hbm>>
      %dma_wait3A_158 = tpu.memref_slice %arg3[%add3A_147] : memref<320000xi32, #tpu.memory_space<hbm>> -> memref<3200xi32, #tpu.memory_space<hbm>>
      tpu.wait_dma2 semaphore(%arg26 : memref<!tpu.dma_semaphore, #tpu.memory_space<semaphore_mem>>) src(%dma_wait3A_158 : memref<3200xi32, #tpu.memory_space<hbm>>) dst(%arg24 : memref<3200xi32, #tpu.memory_space<vmem>>)
      %scan3A_159 = arith.constant 0 : i32
      %scan3A_160 = arith.constant 100 : i32
      %scan3A_161 = arith.addi %scan3A_159, %scan3A_160 : i32
      %scan3A_162 = arith.constant 1 : i32
      scf.for %scan3A_164 = %scan3A_159 to %scan3A_161 step %scan3A_162  : i32 {
        %mul3A_165 = arith.constant 32 : i32
        %mul3A_166 = arith.muli %scan3A_164, %mul3A_165 : i32
        %add3A_167 = arith.constant 0 : i32
        %add3A_168 = arith.addi %add3A_167, %mul3A_166 : i32
        %get3A = arith.index_cast %add3A_168 : i32 to index
        %get3A_169 = tpu.vector_load %arg23[%get3A] {strides = array<i32>} : memref<3200xi32, #tpu.memory_space<vmem>>, vector<16xi32>,
        %get3A_170 = arith.index_cast %add3A_168 : i32 to index
        %get3A_171 = tpu.vector_load %arg24[%get3A_170] {strides = array<i32>} : memref<3200xi32, #tpu.memory_space<vmem>>, vector<16xi32>,
        %add3A_172 = arith.constant 16 : i32
        %add3A_173 = arith.addi %add3A_168, %add3A_172 : i32
        %get3A_174 = arith.index_cast %add3A_173 : i32 to index
        %get3A_175 = tpu.vector_load %arg23[%get3A_174] {strides = array<i32>} : memref<3200xi32, #tpu.memory_space<vmem>>, vector<16xi32>,
        %add3A_176 = arith.constant 16 : i32
        %add3A_177 = arith.addi %add3A_168, %add3A_176 : i32
        %get3A_178 = arith.index_cast %add3A_177 : i32 to index
        %get3A_179 = tpu.vector_load %arg24[%get3A_178] {strides = array<i32>} : memref<3200xi32, #tpu.memory_space<vmem>>, vector<16xi32>,
        %eq3A_180 = arith.constant 0 : i32
        %eq3A_181 = arith.cmpi eq, %add3A, %eq3A_180 : i32
        %convert_element_type3A_182 = arith.extui %eq3A_181 : i1 to i32
        %cond3A_183 = arith.constant 0 : i32
        %cond3A_184 = arith.cmpi ne, %convert_element_type3A_182, %cond3A_183 : i32
        scf.if %cond3A_184 {
          tpu.vector_store_idx %arg20[%get3A_169], %broadcast_in_dim3A_7 {add = true} : memref<10240xf32, #tpu.memory_space<vmem>>[vector<16xi32>], vector<16xf32>,
          tpu.vector_store_idx %arg20[%get3A_175], %broadcast_in_dim3A_7 {add = true} : memref<10240xf32, #tpu.memory_space<vmem>>[vector<16xi32>], vector<16xf32>,
        } else {
        }
        %broadcast_in_dim3A_185 = arith.constant true
        %broadcast_in_dim3A_186 = vector.broadcast %broadcast_in_dim3A_185 : i1 to vector<16xi1>
        %unique3A, %unique3A_187 = tpu.scan_count mask(%broadcast_in_dim3A_186 : vector<16xi1>) value(%get3A_169 : vector<16xi32>) : vector<16xi1>, vector<16xi32>
        %broadcast_in_dim3A_188 = arith.constant true
        %broadcast_in_dim3A_189 = vector.broadcast %broadcast_in_dim3A_188 : i1 to vector<16xi1>
        %unique3A_190, %unique3A_191 = tpu.scan_count mask(%broadcast_in_dim3A_189 : vector<16xi1>) value(%get3A_175 : vector<16xi32>) : vector<16xi1>, vector<16xi32>
        %max3A_192 = arith.maxsi %unique3A_187, %unique3A_191 : vector<16xi32>
        %reduce_max3A = arith.constant true
        %reduce_max3A_193 = vector.broadcast %reduce_max3A : i1 to vector<16xi1>
        %reduce_max3A_194 = arith.constant -2147483648 : i32
        %reduce_max3A_195 = vector.broadcast %reduce_max3A_194 : i32 to vector<16xi32>
        %reduce_max3A_196 = arith.xori %max3A_192, %reduce_max3A_195 : vector<16xi32>
        %reduce_max3A_197 = tpu.scan <max>, %reduce_max3A_196 masked %reduce_max3A_193 : vector<16xi32>, vector<16xi1> -> vector<16xi32>
        %reduce_max3A_198 = arith.xori %reduce_max3A_197, %reduce_max3A_195 : vector<16xi32>
        %reduce_max3A_199 = vector.extract %reduce_max3A_198[15] : i32 from vector<16xi32>
        %gt3A = arith.constant 1 : i32
        %gt3A_200 = arith.cmpi sgt, %reduce_max3A_199, %gt3A : i32
        %not3A = arith.constant true
        %not3A_201 = arith.xori %gt3A_200, %not3A : i1
        %convert_element_type3A_202 = arith.extui %not3A_201 : i1 to i32
        %cond3A_203 = arith.constant 0 : i32
        %cond3A_204 = arith.cmpi ne, %convert_element_type3A_202, %cond3A_203 : i32
        scf.if %cond3A_204 {
          %gather3A = tpu.vector_load_idx %arg10[%get3A_171] : memref<10240xf32, #tpu.memory_space<vmem>>[vector<16xi32>], vector<16xf32>,
          tpu.vector_store_idx %arg12[%get3A_169], %gather3A {add = true} : memref<10240xf32, #tpu.memory_space<vmem>>[vector<16xi32>], vector<16xf32>,
          %mul3A_208 = arith.mulf %gather3A, %gather3A : vector<16xf32>
          tpu.vector_store_idx %arg14[%get3A_169], %mul3A_208 {add = true} : memref<10240xf32, #tpu.memory_space<vmem>>[vector<16xi32>], vector<16xf32>,
          %gather3A_209 = tpu.vector_load_idx %arg16[%get3A_169] : memref<10240xf32, #tpu.memory_space<vmem>>[vector<16xi32>], vector<16xf32>,
          %max3A_210 = arith.maximumf %gather3A_209, %gather3A : vector<16xf32>
          tpu.vector_store_idx %arg16[%get3A_169], %max3A_210 : memref<10240xf32, #tpu.memory_space<vmem>>[vector<16xi32>], vector<16xf32>,
          %gather3A_211 = tpu.vector_load_idx %arg18[%get3A_169] : memref<10240xf32, #tpu.memory_space<vmem>>[vector<16xi32>], vector<16xf32>,
          %min3A_212 = arith.minimumf %gather3A_211, %gather3A : vector<16xf32>
          tpu.vector_store_idx %arg18[%get3A_169], %min3A_212 : memref<10240xf32, #tpu.memory_space<vmem>>[vector<16xi32>], vector<16xf32>,
          %gather3A_213 = tpu.vector_load_idx %arg11[%get3A_171] : memref<10240xf32, #tpu.memory_space<vmem>>[vector<16xi32>], vector<16xf32>,
          tpu.vector_store_idx %arg13[%get3A_169], %gather3A_213 {add = true} : memref<10240xf32, #tpu.memory_space<vmem>>[vector<16xi32>], vector<16xf32>,
          %mul3A_214 = arith.mulf %gather3A_213, %gather3A_213 : vector<16xf32>
          tpu.vector_store_idx %arg15[%get3A_169], %mul3A_214 {add = true} : memref<10240xf32, #tpu.memory_space<vmem>>[vector<16xi32>], vector<16xf32>,
          %gather3A_215 = tpu.vector_load_idx %arg17[%get3A_169] : memref<10240xf32, #tpu.memory_space<vmem>>[vector<16xi32>], vector<16xf32>,
          %max3A_216 = arith.maximumf %gather3A_215, %gather3A_213 : vector<16xf32>
          tpu.vector_store_idx %arg17[%get3A_169], %max3A_216 : memref<10240xf32, #tpu.memory_space<vmem>>[vector<16xi32>], vector<16xf32>,
          %gather3A_217 = tpu.vector_load_idx %arg19[%get3A_169] : memref<10240xf32, #tpu.memory_space<vmem>>[vector<16xi32>], vector<16xf32>,
          %min3A_218 = arith.minimumf %gather3A_217, %gather3A_213 : vector<16xf32>
          tpu.vector_store_idx %arg19[%get3A_169], %min3A_218 : memref<10240xf32, #tpu.memory_space<vmem>>[vector<16xi32>], vector<16xf32>,
          %gather3A_219 = tpu.vector_load_idx %arg10[%get3A_179] : memref<10240xf32, #tpu.memory_space<vmem>>[vector<16xi32>], vector<16xf32>,
          tpu.vector_store_idx %arg12[%get3A_175], %gather3A_219 {add = true} : memref<10240xf32, #tpu.memory_space<vmem>>[vector<16xi32>], vector<16xf32>,
          %mul3A_220 = arith.mulf %gather3A_219, %gather3A_219 : vector<16xf32>
          tpu.vector_store_idx %arg14[%get3A_175], %mul3A_220 {add = true} : memref<10240xf32, #tpu.memory_space<vmem>>[vector<16xi32>], vector<16xf32>,
          %gather3A_221 = tpu.vector_load_idx %arg16[%get3A_175] : memref<10240xf32, #tpu.memory_space<vmem>>[vector<16xi32>], vector<16xf32>,
          %max3A_222 = arith.maximumf %gather3A_221, %gather3A_219 : vector<16xf32>
          tpu.vector_store_idx %arg16[%get3A_175], %max3A_222 : memref<10240xf32, #tpu.memory_space<vmem>>[vector<16xi32>], vector<16xf32>,
          %gather3A_223 = tpu.vector_load_idx %arg18[%get3A_175] : memref<10240xf32, #tpu.memory_space<vmem>>[vector<16xi32>], vector<16xf32>,
          %min3A_224 = arith.minimumf %gather3A_223, %gather3A_219 : vector<16xf32>
          tpu.vector_store_idx %arg18[%get3A_175], %min3A_224 : memref<10240xf32, #tpu.memory_space<vmem>>[vector<16xi32>], vector<16xf32>,
          %gather3A_225 = tpu.vector_load_idx %arg11[%get3A_179] : memref<10240xf32, #tpu.memory_space<vmem>>[vector<16xi32>], vector<16xf32>,
          tpu.vector_store_idx %arg13[%get3A_175], %gather3A_225 {add = true} : memref<10240xf32, #tpu.memory_space<vmem>>[vector<16xi32>], vector<16xf32>,
          %mul3A_226 = arith.mulf %gather3A_225, %gather3A_225 : vector<16xf32>
          tpu.vector_store_idx %arg15[%get3A_175], %mul3A_226 {add = true} : memref<10240xf32, #tpu.memory_space<vmem>>[vector<16xi32>], vector<16xf32>,
          %gather3A_227 = tpu.vector_load_idx %arg17[%get3A_175] : memref<10240xf32, #tpu.memory_space<vmem>>[vector<16xi32>], vector<16xf32>,
          %max3A_228 = arith.maximumf %gather3A_227, %gather3A_225 : vector<16xf32>
          tpu.vector_store_idx %arg17[%get3A_175], %max3A_228 : memref<10240xf32, #tpu.memory_space<vmem>>[vector<16xi32>], vector<16xf32>,
          %gather3A_229 = tpu.vector_load_idx %arg19[%get3A_175] : memref<10240xf32, #tpu.memory_space<vmem>>[vector<16xi32>], vector<16xf32>,
          %min3A_230 = arith.minimumf %gather3A_229, %gather3A_225 : vector<16xf32>
          tpu.vector_store_idx %arg19[%get3A_175], %min3A_230 : memref<10240xf32, #tpu.memory_space<vmem>>[vector<16xi32>], vector<16xf32>,
        } else {
        }
        %convert_element_type3A_205 = arith.extui %gt3A_200 : i1 to i32
        %cond3A_206 = arith.constant 0 : i32
        %cond3A_207 = arith.cmpi ne, %convert_element_type3A_205, %cond3A_206 : i32
        scf.if %cond3A_207 {
          %masked_sort3A = arith.constant dense<true> : vector<16xi1>
          %masked_sort3A_208 = arith.constant -2147483648 : i32
          %masked_sort3A_209 = vector.broadcast %masked_sort3A_208 : i32 to vector<16xi32>
          %masked_sort3A_210 = arith.xori %get3A_169, %masked_sort3A_209 : vector<16xi32>
          %masked_sort3A_211, %masked_sort3A_212, %masked_sort3A_213 = tpu.sort %masked_sort3A_210, %get3A_171 masked %masked_sort3A : (vector<16xi32>, vector<16xi32>, vector<16xi1>) -> (vector<16xi1>, vector<16xi32>, vector<16xi32>)
          %masked_sort3A_214 = arith.xori %masked_sort3A_212, %masked_sort3A_209 : vector<16xi32>
          %broadcast_in_dim3A_215 = vector.shape_cast %max3A_11 : vector<16xi32> to vector<16x1xi32>
          %gather3A = vector.shape_cast %broadcast_in_dim3A_215 : vector<16x1xi32> to vector<16xi32>
          %gather3A_216 = tpu.dynamic_gather %masked_sort3A_214[%gather3A] in [0] : vector<16xi32>, vector<16xi32> -> vector<16xi32>
          %eq3A_217 = arith.cmpi eq, %masked_sort3A_214, %gather3A_216 : vector<16xi32>
          %and3A_218 = arith.andi %ge3A_31, %eq3A_217 : vector<16xi1>
          %select_n3A = arith.select %and3A_218, %max3A_11, %iota3A : vector<16xi1>, vector<16xi32>
          %broadcast_in_dim3A_219 = vector.shape_cast %max3A_17 : vector<16xi32> to vector<16x1xi32>
          %gather3A_220 = vector.shape_cast %broadcast_in_dim3A_219 : vector<16x1xi32> to vector<16xi32>
          %gather3A_221 = tpu.dynamic_gather %masked_sort3A_214[%gather3A_220] in [0] : vector<16xi32>, vector<16xi32> -> vector<16xi32>
          %eq3A_222 = arith.cmpi eq, %masked_sort3A_214, %gather3A_221 : vector<16xi32>
          %and3A_223 = arith.andi %ge3A_34, %eq3A_222 : vector<16xi1>
          %select_n3A_224 = arith.select %and3A_223, %max3A_17, %iota3A : vector<16xi1>, vector<16xi32>
          %broadcast_in_dim3A_225 = vector.shape_cast %max3A_23 : vector<16xi32> to vector<16x1xi32>
          %gather3A_226 = vector.shape_cast %broadcast_in_dim3A_225 : vector<16x1xi32> to vector<16xi32>
          %gather3A_227 = tpu.dynamic_gather %masked_sort3A_214[%gather3A_226] in [0] : vector<16xi32>, vector<16xi32> -> vector<16xi32>
          %eq3A_228 = arith.cmpi eq, %masked_sort3A_214, %gather3A_227 : vector<16xi32>
          %and3A_229 = arith.andi %ge3A_37, %eq3A_228 : vector<16xi1>
          %select_n3A_230 = arith.select %and3A_229, %max3A_23, %iota3A : vector<16xi1>, vector<16xi32>
          %broadcast_in_dim3A_231 = vector.shape_cast %max3A_29 : vector<16xi32> to vector<16x1xi32>
          %gather3A_232 = vector.shape_cast %broadcast_in_dim3A_231 : vector<16x1xi32> to vector<16xi32>
          %gather3A_233 = tpu.dynamic_gather %masked_sort3A_214[%gather3A_232] in [0] : vector<16xi32>, vector<16xi32> -> vector<16xi32>
          %eq3A_234 = arith.cmpi eq, %masked_sort3A_214, %gather3A_233 : vector<16xi32>
          %and3A_235 = arith.andi %ge3A_40, %eq3A_234 : vector<16xi1>
          %select_n3A_236 = arith.select %and3A_235, %max3A_29, %iota3A : vector<16xi1>, vector<16xi32>
          %broadcast_in_dim3A_237 = vector.shape_cast %min3A_45 : vector<16xi32> to vector<16x1xi32>
          %gather3A_238 = vector.shape_cast %broadcast_in_dim3A_237 : vector<16x1xi32> to vector<16xi32>
          %gather3A_239 = tpu.dynamic_gather %masked_sort3A_214[%gather3A_238] in [0] : vector<16xi32>, vector<16xi32> -> vector<16xi32>
          %ne3A = arith.cmpi ne, %masked_sort3A_214, %gather3A_239 : vector<16xi32>
          %or3A = arith.ori %ne3A, %eq3A_47 : vector<16xi1>
          %gather3A_240 = tpu.vector_load_idx %arg10[%masked_sort3A_213] : memref<10240xf32, #tpu.memory_space<vmem>>[vector<16xi32>], vector<16xf32>,
          tpu.vector_store_idx %arg12[%masked_sort3A_214], %gather3A_240 {add = true} : memref<10240xf32, #tpu.memory_space<vmem>>[vector<16xi32>], vector<16xf32>,
          %mul3A_241 = arith.mulf %gather3A_240, %gather3A_240 : vector<16xf32>
          tpu.vector_store_idx %arg14[%masked_sort3A_214], %mul3A_241 {add = true} : memref<10240xf32, #tpu.memory_space<vmem>>[vector<16xi32>], vector<16xf32>,
          %broadcast_in_dim3A_242 = vector.shape_cast %select_n3A : vector<16xi32> to vector<16x1xi32>
          %gather3A_243 = vector.shape_cast %broadcast_in_dim3A_242 : vector<16x1xi32> to vector<16xi32>
          %gather3A_244 = tpu.dynamic_gather %gather3A_240[%gather3A_243] in [0] : vector<16xf32>, vector<16xi32> -> vector<16xf32>
          %max3A_245 = arith.maximumf %gather3A_240, %gather3A_244 : vector<16xf32>
          %broadcast_in_dim3A_246 = vector.shape_cast %select_n3A : vector<16xi32> to vector<16x1xi32>
          %gather3A_247 = vector.shape_cast %broadcast_in_dim3A_246 : vector<16x1xi32> to vector<16xi32>
          %gather3A_248 = tpu.dynamic_gather %gather3A_240[%gather3A_247] in [0] : vector<16xf32>, vector<16xi32> -> vector<16xf32>
          %min3A_249 = arith.minimumf %gather3A_240, %gather3A_248 : vector<16xf32>
          %broadcast_in_dim3A_250 = vector.shape_cast %select_n3A_224 : vector<16xi32> to vector<16x1xi32>
          %gather3A_251 = vector.shape_cast %broadcast_in_dim3A_250 : vector<16x1xi32> to vector<16xi32>
          %gather3A_252 = tpu.dynamic_gather %max3A_245[%gather3A_251] in [0] : vector<16xf32>, vector<16xi32> -> vector<16xf32>
          %max3A_253 = arith.maximumf %max3A_245, %gather3A_252 : vector<16xf32>
          %broadcast_in_dim3A_254 = vector.shape_cast %select_n3A_224 : vector<16xi32> to vector<16x1xi32>
          %gather3A_255 = vector.shape_cast %broadcast_in_dim3A_254 : vector<16x1xi32> to vector<16xi32>
          %gather3A_256 = tpu.dynamic_gather %min3A_249[%gather3A_255] in [0] : vector<16xf32>, vector<16xi32> -> vector<16xf32>
          %min3A_257 = arith.minimumf %min3A_249, %gather3A_256 : vector<16xf32>
          %broadcast_in_dim3A_258 = vector.shape_cast %select_n3A_230 : vector<16xi32> to vector<16x1xi32>
          %gather3A_259 = vector.shape_cast %broadcast_in_dim3A_258 : vector<16x1xi32> to vector<16xi32>
          %gather3A_260 = tpu.dynamic_gather %max3A_253[%gather3A_259] in [0] : vector<16xf32>, vector<16xi32> -> vector<16xf32>
          %max3A_261 = arith.maximumf %max3A_253, %gather3A_260 : vector<16xf32>
          %broadcast_in_dim3A_262 = vector.shape_cast %select_n3A_230 : vector<16xi32> to vector<16x1xi32>
          %gather3A_263 = vector.shape_cast %broadcast_in_dim3A_262 : vector<16x1xi32> to vector<16xi32>
          %gather3A_264 = tpu.dynamic_gather %min3A_257[%gather3A_263] in [0] : vector<16xf32>, vector<16xi32> -> vector<16xf32>
          %min3A_265 = arith.minimumf %min3A_257, %gather3A_264 : vector<16xf32>
          %broadcast_in_dim3A_266 = vector.shape_cast %select_n3A_236 : vector<16xi32> to vector<16x1xi32>
          %gather3A_267 = vector.shape_cast %broadcast_in_dim3A_266 : vector<16x1xi32> to vector<16xi32>
          %gather3A_268 = tpu.dynamic_gather %max3A_261[%gather3A_267] in [0] : vector<16xf32>, vector<16xi32> -> vector<16xf32>
          %max3A_269 = arith.maximumf %max3A_261, %gather3A_268 : vector<16xf32>
          %broadcast_in_dim3A_270 = vector.shape_cast %select_n3A_236 : vector<16xi32> to vector<16x1xi32>
          %gather3A_271 = vector.shape_cast %broadcast_in_dim3A_270 : vector<16x1xi32> to vector<16xi32>
          %gather3A_272 = tpu.dynamic_gather %min3A_265[%gather3A_271] in [0] : vector<16xf32>, vector<16xi32> -> vector<16xf32>
          %min3A_273 = arith.minimumf %min3A_265, %gather3A_272 : vector<16xf32>
          %gather3A_274 = tpu.vector_load_idx %arg16[%masked_sort3A_214] masked %or3A : memref<10240xf32, #tpu.memory_space<vmem>>[vector<16xi32>], vector<16xf32>, vector<16xi1>
          %max3A_275 = arith.maximumf %gather3A_274, %max3A_269 : vector<16xf32>
          tpu.vector_store_idx %arg16[%masked_sort3A_214], %max3A_275 masked %or3A : memref<10240xf32, #tpu.memory_space<vmem>>[vector<16xi32>], vector<16xf32>, vector<16xi1>
          %gather3A_276 = tpu.vector_load_idx %arg18[%masked_sort3A_214] masked %or3A : memref<10240xf32, #tpu.memory_space<vmem>>[vector<16xi32>], vector<16xf32>, vector<16xi1>
          %min3A_277 = arith.minimumf %gather3A_276, %min3A_273 : vector<16xf32>
          tpu.vector_store_idx %arg18[%masked_sort3A_214], %min3A_277 masked %or3A : memref<10240xf32, #tpu.memory_space<vmem>>[vector<16xi32>], vector<16xf32>, vector<16xi1>
          %gather3A_278 = tpu.vector_load_idx %arg11[%masked_sort3A_213] : memref<10240xf32, #tpu.memory_space<vmem>>[vector<16xi32>], vector<16xf32>,
          tpu.vector_store_idx %arg13[%masked_sort3A_214], %gather3A_278 {add = true} : memref<10240xf32, #tpu.memory_space<vmem>>[vector<16xi32>], vector<16xf32>,
          %mul3A_279 = arith.mulf %gather3A_278, %gather3A_278 : vector<16xf32>
          tpu.vector_store_idx %arg15[%masked_sort3A_214], %mul3A_279 {add = true} : memref<10240xf32, #tpu.memory_space<vmem>>[vector<16xi32>], vector<16xf32>,
          %broadcast_in_dim3A_280 = vector.shape_cast %select_n3A : vector<16xi32> to vector<16x1xi32>
          %gather3A_281 = vector.shape_cast %broadcast_in_dim3A_280 : vector<16x1xi32> to vector<16xi32>
          %gather3A_282 = tpu.dynamic_gather %gather3A_278[%gather3A_281] in [0] : vector<16xf32>, vector<16xi32> -> vector<16xf32>
          %max3A_283 = arith.maximumf %gather3A_278, %gather3A_282 : vector<16xf32>
          %broadcast_in_dim3A_284 = vector.shape_cast %select_n3A : vector<16xi32> to vector<16x1xi32>
          %gather3A_285 = vector.shape_cast %broadcast_in_dim3A_284 : vector<16x1xi32> to vector<16xi32>
          %gather3A_286 = tpu.dynamic_gather %gather3A_278[%gather3A_285] in [0] : vector<16xf32>, vector<16xi32> -> vector<16xf32>
          %min3A_287 = arith.minimumf %gather3A_278, %gather3A_286 : vector<16xf32>
          %broadcast_in_dim3A_288 = vector.shape_cast %select_n3A_224 : vector<16xi32> to vector<16x1xi32>
          %gather3A_289 = vector.shape_cast %broadcast_in_dim3A_288 : vector<16x1xi32> to vector<16xi32>
          %gather3A_290 = tpu.dynamic_gather %max3A_283[%gather3A_289] in [0] : vector<16xf32>, vector<16xi32> -> vector<16xf32>
          %max3A_291 = arith.maximumf %max3A_283, %gather3A_290 : vector<16xf32>
          %broadcast_in_dim3A_292 = vector.shape_cast %select_n3A_224 : vector<16xi32> to vector<16x1xi32>
          %gather3A_293 = vector.shape_cast %broadcast_in_dim3A_292 : vector<16x1xi32> to vector<16xi32>
          %gather3A_294 = tpu.dynamic_gather %min3A_287[%gather3A_293] in [0] : vector<16xf32>, vector<16xi32> -> vector<16xf32>
          %min3A_295 = arith.minimumf %min3A_287, %gather3A_294 : vector<16xf32>
          %broadcast_in_dim3A_296 = vector.shape_cast %select_n3A_230 : vector<16xi32> to vector<16x1xi32>
          %gather3A_297 = vector.shape_cast %broadcast_in_dim3A_296 : vector<16x1xi32> to vector<16xi32>
          %gather3A_298 = tpu.dynamic_gather %max3A_291[%gather3A_297] in [0] : vector<16xf32>, vector<16xi32> -> vector<16xf32>
          %max3A_299 = arith.maximumf %max3A_291, %gather3A_298 : vector<16xf32>
          %broadcast_in_dim3A_300 = vector.shape_cast %select_n3A_230 : vector<16xi32> to vector<16x1xi32>
          %gather3A_301 = vector.shape_cast %broadcast_in_dim3A_300 : vector<16x1xi32> to vector<16xi32>
          %gather3A_302 = tpu.dynamic_gather %min3A_295[%gather3A_301] in [0] : vector<16xf32>, vector<16xi32> -> vector<16xf32>
          %min3A_303 = arith.minimumf %min3A_295, %gather3A_302 : vector<16xf32>
          %broadcast_in_dim3A_304 = vector.shape_cast %select_n3A_236 : vector<16xi32> to vector<16x1xi32>
          %gather3A_305 = vector.shape_cast %broadcast_in_dim3A_304 : vector<16x1xi32> to vector<16xi32>
          %gather3A_306 = tpu.dynamic_gather %max3A_299[%gather3A_305] in [0] : vector<16xf32>, vector<16xi32> -> vector<16xf32>
          %max3A_307 = arith.maximumf %max3A_299, %gather3A_306 : vector<16xf32>
          %broadcast_in_dim3A_308 = vector.shape_cast %select_n3A_236 : vector<16xi32> to vector<16x1xi32>
          %gather3A_309 = vector.shape_cast %broadcast_in_dim3A_308 : vector<16x1xi32> to vector<16xi32>
          %gather3A_310 = tpu.dynamic_gather %min3A_303[%gather3A_309] in [0] : vector<16xf32>, vector<16xi32> -> vector<16xf32>
          %min3A_311 = arith.minimumf %min3A_303, %gather3A_310 : vector<16xf32>
          %gather3A_312 = tpu.vector_load_idx %arg17[%masked_sort3A_214] masked %or3A : memref<10240xf32, #tpu.memory_space<vmem>>[vector<16xi32>], vector<16xf32>, vector<16xi1>
          %max3A_313 = arith.maximumf %gather3A_312, %max3A_307 : vector<16xf32>
          tpu.vector_store_idx %arg17[%masked_sort3A_214], %max3A_313 masked %or3A : memref<10240xf32, #tpu.memory_space<vmem>>[vector<16xi32>], vector<16xf32>, vector<16xi1>
          %gather3A_314 = tpu.vector_load_idx %arg19[%masked_sort3A_214] masked %or3A : memref<10240xf32, #tpu.memory_space<vmem>>[vector<16xi32>], vector<16xf32>, vector<16xi1>
          %min3A_315 = arith.minimumf %gather3A_314, %min3A_311 : vector<16xf32>
          tpu.vector_store_idx %arg19[%masked_sort3A_214], %min3A_315 masked %or3A : memref<10240xf32, #tpu.memory_space<vmem>>[vector<16xi32>], vector<16xf32>, vector<16xi1>
          %masked_sort3A_316 = arith.constant dense<true> : vector<16xi1>
          %masked_sort3A_317 = arith.constant -2147483648 : i32
          %masked_sort3A_318 = vector.broadcast %masked_sort3A_317 : i32 to vector<16xi32>
          %masked_sort3A_319 = arith.xori %get3A_175, %masked_sort3A_318 : vector<16xi32>
          %masked_sort3A_320, %masked_sort3A_321, %masked_sort3A_322 = tpu.sort %masked_sort3A_319, %get3A_179 masked %masked_sort3A_316 : (vector<16xi32>, vector<16xi32>, vector<16xi1>) -> (vector<16xi1>, vector<16xi32>, vector<16xi32>)
          %masked_sort3A_323 = arith.xori %masked_sort3A_321, %masked_sort3A_318 : vector<16xi32>
          %broadcast_in_dim3A_324 = vector.shape_cast %max3A_11 : vector<16xi32> to vector<16x1xi32>
          %gather3A_325 = vector.shape_cast %broadcast_in_dim3A_324 : vector<16x1xi32> to vector<16xi32>
          %gather3A_326 = tpu.dynamic_gather %masked_sort3A_323[%gather3A_325] in [0] : vector<16xi32>, vector<16xi32> -> vector<16xi32>
          %eq3A_327 = arith.cmpi eq, %masked_sort3A_323, %gather3A_326 : vector<16xi32>
          %and3A_328 = arith.andi %ge3A_31, %eq3A_327 : vector<16xi1>
          %select_n3A_329 = arith.select %and3A_328, %max3A_11, %iota3A : vector<16xi1>, vector<16xi32>
          %broadcast_in_dim3A_330 = vector.shape_cast %max3A_17 : vector<16xi32> to vector<16x1xi32>
          %gather3A_331 = vector.shape_cast %broadcast_in_dim3A_330 : vector<16x1xi32> to vector<16xi32>
          %gather3A_332 = tpu.dynamic_gather %masked_sort3A_323[%gather3A_331] in [0] : vector<16xi32>, vector<16xi32> -> vector<16xi32>
          %eq3A_333 = arith.cmpi eq, %masked_sort3A_323, %gather3A_332 : vector<16xi32>
          %and3A_334 = arith.andi %ge3A_34, %eq3A_333 : vector<16xi1>
          %select_n3A_335 = arith.select %and3A_334, %max3A_17, %iota3A : vector<16xi1>, vector<16xi32>
          %broadcast_in_dim3A_336 = vector.shape_cast %max3A_23 : vector<16xi32> to vector<16x1xi32>
          %gather3A_337 = vector.shape_cast %broadcast_in_dim3A_336 : vector<16x1xi32> to vector<16xi32>
          %gather3A_338 = tpu.dynamic_gather %masked_sort3A_323[%gather3A_337] in [0] : vector<16xi32>, vector<16xi32> -> vector<16xi32>
          %eq3A_339 = arith.cmpi eq, %masked_sort3A_323, %gather3A_338 : vector<16xi32>
          %and3A_340 = arith.andi %ge3A_37, %eq3A_339 : vector<16xi1>
          %select_n3A_341 = arith.select %and3A_340, %max3A_23, %iota3A : vector<16xi1>, vector<16xi32>
          %broadcast_in_dim3A_342 = vector.shape_cast %max3A_29 : vector<16xi32> to vector<16x1xi32>
          %gather3A_343 = vector.shape_cast %broadcast_in_dim3A_342 : vector<16x1xi32> to vector<16xi32>
          %gather3A_344 = tpu.dynamic_gather %masked_sort3A_323[%gather3A_343] in [0] : vector<16xi32>, vector<16xi32> -> vector<16xi32>
          %eq3A_345 = arith.cmpi eq, %masked_sort3A_323, %gather3A_344 : vector<16xi32>
          %and3A_346 = arith.andi %ge3A_40, %eq3A_345 : vector<16xi1>
          %select_n3A_347 = arith.select %and3A_346, %max3A_29, %iota3A : vector<16xi1>, vector<16xi32>
          %broadcast_in_dim3A_348 = vector.shape_cast %min3A_45 : vector<16xi32> to vector<16x1xi32>
          %gather3A_349 = vector.shape_cast %broadcast_in_dim3A_348 : vector<16x1xi32> to vector<16xi32>
          %gather3A_350 = tpu.dynamic_gather %masked_sort3A_323[%gather3A_349] in [0] : vector<16xi32>, vector<16xi32> -> vector<16xi32>
          %ne3A_351 = arith.cmpi ne, %masked_sort3A_323, %gather3A_350 : vector<16xi32>
          %or3A_352 = arith.ori %ne3A_351, %eq3A_47 : vector<16xi1>
          %gather3A_353 = tpu.vector_load_idx %arg10[%masked_sort3A_322] : memref<10240xf32, #tpu.memory_space<vmem>>[vector<16xi32>], vector<16xf32>,
          tpu.vector_store_idx %arg12[%masked_sort3A_323], %gather3A_353 {add = true} : memref<10240xf32, #tpu.memory_space<vmem>>[vector<16xi32>], vector<16xf32>,
          %mul3A_354 = arith.mulf %gather3A_353, %gather3A_353 : vector<16xf32>
          tpu.vector_store_idx %arg14[%masked_sort3A_323], %mul3A_354 {add = true} : memref<10240xf32, #tpu.memory_space<vmem>>[vector<16xi32>], vector<16xf32>,
          %broadcast_in_dim3A_355 = vector.shape_cast %select_n3A_329 : vector<16xi32> to vector<16x1xi32>
          %gather3A_356 = vector.shape_cast %broadcast_in_dim3A_355 : vector<16x1xi32> to vector<16xi32>
          %gather3A_357 = tpu.dynamic_gather %gather3A_353[%gather3A_356] in [0] : vector<16xf32>, vector<16xi32> -> vector<16xf32>
          %max3A_358 = arith.maximumf %gather3A_353, %gather3A_357 : vector<16xf32>
          %broadcast_in_dim3A_359 = vector.shape_cast %select_n3A_329 : vector<16xi32> to vector<16x1xi32>
          %gather3A_360 = vector.shape_cast %broadcast_in_dim3A_359 : vector<16x1xi32> to vector<16xi32>
          %gather3A_361 = tpu.dynamic_gather %gather3A_353[%gather3A_360] in [0] : vector<16xf32>, vector<16xi32> -> vector<16xf32>
          %min3A_362 = arith.minimumf %gather3A_353, %gather3A_361 : vector<16xf32>
          %broadcast_in_dim3A_363 = vector.shape_cast %select_n3A_335 : vector<16xi32> to vector<16x1xi32>
          %gather3A_364 = vector.shape_cast %broadcast_in_dim3A_363 : vector<16x1xi32> to vector<16xi32>
          %gather3A_365 = tpu.dynamic_gather %max3A_358[%gather3A_364] in [0] : vector<16xf32>, vector<16xi32> -> vector<16xf32>
          %max3A_366 = arith.maximumf %max3A_358, %gather3A_365 : vector<16xf32>
          %broadcast_in_dim3A_367 = vector.shape_cast %select_n3A_335 : vector<16xi32> to vector<16x1xi32>
          %gather3A_368 = vector.shape_cast %broadcast_in_dim3A_367 : vector<16x1xi32> to vector<16xi32>
          %gather3A_369 = tpu.dynamic_gather %min3A_362[%gather3A_368] in [0] : vector<16xf32>, vector<16xi32> -> vector<16xf32>
          %min3A_370 = arith.minimumf %min3A_362, %gather3A_369 : vector<16xf32>
          %broadcast_in_dim3A_371 = vector.shape_cast %select_n3A_341 : vector<16xi32> to vector<16x1xi32>
          %gather3A_372 = vector.shape_cast %broadcast_in_dim3A_371 : vector<16x1xi32> to vector<16xi32>
          %gather3A_373 = tpu.dynamic_gather %max3A_366[%gather3A_372] in [0] : vector<16xf32>, vector<16xi32> -> vector<16xf32>
          %max3A_374 = arith.maximumf %max3A_366, %gather3A_373 : vector<16xf32>
          %broadcast_in_dim3A_375 = vector.shape_cast %select_n3A_341 : vector<16xi32> to vector<16x1xi32>
          %gather3A_376 = vector.shape_cast %broadcast_in_dim3A_375 : vector<16x1xi32> to vector<16xi32>
          %gather3A_377 = tpu.dynamic_gather %min3A_370[%gather3A_376] in [0] : vector<16xf32>, vector<16xi32> -> vector<16xf32>
          %min3A_378 = arith.minimumf %min3A_370, %gather3A_377 : vector<16xf32>
          %broadcast_in_dim3A_379 = vector.shape_cast %select_n3A_347 : vector<16xi32> to vector<16x1xi32>
          %gather3A_380 = vector.shape_cast %broadcast_in_dim3A_379 : vector<16x1xi32> to vector<16xi32>
          %gather3A_381 = tpu.dynamic_gather %max3A_374[%gather3A_380] in [0] : vector<16xf32>, vector<16xi32> -> vector<16xf32>
          %max3A_382 = arith.maximumf %max3A_374, %gather3A_381 : vector<16xf32>
          %broadcast_in_dim3A_383 = vector.shape_cast %select_n3A_347 : vector<16xi32> to vector<16x1xi32>
          %gather3A_384 = vector.shape_cast %broadcast_in_dim3A_383 : vector<16x1xi32> to vector<16xi32>
          %gather3A_385 = tpu.dynamic_gather %min3A_378[%gather3A_384] in [0] : vector<16xf32>, vector<16xi32> -> vector<16xf32>
          %min3A_386 = arith.minimumf %min3A_378, %gather3A_385 : vector<16xf32>
          %gather3A_387 = tpu.vector_load_idx %arg16[%masked_sort3A_323] masked %or3A_352 : memref<10240xf32, #tpu.memory_space<vmem>>[vector<16xi32>], vector<16xf32>, vector<16xi1>
          %max3A_388 = arith.maximumf %gather3A_387, %max3A_382 : vector<16xf32>
          tpu.vector_store_idx %arg16[%masked_sort3A_323], %max3A_388 masked %or3A_352 : memref<10240xf32, #tpu.memory_space<vmem>>[vector<16xi32>], vector<16xf32>, vector<16xi1>
          %gather3A_389 = tpu.vector_load_idx %arg18[%masked_sort3A_323] masked %or3A_352 : memref<10240xf32, #tpu.memory_space<vmem>>[vector<16xi32>], vector<16xf32>, vector<16xi1>
          %min3A_390 = arith.minimumf %gather3A_389, %min3A_386 : vector<16xf32>
          tpu.vector_store_idx %arg18[%masked_sort3A_323], %min3A_390 masked %or3A_352 : memref<10240xf32, #tpu.memory_space<vmem>>[vector<16xi32>], vector<16xf32>, vector<16xi1>
          %gather3A_391 = tpu.vector_load_idx %arg11[%masked_sort3A_322] : memref<10240xf32, #tpu.memory_space<vmem>>[vector<16xi32>], vector<16xf32>,
          tpu.vector_store_idx %arg13[%masked_sort3A_323], %gather3A_391 {add = true} : memref<10240xf32, #tpu.memory_space<vmem>>[vector<16xi32>], vector<16xf32>,
          %mul3A_392 = arith.mulf %gather3A_391, %gather3A_391 : vector<16xf32>
          tpu.vector_store_idx %arg15[%masked_sort3A_323], %mul3A_392 {add = true} : memref<10240xf32, #tpu.memory_space<vmem>>[vector<16xi32>], vector<16xf32>,
          %broadcast_in_dim3A_393 = vector.shape_cast %select_n3A_329 : vector<16xi32> to vector<16x1xi32>
          %gather3A_394 = vector.shape_cast %broadcast_in_dim3A_393 : vector<16x1xi32> to vector<16xi32>
          %gather3A_395 = tpu.dynamic_gather %gather3A_391[%gather3A_394] in [0] : vector<16xf32>, vector<16xi32> -> vector<16xf32>
          %max3A_396 = arith.maximumf %gather3A_391, %gather3A_395 : vector<16xf32>
          %broadcast_in_dim3A_397 = vector.shape_cast %select_n3A_329 : vector<16xi32> to vector<16x1xi32>
          %gather3A_398 = vector.shape_cast %broadcast_in_dim3A_397 : vector<16x1xi32> to vector<16xi32>
          %gather3A_399 = tpu.dynamic_gather %gather3A_391[%gather3A_398] in [0] : vector<16xf32>, vector<16xi32> -> vector<16xf32>
          %min3A_400 = arith.minimumf %gather3A_391, %gather3A_399 : vector<16xf32>
          %broadcast_in_dim3A_401 = vector.shape_cast %select_n3A_335 : vector<16xi32> to vector<16x1xi32>
          %gather3A_402 = vector.shape_cast %broadcast_in_dim3A_401 : vector<16x1xi32> to vector<16xi32>
          %gather3A_403 = tpu.dynamic_gather %max3A_396[%gather3A_402] in [0] : vector<16xf32>, vector<16xi32> -> vector<16xf32>
          %max3A_404 = arith.maximumf %max3A_396, %gather3A_403 : vector<16xf32>
          %broadcast_in_dim3A_405 = vector.shape_cast %select_n3A_335 : vector<16xi32> to vector<16x1xi32>
          %gather3A_406 = vector.shape_cast %broadcast_in_dim3A_405 : vector<16x1xi32> to vector<16xi32>
          %gather3A_407 = tpu.dynamic_gather %min3A_400[%gather3A_406] in [0] : vector<16xf32>, vector<16xi32> -> vector<16xf32>
          %min3A_408 = arith.minimumf %min3A_400, %gather3A_407 : vector<16xf32>
          %broadcast_in_dim3A_409 = vector.shape_cast %select_n3A_341 : vector<16xi32> to vector<16x1xi32>
          %gather3A_410 = vector.shape_cast %broadcast_in_dim3A_409 : vector<16x1xi32> to vector<16xi32>
          %gather3A_411 = tpu.dynamic_gather %max3A_404[%gather3A_410] in [0] : vector<16xf32>, vector<16xi32> -> vector<16xf32>
          %max3A_412 = arith.maximumf %max3A_404, %gather3A_411 : vector<16xf32>
          %broadcast_in_dim3A_413 = vector.shape_cast %select_n3A_341 : vector<16xi32> to vector<16x1xi32>
          %gather3A_414 = vector.shape_cast %broadcast_in_dim3A_413 : vector<16x1xi32> to vector<16xi32>
          %gather3A_415 = tpu.dynamic_gather %min3A_408[%gather3A_414] in [0] : vector<16xf32>, vector<16xi32> -> vector<16xf32>
          %min3A_416 = arith.minimumf %min3A_408, %gather3A_415 : vector<16xf32>
          %broadcast_in_dim3A_417 = vector.shape_cast %select_n3A_347 : vector<16xi32> to vector<16x1xi32>
          %gather3A_418 = vector.shape_cast %broadcast_in_dim3A_417 : vector<16x1xi32> to vector<16xi32>
          %gather3A_419 = tpu.dynamic_gather %max3A_412[%gather3A_418] in [0] : vector<16xf32>, vector<16xi32> -> vector<16xf32>
          %max3A_420 = arith.maximumf %max3A_412, %gather3A_419 : vector<16xf32>
          %broadcast_in_dim3A_421 = vector.shape_cast %select_n3A_347 : vector<16xi32> to vector<16x1xi32>
          %gather3A_422 = vector.shape_cast %broadcast_in_dim3A_421 : vector<16x1xi32> to vector<16xi32>
          %gather3A_423 = tpu.dynamic_gather %min3A_416[%gather3A_422] in [0] : vector<16xf32>, vector<16xi32> -> vector<16xf32>
          %min3A_424 = arith.minimumf %min3A_416, %gather3A_423 : vector<16xf32>
          %gather3A_425 = tpu.vector_load_idx %arg17[%masked_sort3A_323] masked %or3A_352 : memref<10240xf32, #tpu.memory_space<vmem>>[vector<16xi32>], vector<16xf32>, vector<16xi1>
          %max3A_426 = arith.maximumf %gather3A_425, %max3A_420 : vector<16xf32>
          tpu.vector_store_idx %arg17[%masked_sort3A_323], %max3A_426 masked %or3A_352 : memref<10240xf32, #tpu.memory_space<vmem>>[vector<16xi32>], vector<16xf32>, vector<16xi1>
          %gather3A_427 = tpu.vector_load_idx %arg19[%masked_sort3A_323] masked %or3A_352 : memref<10240xf32, #tpu.memory_space<vmem>>[vector<16xi32>], vector<16xf32>, vector<16xi1>
          %min3A_428 = arith.minimumf %gather3A_427, %min3A_424 : vector<16xf32>
          tpu.vector_store_idx %arg19[%masked_sort3A_323], %min3A_428 masked %or3A_352 : memref<10240xf32, #tpu.memory_space<vmem>>[vector<16xi32>], vector<16xf32>, vector<16xi1>
        } else {
        }
      }
      %scan3A_163 = arith.constant 100 : i32
    }
    %scan3A_74 = arith.constant 50 : i32
    "tpu.region"() ({
      %run_scoped3A = tpu.sem_alloc : memref<!tpu.dma_semaphore, #tpu.memory_space<semaphore_mem>>
      %dma_start3A_124 = arith.constant 0 : i32
      %dma_start3A_125 = tpu.memref_slice %arg5[%add3A_55, %dma_start3A_124] : memref<128x10240xf32, #tpu.memory_space<hbm>> -> memref<1x10240xf32, #tpu.memory_space<hbm>>
      %dma_start3A_126 = tpu.memref_squeeze %dma_start3A_125 : memref<1x10240xf32, #tpu.memory_space<hbm>> -> memref<10240xf32, #tpu.memory_space<hbm>>
      %dma_start3A_127 = arith.constant 0 : i32
      %dma_start3A_128 = tpu.memref_slice %arg5[%add3A_55, %dma_start3A_127] : memref<128x10240xf32, #tpu.memory_space<hbm>> -> memref<1x10240xf32, #tpu.memory_space<hbm>>
      %dma_start3A_129 = tpu.memref_squeeze %dma_start3A_128 : memref<1x10240xf32, #tpu.memory_space<hbm>> -> memref<10240xf32, #tpu.memory_space<hbm>>
      tpu.enqueue_dma source(%arg12 : memref<10240xf32, #tpu.memory_space<vmem>>) target(%dma_start3A_129 : memref<10240xf32, #tpu.memory_space<hbm>>) target_semaphore(%run_scoped3A : memref<!tpu.dma_semaphore, #tpu.memory_space<semaphore_mem>>)
      %dma_wait3A = arith.constant 0 : i32
      %dma_wait3A_130 = tpu.memref_slice %arg5[%add3A_55, %dma_wait3A] : memref<128x10240xf32, #tpu.memory_space<hbm>> -> memref<1x10240xf32, #tpu.memory_space<hbm>>
      %dma_wait3A_131 = tpu.memref_squeeze %dma_wait3A_130 : memref<1x10240xf32, #tpu.memory_space<hbm>> -> memref<10240xf32, #tpu.memory_space<hbm>>
      %dma_wait3A_132 = arith.constant 0 : i32
      %dma_wait3A_133 = tpu.memref_slice %arg5[%add3A_55, %dma_wait3A_132] : memref<128x10240xf32, #tpu.memory_space<hbm>> -> memref<1x10240xf32, #tpu.memory_space<hbm>>
      %dma_wait3A_134 = tpu.memref_squeeze %dma_wait3A_133 : memref<1x10240xf32, #tpu.memory_space<hbm>> -> memref<10240xf32, #tpu.memory_space<hbm>>
      tpu.wait_dma2 semaphore(%run_scoped3A : memref<!tpu.dma_semaphore, #tpu.memory_space<semaphore_mem>>) src(%arg12 : memref<10240xf32, #tpu.memory_space<vmem>>) dst(%dma_wait3A_134 : memref<10240xf32, #tpu.memory_space<hbm>>)
      tpu.yield
    }) : () -> ()
    %add3A_75 = arith.constant 1 : i32
    %add3A_76 = arith.addi %add3A_55, %add3A_75 : i32
    "tpu.region"() ({
      %run_scoped3A = tpu.sem_alloc : memref<!tpu.dma_semaphore, #tpu.memory_space<semaphore_mem>>
      %dma_start3A_124 = arith.constant 0 : i32
      %dma_start3A_125 = tpu.memref_slice %arg5[%add3A_76, %dma_start3A_124] : memref<128x10240xf32, #tpu.memory_space<hbm>> -> memref<1x10240xf32, #tpu.memory_space<hbm>>
      %dma_start3A_126 = tpu.memref_squeeze %dma_start3A_125 : memref<1x10240xf32, #tpu.memory_space<hbm>> -> memref<10240xf32, #tpu.memory_space<hbm>>
      %dma_start3A_127 = arith.constant 0 : i32
      %dma_start3A_128 = tpu.memref_slice %arg5[%add3A_76, %dma_start3A_127] : memref<128x10240xf32, #tpu.memory_space<hbm>> -> memref<1x10240xf32, #tpu.memory_space<hbm>>
      %dma_start3A_129 = tpu.memref_squeeze %dma_start3A_128 : memref<1x10240xf32, #tpu.memory_space<hbm>> -> memref<10240xf32, #tpu.memory_space<hbm>>
      tpu.enqueue_dma source(%arg13 : memref<10240xf32, #tpu.memory_space<vmem>>) target(%dma_start3A_129 : memref<10240xf32, #tpu.memory_space<hbm>>) target_semaphore(%run_scoped3A : memref<!tpu.dma_semaphore, #tpu.memory_space<semaphore_mem>>)
      %dma_wait3A = arith.constant 0 : i32
      %dma_wait3A_130 = tpu.memref_slice %arg5[%add3A_76, %dma_wait3A] : memref<128x10240xf32, #tpu.memory_space<hbm>> -> memref<1x10240xf32, #tpu.memory_space<hbm>>
      %dma_wait3A_131 = tpu.memref_squeeze %dma_wait3A_130 : memref<1x10240xf32, #tpu.memory_space<hbm>> -> memref<10240xf32, #tpu.memory_space<hbm>>
      %dma_wait3A_132 = arith.constant 0 : i32
      %dma_wait3A_133 = tpu.memref_slice %arg5[%add3A_76, %dma_wait3A_132] : memref<128x10240xf32, #tpu.memory_space<hbm>> -> memref<1x10240xf32, #tpu.memory_space<hbm>>
      %dma_wait3A_134 = tpu.memref_squeeze %dma_wait3A_133 : memref<1x10240xf32, #tpu.memory_space<hbm>> -> memref<10240xf32, #tpu.memory_space<hbm>>
      tpu.wait_dma2 semaphore(%run_scoped3A : memref<!tpu.dma_semaphore, #tpu.memory_space<semaphore_mem>>) src(%arg13 : memref<10240xf32, #tpu.memory_space<vmem>>) dst(%dma_wait3A_134 : memref<10240xf32, #tpu.memory_space<hbm>>)
      tpu.yield
    }) : () -> ()
    "tpu.region"() ({
      %run_scoped3A = tpu.sem_alloc : memref<!tpu.dma_semaphore, #tpu.memory_space<semaphore_mem>>
      %dma_start3A_124 = arith.constant 0 : i32
      %dma_start3A_125 = tpu.memref_slice %arg6[%add3A_55, %dma_start3A_124] : memref<128x10240xf32, #tpu.memory_space<hbm>> -> memref<1x10240xf32, #tpu.memory_space<hbm>>
      %dma_start3A_126 = tpu.memref_squeeze %dma_start3A_125 : memref<1x10240xf32, #tpu.memory_space<hbm>> -> memref<10240xf32, #tpu.memory_space<hbm>>
      %dma_start3A_127 = arith.constant 0 : i32
      %dma_start3A_128 = tpu.memref_slice %arg6[%add3A_55, %dma_start3A_127] : memref<128x10240xf32, #tpu.memory_space<hbm>> -> memref<1x10240xf32, #tpu.memory_space<hbm>>
      %dma_start3A_129 = tpu.memref_squeeze %dma_start3A_128 : memref<1x10240xf32, #tpu.memory_space<hbm>> -> memref<10240xf32, #tpu.memory_space<hbm>>
      tpu.enqueue_dma source(%arg14 : memref<10240xf32, #tpu.memory_space<vmem>>) target(%dma_start3A_129 : memref<10240xf32, #tpu.memory_space<hbm>>) target_semaphore(%run_scoped3A : memref<!tpu.dma_semaphore, #tpu.memory_space<semaphore_mem>>)
      %dma_wait3A = arith.constant 0 : i32
      %dma_wait3A_130 = tpu.memref_slice %arg6[%add3A_55, %dma_wait3A] : memref<128x10240xf32, #tpu.memory_space<hbm>> -> memref<1x10240xf32, #tpu.memory_space<hbm>>
      %dma_wait3A_131 = tpu.memref_squeeze %dma_wait3A_130 : memref<1x10240xf32, #tpu.memory_space<hbm>> -> memref<10240xf32, #tpu.memory_space<hbm>>
      %dma_wait3A_132 = arith.constant 0 : i32
      %dma_wait3A_133 = tpu.memref_slice %arg6[%add3A_55, %dma_wait3A_132] : memref<128x10240xf32, #tpu.memory_space<hbm>> -> memref<1x10240xf32, #tpu.memory_space<hbm>>
      %dma_wait3A_134 = tpu.memref_squeeze %dma_wait3A_133 : memref<1x10240xf32, #tpu.memory_space<hbm>> -> memref<10240xf32, #tpu.memory_space<hbm>>
      tpu.wait_dma2 semaphore(%run_scoped3A : memref<!tpu.dma_semaphore, #tpu.memory_space<semaphore_mem>>) src(%arg14 : memref<10240xf32, #tpu.memory_space<vmem>>) dst(%dma_wait3A_134 : memref<10240xf32, #tpu.memory_space<hbm>>)
      tpu.yield
    }) : () -> ()
    %add3A_77 = arith.constant 1 : i32
    %add3A_78 = arith.addi %add3A_55, %add3A_77 : i32
    "tpu.region"() ({
      %run_scoped3A = tpu.sem_alloc : memref<!tpu.dma_semaphore, #tpu.memory_space<semaphore_mem>>
      %dma_start3A_124 = arith.constant 0 : i32
      %dma_start3A_125 = tpu.memref_slice %arg6[%add3A_78, %dma_start3A_124] : memref<128x10240xf32, #tpu.memory_space<hbm>> -> memref<1x10240xf32, #tpu.memory_space<hbm>>
      %dma_start3A_126 = tpu.memref_squeeze %dma_start3A_125 : memref<1x10240xf32, #tpu.memory_space<hbm>> -> memref<10240xf32, #tpu.memory_space<hbm>>
      %dma_start3A_127 = arith.constant 0 : i32
      %dma_start3A_128 = tpu.memref_slice %arg6[%add3A_78, %dma_start3A_127] : memref<128x10240xf32, #tpu.memory_space<hbm>> -> memref<1x10240xf32, #tpu.memory_space<hbm>>
      %dma_start3A_129 = tpu.memref_squeeze %dma_start3A_128 : memref<1x10240xf32, #tpu.memory_space<hbm>> -> memref<10240xf32, #tpu.memory_space<hbm>>
      tpu.enqueue_dma source(%arg15 : memref<10240xf32, #tpu.memory_space<vmem>>) target(%dma_start3A_129 : memref<10240xf32, #tpu.memory_space<hbm>>) target_semaphore(%run_scoped3A : memref<!tpu.dma_semaphore, #tpu.memory_space<semaphore_mem>>)
      %dma_wait3A = arith.constant 0 : i32
      %dma_wait3A_130 = tpu.memref_slice %arg6[%add3A_78, %dma_wait3A] : memref<128x10240xf32, #tpu.memory_space<hbm>> -> memref<1x10240xf32, #tpu.memory_space<hbm>>
      %dma_wait3A_131 = tpu.memref_squeeze %dma_wait3A_130 : memref<1x10240xf32, #tpu.memory_space<hbm>> -> memref<10240xf32, #tpu.memory_space<hbm>>
      %dma_wait3A_132 = arith.constant 0 : i32
      %dma_wait3A_133 = tpu.memref_slice %arg6[%add3A_78, %dma_wait3A_132] : memref<128x10240xf32, #tpu.memory_space<hbm>> -> memref<1x10240xf32, #tpu.memory_space<hbm>>
      %dma_wait3A_134 = tpu.memref_squeeze %dma_wait3A_133 : memref<1x10240xf32, #tpu.memory_space<hbm>> -> memref<10240xf32, #tpu.memory_space<hbm>>
      tpu.wait_dma2 semaphore(%run_scoped3A : memref<!tpu.dma_semaphore, #tpu.memory_space<semaphore_mem>>) src(%arg15 : memref<10240xf32, #tpu.memory_space<vmem>>) dst(%dma_wait3A_134 : memref<10240xf32, #tpu.memory_space<hbm>>)
      tpu.yield
    }) : () -> ()
    "tpu.region"() ({
      %run_scoped3A = tpu.sem_alloc : memref<!tpu.dma_semaphore, #tpu.memory_space<semaphore_mem>>
      %dma_start3A_124 = arith.constant 0 : i32
      %dma_start3A_125 = tpu.memref_slice %arg7[%add3A_55, %dma_start3A_124] : memref<128x10240xf32, #tpu.memory_space<hbm>> -> memref<1x10240xf32, #tpu.memory_space<hbm>>
      %dma_start3A_126 = tpu.memref_squeeze %dma_start3A_125 : memref<1x10240xf32, #tpu.memory_space<hbm>> -> memref<10240xf32, #tpu.memory_space<hbm>>
      %dma_start3A_127 = arith.constant 0 : i32
      %dma_start3A_128 = tpu.memref_slice %arg7[%add3A_55, %dma_start3A_127] : memref<128x10240xf32, #tpu.memory_space<hbm>> -> memref<1x10240xf32, #tpu.memory_space<hbm>>
      %dma_start3A_129 = tpu.memref_squeeze %dma_start3A_128 : memref<1x10240xf32, #tpu.memory_space<hbm>> -> memref<10240xf32, #tpu.memory_space<hbm>>
      tpu.enqueue_dma source(%arg16 : memref<10240xf32, #tpu.memory_space<vmem>>) target(%dma_start3A_129 : memref<10240xf32, #tpu.memory_space<hbm>>) target_semaphore(%run_scoped3A : memref<!tpu.dma_semaphore, #tpu.memory_space<semaphore_mem>>)
      %dma_wait3A = arith.constant 0 : i32
      %dma_wait3A_130 = tpu.memref_slice %arg7[%add3A_55, %dma_wait3A] : memref<128x10240xf32, #tpu.memory_space<hbm>> -> memref<1x10240xf32, #tpu.memory_space<hbm>>
      %dma_wait3A_131 = tpu.memref_squeeze %dma_wait3A_130 : memref<1x10240xf32, #tpu.memory_space<hbm>> -> memref<10240xf32, #tpu.memory_space<hbm>>
      %dma_wait3A_132 = arith.constant 0 : i32
      %dma_wait3A_133 = tpu.memref_slice %arg7[%add3A_55, %dma_wait3A_132] : memref<128x10240xf32, #tpu.memory_space<hbm>> -> memref<1x10240xf32, #tpu.memory_space<hbm>>
      %dma_wait3A_134 = tpu.memref_squeeze %dma_wait3A_133 : memref<1x10240xf32, #tpu.memory_space<hbm>> -> memref<10240xf32, #tpu.memory_space<hbm>>
      tpu.wait_dma2 semaphore(%run_scoped3A : memref<!tpu.dma_semaphore, #tpu.memory_space<semaphore_mem>>) src(%arg16 : memref<10240xf32, #tpu.memory_space<vmem>>) dst(%dma_wait3A_134 : memref<10240xf32, #tpu.memory_space<hbm>>)
      tpu.yield
    }) : () -> ()
    %add3A_79 = arith.constant 1 : i32
    %add3A_80 = arith.addi %add3A_55, %add3A_79 : i32
    "tpu.region"() ({
      %run_scoped3A = tpu.sem_alloc : memref<!tpu.dma_semaphore, #tpu.memory_space<semaphore_mem>>
      %dma_start3A_124 = arith.constant 0 : i32
      %dma_start3A_125 = tpu.memref_slice %arg7[%add3A_80, %dma_start3A_124] : memref<128x10240xf32, #tpu.memory_space<hbm>> -> memref<1x10240xf32, #tpu.memory_space<hbm>>
      %dma_start3A_126 = tpu.memref_squeeze %dma_start3A_125 : memref<1x10240xf32, #tpu.memory_space<hbm>> -> memref<10240xf32, #tpu.memory_space<hbm>>
      %dma_start3A_127 = arith.constant 0 : i32
      %dma_start3A_128 = tpu.memref_slice %arg7[%add3A_80, %dma_start3A_127] : memref<128x10240xf32, #tpu.memory_space<hbm>> -> memref<1x10240xf32, #tpu.memory_space<hbm>>
      %dma_start3A_129 = tpu.memref_squeeze %dma_start3A_128 : memref<1x10240xf32, #tpu.memory_space<hbm>> -> memref<10240xf32, #tpu.memory_space<hbm>>
      tpu.enqueue_dma source(%arg17 : memref<10240xf32, #tpu.memory_space<vmem>>) target(%dma_start3A_129 : memref<10240xf32, #tpu.memory_space<hbm>>) target_semaphore(%run_scoped3A : memref<!tpu.dma_semaphore, #tpu.memory_space<semaphore_mem>>)
      %dma_wait3A = arith.constant 0 : i32
      %dma_wait3A_130 = tpu.memref_slice %arg7[%add3A_80, %dma_wait3A] : memref<128x10240xf32, #tpu.memory_space<hbm>> -> memref<1x10240xf32, #tpu.memory_space<hbm>>
      %dma_wait3A_131 = tpu.memref_squeeze %dma_wait3A_130 : memref<1x10240xf32, #tpu.memory_space<hbm>> -> memref<10240xf32, #tpu.memory_space<hbm>>
      %dma_wait3A_132 = arith.constant 0 : i32
      %dma_wait3A_133 = tpu.memref_slice %arg7[%add3A_80, %dma_wait3A_132] : memref<128x10240xf32, #tpu.memory_space<hbm>> -> memref<1x10240xf32, #tpu.memory_space<hbm>>
      %dma_wait3A_134 = tpu.memref_squeeze %dma_wait3A_133 : memref<1x10240xf32, #tpu.memory_space<hbm>> -> memref<10240xf32, #tpu.memory_space<hbm>>
      tpu.wait_dma2 semaphore(%run_scoped3A : memref<!tpu.dma_semaphore, #tpu.memory_space<semaphore_mem>>) src(%arg17 : memref<10240xf32, #tpu.memory_space<vmem>>) dst(%dma_wait3A_134 : memref<10240xf32, #tpu.memory_space<hbm>>)
      tpu.yield
    }) : () -> ()
    "tpu.region"() ({
      %run_scoped3A = tpu.sem_alloc : memref<!tpu.dma_semaphore, #tpu.memory_space<semaphore_mem>>
      %dma_start3A_124 = arith.constant 0 : i32
      %dma_start3A_125 = tpu.memref_slice %arg8[%add3A_55, %dma_start3A_124] : memref<128x10240xf32, #tpu.memory_space<hbm>> -> memref<1x10240xf32, #tpu.memory_space<hbm>>
      %dma_start3A_126 = tpu.memref_squeeze %dma_start3A_125 : memref<1x10240xf32, #tpu.memory_space<hbm>> -> memref<10240xf32, #tpu.memory_space<hbm>>
      %dma_start3A_127 = arith.constant 0 : i32
      %dma_start3A_128 = tpu.memref_slice %arg8[%add3A_55, %dma_start3A_127] : memref<128x10240xf32, #tpu.memory_space<hbm>> -> memref<1x10240xf32, #tpu.memory_space<hbm>>
      %dma_start3A_129 = tpu.memref_squeeze %dma_start3A_128 : memref<1x10240xf32, #tpu.memory_space<hbm>> -> memref<10240xf32, #tpu.memory_space<hbm>>
      tpu.enqueue_dma source(%arg18 : memref<10240xf32, #tpu.memory_space<vmem>>) target(%dma_start3A_129 : memref<10240xf32, #tpu.memory_space<hbm>>) target_semaphore(%run_scoped3A : memref<!tpu.dma_semaphore, #tpu.memory_space<semaphore_mem>>)
      %dma_wait3A = arith.constant 0 : i32
      %dma_wait3A_130 = tpu.memref_slice %arg8[%add3A_55, %dma_wait3A] : memref<128x10240xf32, #tpu.memory_space<hbm>> -> memref<1x10240xf32, #tpu.memory_space<hbm>>
      %dma_wait3A_131 = tpu.memref_squeeze %dma_wait3A_130 : memref<1x10240xf32, #tpu.memory_space<hbm>> -> memref<10240xf32, #tpu.memory_space<hbm>>
      %dma_wait3A_132 = arith.constant 0 : i32
      %dma_wait3A_133 = tpu.memref_slice %arg8[%add3A_55, %dma_wait3A_132] : memref<128x10240xf32, #tpu.memory_space<hbm>> -> memref<1x10240xf32, #tpu.memory_space<hbm>>
      %dma_wait3A_134 = tpu.memref_squeeze %dma_wait3A_133 : memref<1x10240xf32, #tpu.memory_space<hbm>> -> memref<10240xf32, #tpu.memory_space<hbm>>
      tpu.wait_dma2 semaphore(%run_scoped3A : memref<!tpu.dma_semaphore, #tpu.memory_space<semaphore_mem>>) src(%arg18 : memref<10240xf32, #tpu.memory_space<vmem>>) dst(%dma_wait3A_134 : memref<10240xf32, #tpu.memory_space<hbm>>)
      tpu.yield
    }) : () -> ()
    %add3A_81 = arith.constant 1 : i32
    %add3A_82 = arith.addi %add3A_55, %add3A_81 : i32
    "tpu.region"() ({
      %run_scoped3A = tpu.sem_alloc : memref<!tpu.dma_semaphore, #tpu.memory_space<semaphore_mem>>
      %dma_start3A_124 = arith.constant 0 : i32
      %dma_start3A_125 = tpu.memref_slice %arg8[%add3A_82, %dma_start3A_124] : memref<128x10240xf32, #tpu.memory_space<hbm>> -> memref<1x10240xf32, #tpu.memory_space<hbm>>
      %dma_start3A_126 = tpu.memref_squeeze %dma_start3A_125 : memref<1x10240xf32, #tpu.memory_space<hbm>> -> memref<10240xf32, #tpu.memory_space<hbm>>
      %dma_start3A_127 = arith.constant 0 : i32
      %dma_start3A_128 = tpu.memref_slice %arg8[%add3A_82, %dma_start3A_127] : memref<128x10240xf32, #tpu.memory_space<hbm>> -> memref<1x10240xf32, #tpu.memory_space<hbm>>
      %dma_start3A_129 = tpu.memref_squeeze %dma_start3A_128 : memref<1x10240xf32, #tpu.memory_space<hbm>> -> memref<10240xf32, #tpu.memory_space<hbm>>
      tpu.enqueue_dma source(%arg19 : memref<10240xf32, #tpu.memory_space<vmem>>) target(%dma_start3A_129 : memref<10240xf32, #tpu.memory_space<hbm>>) target_semaphore(%run_scoped3A : memref<!tpu.dma_semaphore, #tpu.memory_space<semaphore_mem>>)
      %dma_wait3A = arith.constant 0 : i32
      %dma_wait3A_130 = tpu.memref_slice %arg8[%add3A_82, %dma_wait3A] : memref<128x10240xf32, #tpu.memory_space<hbm>> -> memref<1x10240xf32, #tpu.memory_space<hbm>>
      %dma_wait3A_131 = tpu.memref_squeeze %dma_wait3A_130 : memref<1x10240xf32, #tpu.memory_space<hbm>> -> memref<10240xf32, #tpu.memory_space<hbm>>
      %dma_wait3A_132 = arith.constant 0 : i32
      %dma_wait3A_133 = tpu.memref_slice %arg8[%add3A_82, %dma_wait3A_132] : memref<128x10240xf32, #tpu.memory_space<hbm>> -> memref<1x10240xf32, #tpu.memory_space<hbm>>
      %dma_wait3A_134 = tpu.memref_squeeze %dma_wait3A_133 : memref<1x10240xf32, #tpu.memory_space<hbm>> -> memref<10240xf32, #tpu.memory_space<hbm>>
      tpu.wait_dma2 semaphore(%run_scoped3A : memref<!tpu.dma_semaphore, #tpu.memory_space<semaphore_mem>>) src(%arg19 : memref<10240xf32, #tpu.memory_space<vmem>>) dst(%dma_wait3A_134 : memref<10240xf32, #tpu.memory_space<hbm>>)
      tpu.yield
    }) : () -> ()
    %mul3A_83 = arith.constant 2 : i32
    %mul3A_84 = arith.muli %mul3A_83, %add3A : i32
    %add3A_85 = arith.constant 64 : i32
    %add3A_86 = arith.addi %add3A_85, %mul3A_84 : i32
    %scan3A_87 = arith.constant 0 : i32
    %scan3A_88 = arith.constant 640 : i32
    %scan3A_89 = arith.addi %scan3A_87, %scan3A_88 : i32
    %scan3A_90 = arith.constant 1 : i32
    scf.for %scan3A_124 = %scan3A_87 to %scan3A_89 step %scan3A_90  : i32 {
      %mul3A_125 = arith.constant 16 : i32
      %mul3A_126 = arith.muli %scan3A_124, %mul3A_125 : i32
      %add3A_127 = arith.constant 0 : i32
      %add3A_128 = arith.addi %add3A_127, %mul3A_126 : i32
      %swap3A = arith.index_cast %add3A_128 : i32 to index
      %swap3A_129 = tpu.vector_load %arg12[%swap3A] {strides = array<i32>} : memref<10240xf32, #tpu.memory_space<vmem>>, vector<16xf32>,
      tpu.vector_store %arg12[%swap3A], %broadcast_in_dim3A_1 {strides = array<i32>} : memref<10240xf32, #tpu.memory_space<vmem>>, vector<16xf32>,
      %swap3A_130 = arith.index_cast %add3A_128 : i32 to index
      %swap3A_131 = tpu.vector_load %arg13[%swap3A_130] {strides = array<i32>} : memref<10240xf32, #tpu.memory_space<vmem>>, vector<16xf32>,
      tpu.vector_store %arg13[%swap3A_130], %broadcast_in_dim3A_1 {strides = array<i32>} : memref<10240xf32, #tpu.memory_space<vmem>>, vector<16xf32>,
      %swap3A_132 = arith.index_cast %add3A_128 : i32 to index
      %swap3A_133 = tpu.vector_load %arg14[%swap3A_132] {strides = array<i32>} : memref<10240xf32, #tpu.memory_space<vmem>>, vector<16xf32>,
      tpu.vector_store %arg14[%swap3A_132], %broadcast_in_dim3A_1 {strides = array<i32>} : memref<10240xf32, #tpu.memory_space<vmem>>, vector<16xf32>,
      %swap3A_134 = arith.index_cast %add3A_128 : i32 to index
      %swap3A_135 = tpu.vector_load %arg15[%swap3A_134] {strides = array<i32>} : memref<10240xf32, #tpu.memory_space<vmem>>, vector<16xf32>,
      tpu.vector_store %arg15[%swap3A_134], %broadcast_in_dim3A_1 {strides = array<i32>} : memref<10240xf32, #tpu.memory_space<vmem>>, vector<16xf32>,
      %swap3A_136 = arith.index_cast %add3A_128 : i32 to index
      %swap3A_137 = tpu.vector_load %arg16[%swap3A_136] {strides = array<i32>} : memref<10240xf32, #tpu.memory_space<vmem>>, vector<16xf32>,
      tpu.vector_store %arg16[%swap3A_136], %broadcast_in_dim3A_3 {strides = array<i32>} : memref<10240xf32, #tpu.memory_space<vmem>>, vector<16xf32>,
      %swap3A_138 = arith.index_cast %add3A_128 : i32 to index
      %swap3A_139 = tpu.vector_load %arg17[%swap3A_138] {strides = array<i32>} : memref<10240xf32, #tpu.memory_space<vmem>>, vector<16xf32>,
      tpu.vector_store %arg17[%swap3A_138], %broadcast_in_dim3A_3 {strides = array<i32>} : memref<10240xf32, #tpu.memory_space<vmem>>, vector<16xf32>,
      %swap3A_140 = arith.index_cast %add3A_128 : i32 to index
      %swap3A_141 = tpu.vector_load %arg18[%swap3A_140] {strides = array<i32>} : memref<10240xf32, #tpu.memory_space<vmem>>, vector<16xf32>,
      tpu.vector_store %arg18[%swap3A_140], %broadcast_in_dim3A_5 {strides = array<i32>} : memref<10240xf32, #tpu.memory_space<vmem>>, vector<16xf32>,
      %swap3A_142 = arith.index_cast %add3A_128 : i32 to index
      %swap3A_143 = tpu.vector_load %arg19[%swap3A_142] {strides = array<i32>} : memref<10240xf32, #tpu.memory_space<vmem>>, vector<16xf32>,
      tpu.vector_store %arg19[%swap3A_142], %broadcast_in_dim3A_5 {strides = array<i32>} : memref<10240xf32, #tpu.memory_space<vmem>>, vector<16xf32>,
    }
    %scan3A_91 = arith.constant 640 : i32
    "tpu.region"() ({
      %run_scoped3A = tpu.sem_alloc : memref<!tpu.dma_semaphore, #tpu.memory_space<semaphore_mem>>
      %dma_start3A_124 = arith.constant 0 : i32
      %dma_start3A_125 = tpu.memref_slice %arg2[%add3A_86, %dma_start3A_124] : memref<128x10240xf32, #tpu.memory_space<hbm>> -> memref<1x10240xf32, #tpu.memory_space<hbm>>
      %dma_start3A_126 = tpu.memref_squeeze %dma_start3A_125 : memref<1x10240xf32, #tpu.memory_space<hbm>> -> memref<10240xf32, #tpu.memory_space<hbm>>
      %dma_start3A_127 = arith.constant 0 : i32
      %dma_start3A_128 = tpu.memref_slice %arg2[%add3A_86, %dma_start3A_127] : memref<128x10240xf32, #tpu.memory_space<hbm>> -> memref<1x10240xf32, #tpu.memory_space<hbm>>
      %dma_start3A_129 = tpu.memref_squeeze %dma_start3A_128 : memref<1x10240xf32, #tpu.memory_space<hbm>> -> memref<10240xf32, #tpu.memory_space<hbm>>
      tpu.enqueue_dma source(%dma_start3A_129 : memref<10240xf32, #tpu.memory_space<hbm>>) target(%arg10 : memref<10240xf32, #tpu.memory_space<vmem>>) target_semaphore(%run_scoped3A : memref<!tpu.dma_semaphore, #tpu.memory_space<semaphore_mem>>)
      %dma_wait3A = arith.constant 0 : i32
      %dma_wait3A_130 = tpu.memref_slice %arg2[%add3A_86, %dma_wait3A] : memref<128x10240xf32, #tpu.memory_space<hbm>> -> memref<1x10240xf32, #tpu.memory_space<hbm>>
      %dma_wait3A_131 = tpu.memref_squeeze %dma_wait3A_130 : memref<1x10240xf32, #tpu.memory_space<hbm>> -> memref<10240xf32, #tpu.memory_space<hbm>>
      %dma_wait3A_132 = arith.constant 0 : i32
      %dma_wait3A_133 = tpu.memref_slice %arg2[%add3A_86, %dma_wait3A_132] : memref<128x10240xf32, #tpu.memory_space<hbm>> -> memref<1x10240xf32, #tpu.memory_space<hbm>>
      %dma_wait3A_134 = tpu.memref_squeeze %dma_wait3A_133 : memref<1x10240xf32, #tpu.memory_space<hbm>> -> memref<10240xf32, #tpu.memory_space<hbm>>
      tpu.wait_dma2 semaphore(%run_scoped3A : memref<!tpu.dma_semaphore, #tpu.memory_space<semaphore_mem>>) src(%dma_wait3A_134 : memref<10240xf32, #tpu.memory_space<hbm>>) dst(%arg10 : memref<10240xf32, #tpu.memory_space<vmem>>)
      tpu.yield
    }) : () -> ()
    %add3A_92 = arith.constant 1 : i32
    %add3A_93 = arith.addi %add3A_86, %add3A_92 : i32
    "tpu.region"() ({
      %run_scoped3A = tpu.sem_alloc : memref<!tpu.dma_semaphore, #tpu.memory_space<semaphore_mem>>
      %dma_start3A_124 = arith.constant 0 : i32
      %dma_start3A_125 = tpu.memref_slice %arg2[%add3A_93, %dma_start3A_124] : memref<128x10240xf32, #tpu.memory_space<hbm>> -> memref<1x10240xf32, #tpu.memory_space<hbm>>
      %dma_start3A_126 = tpu.memref_squeeze %dma_start3A_125 : memref<1x10240xf32, #tpu.memory_space<hbm>> -> memref<10240xf32, #tpu.memory_space<hbm>>
      %dma_start3A_127 = arith.constant 0 : i32
      %dma_start3A_128 = tpu.memref_slice %arg2[%add3A_93, %dma_start3A_127] : memref<128x10240xf32, #tpu.memory_space<hbm>> -> memref<1x10240xf32, #tpu.memory_space<hbm>>
      %dma_start3A_129 = tpu.memref_squeeze %dma_start3A_128 : memref<1x10240xf32, #tpu.memory_space<hbm>> -> memref<10240xf32, #tpu.memory_space<hbm>>
      tpu.enqueue_dma source(%dma_start3A_129 : memref<10240xf32, #tpu.memory_space<hbm>>) target(%arg11 : memref<10240xf32, #tpu.memory_space<vmem>>) target_semaphore(%run_scoped3A : memref<!tpu.dma_semaphore, #tpu.memory_space<semaphore_mem>>)
      %dma_wait3A = arith.constant 0 : i32
      %dma_wait3A_130 = tpu.memref_slice %arg2[%add3A_93, %dma_wait3A] : memref<128x10240xf32, #tpu.memory_space<hbm>> -> memref<1x10240xf32, #tpu.memory_space<hbm>>
      %dma_wait3A_131 = tpu.memref_squeeze %dma_wait3A_130 : memref<1x10240xf32, #tpu.memory_space<hbm>> -> memref<10240xf32, #tpu.memory_space<hbm>>
      %dma_wait3A_132 = arith.constant 0 : i32
      %dma_wait3A_133 = tpu.memref_slice %arg2[%add3A_93, %dma_wait3A_132] : memref<128x10240xf32, #tpu.memory_space<hbm>> -> memref<1x10240xf32, #tpu.memory_space<hbm>>
      %dma_wait3A_134 = tpu.memref_squeeze %dma_wait3A_133 : memref<1x10240xf32, #tpu.memory_space<hbm>> -> memref<10240xf32, #tpu.memory_space<hbm>>
      tpu.wait_dma2 semaphore(%run_scoped3A : memref<!tpu.dma_semaphore, #tpu.memory_space<semaphore_mem>>) src(%dma_wait3A_134 : memref<10240xf32, #tpu.memory_space<hbm>>) dst(%arg11 : memref<10240xf32, #tpu.memory_space<vmem>>)
      tpu.yield
    }) : () -> ()
    %dma_start3A_94 = arith.constant 0 : i32
    %dma_start3A_95 = tpu.memref_slice %arg4[%dma_start3A_94] : memref<320000xi32, #tpu.memory_space<hbm>> -> memref<3200xi32, #tpu.memory_space<hbm>>
    %dma_start3A_96 = arith.constant 0 : i32
    %dma_start3A_97 = tpu.memref_slice %arg4[%dma_start3A_96] : memref<320000xi32, #tpu.memory_space<hbm>> -> memref<3200xi32, #tpu.memory_space<hbm>>
    tpu.enqueue_dma source(%dma_start3A_97 : memref<3200xi32, #tpu.memory_space<hbm>>) target(%arg21 : memref<3200xi32, #tpu.memory_space<vmem>>) target_semaphore(%arg25 : memref<!tpu.dma_semaphore, #tpu.memory_space<semaphore_mem>>)
    %dma_start3A_98 = arith.constant 0 : i32
    %dma_start3A_99 = tpu.memref_slice %arg3[%dma_start3A_98] : memref<320000xi32, #tpu.memory_space<hbm>> -> memref<3200xi32, #tpu.memory_space<hbm>>
    %dma_start3A_100 = arith.constant 0 : i32
    %dma_start3A_101 = tpu.memref_slice %arg3[%dma_start3A_100] : memref<320000xi32, #tpu.memory_space<hbm>> -> memref<3200xi32, #tpu.memory_space<hbm>>
    tpu.enqueue_dma source(%dma_start3A_101 : memref<3200xi32, #tpu.memory_space<hbm>>) target(%arg22 : memref<3200xi32, #tpu.memory_space<vmem>>) target_semaphore(%arg25 : memref<!tpu.dma_semaphore, #tpu.memory_space<semaphore_mem>>)
    %scan3A_102 = arith.constant 0 : i32
    %scan3A_103 = arith.constant 50 : i32
    %scan3A_104 = arith.addi %scan3A_102, %scan3A_103 : i32
    %scan3A_105 = arith.constant 1 : i32
    scf.for %scan3A_124 = %scan3A_102 to %scan3A_104 step %scan3A_105  : i32 {
      %mul3A_125 = arith.constant 6400 : i32
      %mul3A_126 = arith.muli %scan3A_124, %mul3A_125 : i32
      %add3A_127 = arith.constant 0 : i32
      %add3A_128 = arith.addi %add3A_127, %mul3A_126 : i32
      %add3A_129 = arith.constant 0 : i32
      %add3A_130 = arith.addi %add3A_128, %add3A_129 : i32
      %add3A_131 = arith.constant 3200 : i32
      %add3A_132 = arith.addi %add3A_130, %add3A_131 : i32
      %lt3A_133 = arith.constant 320000 : i32
      %lt3A_134 = arith.cmpi slt, %add3A_132, %lt3A_133 : i32
      %convert_element_type3A_135 = arith.extui %lt3A_134 : i1 to i32
      %cond3A_136 = arith.constant 0 : i32
      %cond3A_137 = arith.cmpi ne, %convert_element_type3A_135, %cond3A_136 : i32
      scf.if %cond3A_137 {
        %dma_start3A_164 = tpu.memref_slice %arg4[%add3A_132] : memref<320000xi32, #tpu.memory_space<hbm>> -> memref<3200xi32, #tpu.memory_space<hbm>>
        %dma_start3A_165 = tpu.memref_slice %arg4[%add3A_132] : memref<320000xi32, #tpu.memory_space<hbm>> -> memref<3200xi32, #tpu.memory_space<hbm>>
        tpu.enqueue_dma source(%dma_start3A_165 : memref<3200xi32, #tpu.memory_space<hbm>>) target(%arg23 : memref<3200xi32, #tpu.memory_space<vmem>>) target_semaphore(%arg26 : memref<!tpu.dma_semaphore, #tpu.memory_space<semaphore_mem>>)
        %dma_start3A_166 = tpu.memref_slice %arg3[%add3A_132] : memref<320000xi32, #tpu.memory_space<hbm>> -> memref<3200xi32, #tpu.memory_space<hbm>>
        %dma_start3A_167 = tpu.memref_slice %arg3[%add3A_132] : memref<320000xi32, #tpu.memory_space<hbm>> -> memref<3200xi32, #tpu.memory_space<hbm>>
        tpu.enqueue_dma source(%dma_start3A_167 : memref<3200xi32, #tpu.memory_space<hbm>>) target(%arg24 : memref<3200xi32, #tpu.memory_space<vmem>>) target_semaphore(%arg26 : memref<!tpu.dma_semaphore, #tpu.memory_space<semaphore_mem>>)
      } else {
      }
      %dma_wait3A = tpu.memref_slice %arg4[%add3A_130] : memref<320000xi32, #tpu.memory_space<hbm>> -> memref<3200xi32, #tpu.memory_space<hbm>>
      %dma_wait3A_138 = tpu.memref_slice %arg4[%add3A_130] : memref<320000xi32, #tpu.memory_space<hbm>> -> memref<3200xi32, #tpu.memory_space<hbm>>
      tpu.wait_dma2 semaphore(%arg25 : memref<!tpu.dma_semaphore, #tpu.memory_space<semaphore_mem>>) src(%dma_wait3A_138 : memref<3200xi32, #tpu.memory_space<hbm>>) dst(%arg21 : memref<3200xi32, #tpu.memory_space<vmem>>)
      %dma_wait3A_139 = tpu.memref_slice %arg3[%add3A_130] : memref<320000xi32, #tpu.memory_space<hbm>> -> memref<3200xi32, #tpu.memory_space<hbm>>
      %dma_wait3A_140 = tpu.memref_slice %arg3[%add3A_130] : memref<320000xi32, #tpu.memory_space<hbm>> -> memref<3200xi32, #tpu.memory_space<hbm>>
      tpu.wait_dma2 semaphore(%arg25 : memref<!tpu.dma_semaphore, #tpu.memory_space<semaphore_mem>>) src(%dma_wait3A_140 : memref<3200xi32, #tpu.memory_space<hbm>>) dst(%arg22 : memref<3200xi32, #tpu.memory_space<vmem>>)
      %scan3A_141 = arith.constant 0 : i32
      %scan3A_142 = arith.constant 100 : i32
      %scan3A_143 = arith.addi %scan3A_141, %scan3A_142 : i32
      %scan3A_144 = arith.constant 1 : i32
      scf.for %scan3A_164 = %scan3A_141 to %scan3A_143 step %scan3A_144  : i32 {
        %mul3A_165 = arith.constant 32 : i32
        %mul3A_166 = arith.muli %scan3A_164, %mul3A_165 : i32
        %add3A_167 = arith.constant 0 : i32
        %add3A_168 = arith.addi %add3A_167, %mul3A_166 : i32
        %get3A = arith.index_cast %add3A_168 : i32 to index
        %get3A_169 = tpu.vector_load %arg21[%get3A] {strides = array<i32>} : memref<3200xi32, #tpu.memory_space<vmem>>, vector<16xi32>,
        %get3A_170 = arith.index_cast %add3A_168 : i32 to index
        %get3A_171 = tpu.vector_load %arg22[%get3A_170] {strides = array<i32>} : memref<3200xi32, #tpu.memory_space<vmem>>, vector<16xi32>,
        %add3A_172 = arith.constant 16 : i32
        %add3A_173 = arith.addi %add3A_168, %add3A_172 : i32
        %get3A_174 = arith.index_cast %add3A_173 : i32 to index
        %get3A_175 = tpu.vector_load %arg21[%get3A_174] {strides = array<i32>} : memref<3200xi32, #tpu.memory_space<vmem>>, vector<16xi32>,
        %add3A_176 = arith.constant 16 : i32
        %add3A_177 = arith.addi %add3A_168, %add3A_176 : i32
        %get3A_178 = arith.index_cast %add3A_177 : i32 to index
        %get3A_179 = tpu.vector_load %arg22[%get3A_178] {strides = array<i32>} : memref<3200xi32, #tpu.memory_space<vmem>>, vector<16xi32>,
        %broadcast_in_dim3A_180 = arith.constant true
        %broadcast_in_dim3A_181 = vector.broadcast %broadcast_in_dim3A_180 : i1 to vector<16xi1>
        %unique3A, %unique3A_182 = tpu.scan_count mask(%broadcast_in_dim3A_181 : vector<16xi1>) value(%get3A_169 : vector<16xi32>) : vector<16xi1>, vector<16xi32>
        %broadcast_in_dim3A_183 = arith.constant true
        %broadcast_in_dim3A_184 = vector.broadcast %broadcast_in_dim3A_183 : i1 to vector<16xi1>
        %unique3A_185, %unique3A_186 = tpu.scan_count mask(%broadcast_in_dim3A_184 : vector<16xi1>) value(%get3A_175 : vector<16xi32>) : vector<16xi1>, vector<16xi32>
        %max3A_187 = arith.maxsi %unique3A_182, %unique3A_186 : vector<16xi32>
        %reduce_max3A = arith.constant true
        %reduce_max3A_188 = vector.broadcast %reduce_max3A : i1 to vector<16xi1>
        %reduce_max3A_189 = arith.constant -2147483648 : i32
        %reduce_max3A_190 = vector.broadcast %reduce_max3A_189 : i32 to vector<16xi32>
        %reduce_max3A_191 = arith.xori %max3A_187, %reduce_max3A_190 : vector<16xi32>
        %reduce_max3A_192 = tpu.scan <max>, %reduce_max3A_191 masked %reduce_max3A_188 : vector<16xi32>, vector<16xi1> -> vector<16xi32>
        %reduce_max3A_193 = arith.xori %reduce_max3A_192, %reduce_max3A_190 : vector<16xi32>
        %reduce_max3A_194 = vector.extract %reduce_max3A_193[15] : i32 from vector<16xi32>
        %gt3A = arith.constant 1 : i32
        %gt3A_195 = arith.cmpi sgt, %reduce_max3A_194, %gt3A : i32
        %not3A = arith.constant true
        %not3A_196 = arith.xori %gt3A_195, %not3A : i1
        %convert_element_type3A_197 = arith.extui %not3A_196 : i1 to i32
        %cond3A_198 = arith.constant 0 : i32
        %cond3A_199 = arith.cmpi ne, %convert_element_type3A_197, %cond3A_198 : i32
        scf.if %cond3A_199 {
          %gather3A = tpu.vector_load_idx %arg10[%get3A_171] : memref<10240xf32, #tpu.memory_space<vmem>>[vector<16xi32>], vector<16xf32>,
          tpu.vector_store_idx %arg12[%get3A_169], %gather3A {add = true} : memref<10240xf32, #tpu.memory_space<vmem>>[vector<16xi32>], vector<16xf32>,
          %mul3A_203 = arith.mulf %gather3A, %gather3A : vector<16xf32>
          tpu.vector_store_idx %arg14[%get3A_169], %mul3A_203 {add = true} : memref<10240xf32, #tpu.memory_space<vmem>>[vector<16xi32>], vector<16xf32>,
          %gather3A_204 = tpu.vector_load_idx %arg16[%get3A_169] : memref<10240xf32, #tpu.memory_space<vmem>>[vector<16xi32>], vector<16xf32>,
          %max3A_205 = arith.maximumf %gather3A_204, %gather3A : vector<16xf32>
          tpu.vector_store_idx %arg16[%get3A_169], %max3A_205 : memref<10240xf32, #tpu.memory_space<vmem>>[vector<16xi32>], vector<16xf32>,
          %gather3A_206 = tpu.vector_load_idx %arg18[%get3A_169] : memref<10240xf32, #tpu.memory_space<vmem>>[vector<16xi32>], vector<16xf32>,
          %min3A_207 = arith.minimumf %gather3A_206, %gather3A : vector<16xf32>
          tpu.vector_store_idx %arg18[%get3A_169], %min3A_207 : memref<10240xf32, #tpu.memory_space<vmem>>[vector<16xi32>], vector<16xf32>,
          %gather3A_208 = tpu.vector_load_idx %arg11[%get3A_171] : memref<10240xf32, #tpu.memory_space<vmem>>[vector<16xi32>], vector<16xf32>,
          tpu.vector_store_idx %arg13[%get3A_169], %gather3A_208 {add = true} : memref<10240xf32, #tpu.memory_space<vmem>>[vector<16xi32>], vector<16xf32>,
          %mul3A_209 = arith.mulf %gather3A_208, %gather3A_208 : vector<16xf32>
          tpu.vector_store_idx %arg15[%get3A_169], %mul3A_209 {add = true} : memref<10240xf32, #tpu.memory_space<vmem>>[vector<16xi32>], vector<16xf32>,
          %gather3A_210 = tpu.vector_load_idx %arg17[%get3A_169] : memref<10240xf32, #tpu.memory_space<vmem>>[vector<16xi32>], vector<16xf32>,
          %max3A_211 = arith.maximumf %gather3A_210, %gather3A_208 : vector<16xf32>
          tpu.vector_store_idx %arg17[%get3A_169], %max3A_211 : memref<10240xf32, #tpu.memory_space<vmem>>[vector<16xi32>], vector<16xf32>,
          %gather3A_212 = tpu.vector_load_idx %arg19[%get3A_169] : memref<10240xf32, #tpu.memory_space<vmem>>[vector<16xi32>], vector<16xf32>,
          %min3A_213 = arith.minimumf %gather3A_212, %gather3A_208 : vector<16xf32>
          tpu.vector_store_idx %arg19[%get3A_169], %min3A_213 : memref<10240xf32, #tpu.memory_space<vmem>>[vector<16xi32>], vector<16xf32>,
          %gather3A_214 = tpu.vector_load_idx %arg10[%get3A_179] : memref<10240xf32, #tpu.memory_space<vmem>>[vector<16xi32>], vector<16xf32>,
          tpu.vector_store_idx %arg12[%get3A_175], %gather3A_214 {add = true} : memref<10240xf32, #tpu.memory_space<vmem>>[vector<16xi32>], vector<16xf32>,
          %mul3A_215 = arith.mulf %gather3A_214, %gather3A_214 : vector<16xf32>
          tpu.vector_store_idx %arg14[%get3A_175], %mul3A_215 {add = true} : memref<10240xf32, #tpu.memory_space<vmem>>[vector<16xi32>], vector<16xf32>,
          %gather3A_216 = tpu.vector_load_idx %arg16[%get3A_175] : memref<10240xf32, #tpu.memory_space<vmem>>[vector<16xi32>], vector<16xf32>,
          %max3A_217 = arith.maximumf %gather3A_216, %gather3A_214 : vector<16xf32>
          tpu.vector_store_idx %arg16[%get3A_175], %max3A_217 : memref<10240xf32, #tpu.memory_space<vmem>>[vector<16xi32>], vector<16xf32>,
          %gather3A_218 = tpu.vector_load_idx %arg18[%get3A_175] : memref<10240xf32, #tpu.memory_space<vmem>>[vector<16xi32>], vector<16xf32>,
          %min3A_219 = arith.minimumf %gather3A_218, %gather3A_214 : vector<16xf32>
          tpu.vector_store_idx %arg18[%get3A_175], %min3A_219 : memref<10240xf32, #tpu.memory_space<vmem>>[vector<16xi32>], vector<16xf32>,
          %gather3A_220 = tpu.vector_load_idx %arg11[%get3A_179] : memref<10240xf32, #tpu.memory_space<vmem>>[vector<16xi32>], vector<16xf32>,
          tpu.vector_store_idx %arg13[%get3A_175], %gather3A_220 {add = true} : memref<10240xf32, #tpu.memory_space<vmem>>[vector<16xi32>], vector<16xf32>,
          %mul3A_221 = arith.mulf %gather3A_220, %gather3A_220 : vector<16xf32>
          tpu.vector_store_idx %arg15[%get3A_175], %mul3A_221 {add = true} : memref<10240xf32, #tpu.memory_space<vmem>>[vector<16xi32>], vector<16xf32>,
          %gather3A_222 = tpu.vector_load_idx %arg17[%get3A_175] : memref<10240xf32, #tpu.memory_space<vmem>>[vector<16xi32>], vector<16xf32>,
          %max3A_223 = arith.maximumf %gather3A_222, %gather3A_220 : vector<16xf32>
          tpu.vector_store_idx %arg17[%get3A_175], %max3A_223 : memref<10240xf32, #tpu.memory_space<vmem>>[vector<16xi32>], vector<16xf32>,
          %gather3A_224 = tpu.vector_load_idx %arg19[%get3A_175] : memref<10240xf32, #tpu.memory_space<vmem>>[vector<16xi32>], vector<16xf32>,
          %min3A_225 = arith.minimumf %gather3A_224, %gather3A_220 : vector<16xf32>
          tpu.vector_store_idx %arg19[%get3A_175], %min3A_225 : memref<10240xf32, #tpu.memory_space<vmem>>[vector<16xi32>], vector<16xf32>,
        } else {
        }
        %convert_element_type3A_200 = arith.extui %gt3A_195 : i1 to i32
        %cond3A_201 = arith.constant 0 : i32
        %cond3A_202 = arith.cmpi ne, %convert_element_type3A_200, %cond3A_201 : i32
        scf.if %cond3A_202 {
          %masked_sort3A = arith.constant dense<true> : vector<16xi1>
          %masked_sort3A_203 = arith.constant -2147483648 : i32
          %masked_sort3A_204 = vector.broadcast %masked_sort3A_203 : i32 to vector<16xi32>
          %masked_sort3A_205 = arith.xori %get3A_169, %masked_sort3A_204 : vector<16xi32>
          %masked_sort3A_206, %masked_sort3A_207, %masked_sort3A_208 = tpu.sort %masked_sort3A_205, %get3A_171 masked %masked_sort3A : (vector<16xi32>, vector<16xi32>, vector<16xi1>) -> (vector<16xi1>, vector<16xi32>, vector<16xi32>)
          %masked_sort3A_209 = arith.xori %masked_sort3A_207, %masked_sort3A_204 : vector<16xi32>
          %broadcast_in_dim3A_210 = vector.shape_cast %max3A_11 : vector<16xi32> to vector<16x1xi32>
          %gather3A = vector.shape_cast %broadcast_in_dim3A_210 : vector<16x1xi32> to vector<16xi32>
          %gather3A_211 = tpu.dynamic_gather %masked_sort3A_209[%gather3A] in [0] : vector<16xi32>, vector<16xi32> -> vector<16xi32>
          %eq3A_212 = arith.cmpi eq, %masked_sort3A_209, %gather3A_211 : vector<16xi32>
          %and3A_213 = arith.andi %ge3A_31, %eq3A_212 : vector<16xi1>
          %select_n3A = arith.select %and3A_213, %max3A_11, %iota3A : vector<16xi1>, vector<16xi32>
          %broadcast_in_dim3A_214 = vector.shape_cast %max3A_17 : vector<16xi32> to vector<16x1xi32>
          %gather3A_215 = vector.shape_cast %broadcast_in_dim3A_214 : vector<16x1xi32> to vector<16xi32>
          %gather3A_216 = tpu.dynamic_gather %masked_sort3A_209[%gather3A_215] in [0] : vector<16xi32>, vector<16xi32> -> vector<16xi32>
          %eq3A_217 = arith.cmpi eq, %masked_sort3A_209, %gather3A_216 : vector<16xi32>
          %and3A_218 = arith.andi %ge3A_34, %eq3A_217 : vector<16xi1>
          %select_n3A_219 = arith.select %and3A_218, %max3A_17, %iota3A : vector<16xi1>, vector<16xi32>
          %broadcast_in_dim3A_220 = vector.shape_cast %max3A_23 : vector<16xi32> to vector<16x1xi32>
          %gather3A_221 = vector.shape_cast %broadcast_in_dim3A_220 : vector<16x1xi32> to vector<16xi32>
          %gather3A_222 = tpu.dynamic_gather %masked_sort3A_209[%gather3A_221] in [0] : vector<16xi32>, vector<16xi32> -> vector<16xi32>
          %eq3A_223 = arith.cmpi eq, %masked_sort3A_209, %gather3A_222 : vector<16xi32>
          %and3A_224 = arith.andi %ge3A_37, %eq3A_223 : vector<16xi1>
          %select_n3A_225 = arith.select %and3A_224, %max3A_23, %iota3A : vector<16xi1>, vector<16xi32>
          %broadcast_in_dim3A_226 = vector.shape_cast %max3A_29 : vector<16xi32> to vector<16x1xi32>
          %gather3A_227 = vector.shape_cast %broadcast_in_dim3A_226 : vector<16x1xi32> to vector<16xi32>
          %gather3A_228 = tpu.dynamic_gather %masked_sort3A_209[%gather3A_227] in [0] : vector<16xi32>, vector<16xi32> -> vector<16xi32>
          %eq3A_229 = arith.cmpi eq, %masked_sort3A_209, %gather3A_228 : vector<16xi32>
          %and3A_230 = arith.andi %ge3A_40, %eq3A_229 : vector<16xi1>
          %select_n3A_231 = arith.select %and3A_230, %max3A_29, %iota3A : vector<16xi1>, vector<16xi32>
          %broadcast_in_dim3A_232 = vector.shape_cast %min3A_45 : vector<16xi32> to vector<16x1xi32>
          %gather3A_233 = vector.shape_cast %broadcast_in_dim3A_232 : vector<16x1xi32> to vector<16xi32>
          %gather3A_234 = tpu.dynamic_gather %masked_sort3A_209[%gather3A_233] in [0] : vector<16xi32>, vector<16xi32> -> vector<16xi32>
          %ne3A = arith.cmpi ne, %masked_sort3A_209, %gather3A_234 : vector<16xi32>
          %or3A = arith.ori %ne3A, %eq3A_47 : vector<16xi1>
          %gather3A_235 = tpu.vector_load_idx %arg10[%masked_sort3A_208] : memref<10240xf32, #tpu.memory_space<vmem>>[vector<16xi32>], vector<16xf32>,
          tpu.vector_store_idx %arg12[%masked_sort3A_209], %gather3A_235 {add = true} : memref<10240xf32, #tpu.memory_space<vmem>>[vector<16xi32>], vector<16xf32>,
          %mul3A_236 = arith.mulf %gather3A_235, %gather3A_235 : vector<16xf32>
          tpu.vector_store_idx %arg14[%masked_sort3A_209], %mul3A_236 {add = true} : memref<10240xf32, #tpu.memory_space<vmem>>[vector<16xi32>], vector<16xf32>,
          %broadcast_in_dim3A_237 = vector.shape_cast %select_n3A : vector<16xi32> to vector<16x1xi32>
          %gather3A_238 = vector.shape_cast %broadcast_in_dim3A_237 : vector<16x1xi32> to vector<16xi32>
          %gather3A_239 = tpu.dynamic_gather %gather3A_235[%gather3A_238] in [0] : vector<16xf32>, vector<16xi32> -> vector<16xf32>
          %max3A_240 = arith.maximumf %gather3A_235, %gather3A_239 : vector<16xf32>
          %broadcast_in_dim3A_241 = vector.shape_cast %select_n3A : vector<16xi32> to vector<16x1xi32>
          %gather3A_242 = vector.shape_cast %broadcast_in_dim3A_241 : vector<16x1xi32> to vector<16xi32>
          %gather3A_243 = tpu.dynamic_gather %gather3A_235[%gather3A_242] in [0] : vector<16xf32>, vector<16xi32> -> vector<16xf32>
          %min3A_244 = arith.minimumf %gather3A_235, %gather3A_243 : vector<16xf32>
          %broadcast_in_dim3A_245 = vector.shape_cast %select_n3A_219 : vector<16xi32> to vector<16x1xi32>
          %gather3A_246 = vector.shape_cast %broadcast_in_dim3A_245 : vector<16x1xi32> to vector<16xi32>
          %gather3A_247 = tpu.dynamic_gather %max3A_240[%gather3A_246] in [0] : vector<16xf32>, vector<16xi32> -> vector<16xf32>
          %max3A_248 = arith.maximumf %max3A_240, %gather3A_247 : vector<16xf32>
          %broadcast_in_dim3A_249 = vector.shape_cast %select_n3A_219 : vector<16xi32> to vector<16x1xi32>
          %gather3A_250 = vector.shape_cast %broadcast_in_dim3A_249 : vector<16x1xi32> to vector<16xi32>
          %gather3A_251 = tpu.dynamic_gather %min3A_244[%gather3A_250] in [0] : vector<16xf32>, vector<16xi32> -> vector<16xf32>
          %min3A_252 = arith.minimumf %min3A_244, %gather3A_251 : vector<16xf32>
          %broadcast_in_dim3A_253 = vector.shape_cast %select_n3A_225 : vector<16xi32> to vector<16x1xi32>
          %gather3A_254 = vector.shape_cast %broadcast_in_dim3A_253 : vector<16x1xi32> to vector<16xi32>
          %gather3A_255 = tpu.dynamic_gather %max3A_248[%gather3A_254] in [0] : vector<16xf32>, vector<16xi32> -> vector<16xf32>
          %max3A_256 = arith.maximumf %max3A_248, %gather3A_255 : vector<16xf32>
          %broadcast_in_dim3A_257 = vector.shape_cast %select_n3A_225 : vector<16xi32> to vector<16x1xi32>
          %gather3A_258 = vector.shape_cast %broadcast_in_dim3A_257 : vector<16x1xi32> to vector<16xi32>
          %gather3A_259 = tpu.dynamic_gather %min3A_252[%gather3A_258] in [0] : vector<16xf32>, vector<16xi32> -> vector<16xf32>
          %min3A_260 = arith.minimumf %min3A_252, %gather3A_259 : vector<16xf32>
          %broadcast_in_dim3A_261 = vector.shape_cast %select_n3A_231 : vector<16xi32> to vector<16x1xi32>
          %gather3A_262 = vector.shape_cast %broadcast_in_dim3A_261 : vector<16x1xi32> to vector<16xi32>
          %gather3A_263 = tpu.dynamic_gather %max3A_256[%gather3A_262] in [0] : vector<16xf32>, vector<16xi32> -> vector<16xf32>
          %max3A_264 = arith.maximumf %max3A_256, %gather3A_263 : vector<16xf32>
          %broadcast_in_dim3A_265 = vector.shape_cast %select_n3A_231 : vector<16xi32> to vector<16x1xi32>
          %gather3A_266 = vector.shape_cast %broadcast_in_dim3A_265 : vector<16x1xi32> to vector<16xi32>
          %gather3A_267 = tpu.dynamic_gather %min3A_260[%gather3A_266] in [0] : vector<16xf32>, vector<16xi32> -> vector<16xf32>
          %min3A_268 = arith.minimumf %min3A_260, %gather3A_267 : vector<16xf32>
          %gather3A_269 = tpu.vector_load_idx %arg16[%masked_sort3A_209] masked %or3A : memref<10240xf32, #tpu.memory_space<vmem>>[vector<16xi32>], vector<16xf32>, vector<16xi1>
          %max3A_270 = arith.maximumf %gather3A_269, %max3A_264 : vector<16xf32>
          tpu.vector_store_idx %arg16[%masked_sort3A_209], %max3A_270 masked %or3A : memref<10240xf32, #tpu.memory_space<vmem>>[vector<16xi32>], vector<16xf32>, vector<16xi1>
          %gather3A_271 = tpu.vector_load_idx %arg18[%masked_sort3A_209] masked %or3A : memref<10240xf32, #tpu.memory_space<vmem>>[vector<16xi32>], vector<16xf32>, vector<16xi1>
          %min3A_272 = arith.minimumf %gather3A_271, %min3A_268 : vector<16xf32>
          tpu.vector_store_idx %arg18[%masked_sort3A_209], %min3A_272 masked %or3A : memref<10240xf32, #tpu.memory_space<vmem>>[vector<16xi32>], vector<16xf32>, vector<16xi1>
          %gather3A_273 = tpu.vector_load_idx %arg11[%masked_sort3A_208] : memref<10240xf32, #tpu.memory_space<vmem>>[vector<16xi32>], vector<16xf32>,
          tpu.vector_store_idx %arg13[%masked_sort3A_209], %gather3A_273 {add = true} : memref<10240xf32, #tpu.memory_space<vmem>>[vector<16xi32>], vector<16xf32>,
          %mul3A_274 = arith.mulf %gather3A_273, %gather3A_273 : vector<16xf32>
          tpu.vector_store_idx %arg15[%masked_sort3A_209], %mul3A_274 {add = true} : memref<10240xf32, #tpu.memory_space<vmem>>[vector<16xi32>], vector<16xf32>,
          %broadcast_in_dim3A_275 = vector.shape_cast %select_n3A : vector<16xi32> to vector<16x1xi32>
          %gather3A_276 = vector.shape_cast %broadcast_in_dim3A_275 : vector<16x1xi32> to vector<16xi32>
          %gather3A_277 = tpu.dynamic_gather %gather3A_273[%gather3A_276] in [0] : vector<16xf32>, vector<16xi32> -> vector<16xf32>
          %max3A_278 = arith.maximumf %gather3A_273, %gather3A_277 : vector<16xf32>
          %broadcast_in_dim3A_279 = vector.shape_cast %select_n3A : vector<16xi32> to vector<16x1xi32>
          %gather3A_280 = vector.shape_cast %broadcast_in_dim3A_279 : vector<16x1xi32> to vector<16xi32>
          %gather3A_281 = tpu.dynamic_gather %gather3A_273[%gather3A_280] in [0] : vector<16xf32>, vector<16xi32> -> vector<16xf32>
          %min3A_282 = arith.minimumf %gather3A_273, %gather3A_281 : vector<16xf32>
          %broadcast_in_dim3A_283 = vector.shape_cast %select_n3A_219 : vector<16xi32> to vector<16x1xi32>
          %gather3A_284 = vector.shape_cast %broadcast_in_dim3A_283 : vector<16x1xi32> to vector<16xi32>
          %gather3A_285 = tpu.dynamic_gather %max3A_278[%gather3A_284] in [0] : vector<16xf32>, vector<16xi32> -> vector<16xf32>
          %max3A_286 = arith.maximumf %max3A_278, %gather3A_285 : vector<16xf32>
          %broadcast_in_dim3A_287 = vector.shape_cast %select_n3A_219 : vector<16xi32> to vector<16x1xi32>
          %gather3A_288 = vector.shape_cast %broadcast_in_dim3A_287 : vector<16x1xi32> to vector<16xi32>
          %gather3A_289 = tpu.dynamic_gather %min3A_282[%gather3A_288] in [0] : vector<16xf32>, vector<16xi32> -> vector<16xf32>
          %min3A_290 = arith.minimumf %min3A_282, %gather3A_289 : vector<16xf32>
          %broadcast_in_dim3A_291 = vector.shape_cast %select_n3A_225 : vector<16xi32> to vector<16x1xi32>
          %gather3A_292 = vector.shape_cast %broadcast_in_dim3A_291 : vector<16x1xi32> to vector<16xi32>
          %gather3A_293 = tpu.dynamic_gather %max3A_286[%gather3A_292] in [0] : vector<16xf32>, vector<16xi32> -> vector<16xf32>
          %max3A_294 = arith.maximumf %max3A_286, %gather3A_293 : vector<16xf32>
          %broadcast_in_dim3A_295 = vector.shape_cast %select_n3A_225 : vector<16xi32> to vector<16x1xi32>
          %gather3A_296 = vector.shape_cast %broadcast_in_dim3A_295 : vector<16x1xi32> to vector<16xi32>
          %gather3A_297 = tpu.dynamic_gather %min3A_290[%gather3A_296] in [0] : vector<16xf32>, vector<16xi32> -> vector<16xf32>
          %min3A_298 = arith.minimumf %min3A_290, %gather3A_297 : vector<16xf32>
          %broadcast_in_dim3A_299 = vector.shape_cast %select_n3A_231 : vector<16xi32> to vector<16x1xi32>
          %gather3A_300 = vector.shape_cast %broadcast_in_dim3A_299 : vector<16x1xi32> to vector<16xi32>
          %gather3A_301 = tpu.dynamic_gather %max3A_294[%gather3A_300] in [0] : vector<16xf32>, vector<16xi32> -> vector<16xf32>
          %max3A_302 = arith.maximumf %max3A_294, %gather3A_301 : vector<16xf32>
          %broadcast_in_dim3A_303 = vector.shape_cast %select_n3A_231 : vector<16xi32> to vector<16x1xi32>
          %gather3A_304 = vector.shape_cast %broadcast_in_dim3A_303 : vector<16x1xi32> to vector<16xi32>
          %gather3A_305 = tpu.dynamic_gather %min3A_298[%gather3A_304] in [0] : vector<16xf32>, vector<16xi32> -> vector<16xf32>
          %min3A_306 = arith.minimumf %min3A_298, %gather3A_305 : vector<16xf32>
          %gather3A_307 = tpu.vector_load_idx %arg17[%masked_sort3A_209] masked %or3A : memref<10240xf32, #tpu.memory_space<vmem>>[vector<16xi32>], vector<16xf32>, vector<16xi1>
          %max3A_308 = arith.maximumf %gather3A_307, %max3A_302 : vector<16xf32>
          tpu.vector_store_idx %arg17[%masked_sort3A_209], %max3A_308 masked %or3A : memref<10240xf32, #tpu.memory_space<vmem>>[vector<16xi32>], vector<16xf32>, vector<16xi1>
          %gather3A_309 = tpu.vector_load_idx %arg19[%masked_sort3A_209] masked %or3A : memref<10240xf32, #tpu.memory_space<vmem>>[vector<16xi32>], vector<16xf32>, vector<16xi1>
          %min3A_310 = arith.minimumf %gather3A_309, %min3A_306 : vector<16xf32>
          tpu.vector_store_idx %arg19[%masked_sort3A_209], %min3A_310 masked %or3A : memref<10240xf32, #tpu.memory_space<vmem>>[vector<16xi32>], vector<16xf32>, vector<16xi1>
          %masked_sort3A_311 = arith.constant dense<true> : vector<16xi1>
          %masked_sort3A_312 = arith.constant -2147483648 : i32
          %masked_sort3A_313 = vector.broadcast %masked_sort3A_312 : i32 to vector<16xi32>
          %masked_sort3A_314 = arith.xori %get3A_175, %masked_sort3A_313 : vector<16xi32>
          %masked_sort3A_315, %masked_sort3A_316, %masked_sort3A_317 = tpu.sort %masked_sort3A_314, %get3A_179 masked %masked_sort3A_311 : (vector<16xi32>, vector<16xi32>, vector<16xi1>) -> (vector<16xi1>, vector<16xi32>, vector<16xi32>)
          %masked_sort3A_318 = arith.xori %masked_sort3A_316, %masked_sort3A_313 : vector<16xi32>
          %broadcast_in_dim3A_319 = vector.shape_cast %max3A_11 : vector<16xi32> to vector<16x1xi32>
          %gather3A_320 = vector.shape_cast %broadcast_in_dim3A_319 : vector<16x1xi32> to vector<16xi32>
          %gather3A_321 = tpu.dynamic_gather %masked_sort3A_318[%gather3A_320] in [0] : vector<16xi32>, vector<16xi32> -> vector<16xi32>
          %eq3A_322 = arith.cmpi eq, %masked_sort3A_318, %gather3A_321 : vector<16xi32>
          %and3A_323 = arith.andi %ge3A_31, %eq3A_322 : vector<16xi1>
          %select_n3A_324 = arith.select %and3A_323, %max3A_11, %iota3A : vector<16xi1>, vector<16xi32>
          %broadcast_in_dim3A_325 = vector.shape_cast %max3A_17 : vector<16xi32> to vector<16x1xi32>
          %gather3A_326 = vector.shape_cast %broadcast_in_dim3A_325 : vector<16x1xi32> to vector<16xi32>
          %gather3A_327 = tpu.dynamic_gather %masked_sort3A_318[%gather3A_326] in [0] : vector<16xi32>, vector<16xi32> -> vector<16xi32>
          %eq3A_328 = arith.cmpi eq, %masked_sort3A_318, %gather3A_327 : vector<16xi32>
          %and3A_329 = arith.andi %ge3A_34, %eq3A_328 : vector<16xi1>
          %select_n3A_330 = arith.select %and3A_329, %max3A_17, %iota3A : vector<16xi1>, vector<16xi32>
          %broadcast_in_dim3A_331 = vector.shape_cast %max3A_23 : vector<16xi32> to vector<16x1xi32>
          %gather3A_332 = vector.shape_cast %broadcast_in_dim3A_331 : vector<16x1xi32> to vector<16xi32>
          %gather3A_333 = tpu.dynamic_gather %masked_sort3A_318[%gather3A_332] in [0] : vector<16xi32>, vector<16xi32> -> vector<16xi32>
          %eq3A_334 = arith.cmpi eq, %masked_sort3A_318, %gather3A_333 : vector<16xi32>
          %and3A_335 = arith.andi %ge3A_37, %eq3A_334 : vector<16xi1>
          %select_n3A_336 = arith.select %and3A_335, %max3A_23, %iota3A : vector<16xi1>, vector<16xi32>
          %broadcast_in_dim3A_337 = vector.shape_cast %max3A_29 : vector<16xi32> to vector<16x1xi32>
          %gather3A_338 = vector.shape_cast %broadcast_in_dim3A_337 : vector<16x1xi32> to vector<16xi32>
          %gather3A_339 = tpu.dynamic_gather %masked_sort3A_318[%gather3A_338] in [0] : vector<16xi32>, vector<16xi32> -> vector<16xi32>
          %eq3A_340 = arith.cmpi eq, %masked_sort3A_318, %gather3A_339 : vector<16xi32>
          %and3A_341 = arith.andi %ge3A_40, %eq3A_340 : vector<16xi1>
          %select_n3A_342 = arith.select %and3A_341, %max3A_29, %iota3A : vector<16xi1>, vector<16xi32>
          %broadcast_in_dim3A_343 = vector.shape_cast %min3A_45 : vector<16xi32> to vector<16x1xi32>
          %gather3A_344 = vector.shape_cast %broadcast_in_dim3A_343 : vector<16x1xi32> to vector<16xi32>
          %gather3A_345 = tpu.dynamic_gather %masked_sort3A_318[%gather3A_344] in [0] : vector<16xi32>, vector<16xi32> -> vector<16xi32>
          %ne3A_346 = arith.cmpi ne, %masked_sort3A_318, %gather3A_345 : vector<16xi32>
          %or3A_347 = arith.ori %ne3A_346, %eq3A_47 : vector<16xi1>
          %gather3A_348 = tpu.vector_load_idx %arg10[%masked_sort3A_317] : memref<10240xf32, #tpu.memory_space<vmem>>[vector<16xi32>], vector<16xf32>,
          tpu.vector_store_idx %arg12[%masked_sort3A_318], %gather3A_348 {add = true} : memref<10240xf32, #tpu.memory_space<vmem>>[vector<16xi32>], vector<16xf32>,
          %mul3A_349 = arith.mulf %gather3A_348, %gather3A_348 : vector<16xf32>
          tpu.vector_store_idx %arg14[%masked_sort3A_318], %mul3A_349 {add = true} : memref<10240xf32, #tpu.memory_space<vmem>>[vector<16xi32>], vector<16xf32>,
          %broadcast_in_dim3A_350 = vector.shape_cast %select_n3A_324 : vector<16xi32> to vector<16x1xi32>
          %gather3A_351 = vector.shape_cast %broadcast_in_dim3A_350 : vector<16x1xi32> to vector<16xi32>
          %gather3A_352 = tpu.dynamic_gather %gather3A_348[%gather3A_351] in [0] : vector<16xf32>, vector<16xi32> -> vector<16xf32>
          %max3A_353 = arith.maximumf %gather3A_348, %gather3A_352 : vector<16xf32>
          %broadcast_in_dim3A_354 = vector.shape_cast %select_n3A_324 : vector<16xi32> to vector<16x1xi32>
          %gather3A_355 = vector.shape_cast %broadcast_in_dim3A_354 : vector<16x1xi32> to vector<16xi32>
          %gather3A_356 = tpu.dynamic_gather %gather3A_348[%gather3A_355] in [0] : vector<16xf32>, vector<16xi32> -> vector<16xf32>
          %min3A_357 = arith.minimumf %gather3A_348, %gather3A_356 : vector<16xf32>
          %broadcast_in_dim3A_358 = vector.shape_cast %select_n3A_330 : vector<16xi32> to vector<16x1xi32>
          %gather3A_359 = vector.shape_cast %broadcast_in_dim3A_358 : vector<16x1xi32> to vector<16xi32>
          %gather3A_360 = tpu.dynamic_gather %max3A_353[%gather3A_359] in [0] : vector<16xf32>, vector<16xi32> -> vector<16xf32>
          %max3A_361 = arith.maximumf %max3A_353, %gather3A_360 : vector<16xf32>
          %broadcast_in_dim3A_362 = vector.shape_cast %select_n3A_330 : vector<16xi32> to vector<16x1xi32>
          %gather3A_363 = vector.shape_cast %broadcast_in_dim3A_362 : vector<16x1xi32> to vector<16xi32>
          %gather3A_364 = tpu.dynamic_gather %min3A_357[%gather3A_363] in [0] : vector<16xf32>, vector<16xi32> -> vector<16xf32>
          %min3A_365 = arith.minimumf %min3A_357, %gather3A_364 : vector<16xf32>
          %broadcast_in_dim3A_366 = vector.shape_cast %select_n3A_336 : vector<16xi32> to vector<16x1xi32>
          %gather3A_367 = vector.shape_cast %broadcast_in_dim3A_366 : vector<16x1xi32> to vector<16xi32>
          %gather3A_368 = tpu.dynamic_gather %max3A_361[%gather3A_367] in [0] : vector<16xf32>, vector<16xi32> -> vector<16xf32>
          %max3A_369 = arith.maximumf %max3A_361, %gather3A_368 : vector<16xf32>
          %broadcast_in_dim3A_370 = vector.shape_cast %select_n3A_336 : vector<16xi32> to vector<16x1xi32>
          %gather3A_371 = vector.shape_cast %broadcast_in_dim3A_370 : vector<16x1xi32> to vector<16xi32>
          %gather3A_372 = tpu.dynamic_gather %min3A_365[%gather3A_371] in [0] : vector<16xf32>, vector<16xi32> -> vector<16xf32>
          %min3A_373 = arith.minimumf %min3A_365, %gather3A_372 : vector<16xf32>
          %broadcast_in_dim3A_374 = vector.shape_cast %select_n3A_342 : vector<16xi32> to vector<16x1xi32>
          %gather3A_375 = vector.shape_cast %broadcast_in_dim3A_374 : vector<16x1xi32> to vector<16xi32>
          %gather3A_376 = tpu.dynamic_gather %max3A_369[%gather3A_375] in [0] : vector<16xf32>, vector<16xi32> -> vector<16xf32>
          %max3A_377 = arith.maximumf %max3A_369, %gather3A_376 : vector<16xf32>
          %broadcast_in_dim3A_378 = vector.shape_cast %select_n3A_342 : vector<16xi32> to vector<16x1xi32>
          %gather3A_379 = vector.shape_cast %broadcast_in_dim3A_378 : vector<16x1xi32> to vector<16xi32>
          %gather3A_380 = tpu.dynamic_gather %min3A_373[%gather3A_379] in [0] : vector<16xf32>, vector<16xi32> -> vector<16xf32>
          %min3A_381 = arith.minimumf %min3A_373, %gather3A_380 : vector<16xf32>
          %gather3A_382 = tpu.vector_load_idx %arg16[%masked_sort3A_318] masked %or3A_347 : memref<10240xf32, #tpu.memory_space<vmem>>[vector<16xi32>], vector<16xf32>, vector<16xi1>
          %max3A_383 = arith.maximumf %gather3A_382, %max3A_377 : vector<16xf32>
          tpu.vector_store_idx %arg16[%masked_sort3A_318], %max3A_383 masked %or3A_347 : memref<10240xf32, #tpu.memory_space<vmem>>[vector<16xi32>], vector<16xf32>, vector<16xi1>
          %gather3A_384 = tpu.vector_load_idx %arg18[%masked_sort3A_318] masked %or3A_347 : memref<10240xf32, #tpu.memory_space<vmem>>[vector<16xi32>], vector<16xf32>, vector<16xi1>
          %min3A_385 = arith.minimumf %gather3A_384, %min3A_381 : vector<16xf32>
          tpu.vector_store_idx %arg18[%masked_sort3A_318], %min3A_385 masked %or3A_347 : memref<10240xf32, #tpu.memory_space<vmem>>[vector<16xi32>], vector<16xf32>, vector<16xi1>
          %gather3A_386 = tpu.vector_load_idx %arg11[%masked_sort3A_317] : memref<10240xf32, #tpu.memory_space<vmem>>[vector<16xi32>], vector<16xf32>,
          tpu.vector_store_idx %arg13[%masked_sort3A_318], %gather3A_386 {add = true} : memref<10240xf32, #tpu.memory_space<vmem>>[vector<16xi32>], vector<16xf32>,
          %mul3A_387 = arith.mulf %gather3A_386, %gather3A_386 : vector<16xf32>
          tpu.vector_store_idx %arg15[%masked_sort3A_318], %mul3A_387 {add = true} : memref<10240xf32, #tpu.memory_space<vmem>>[vector<16xi32>], vector<16xf32>,
          %broadcast_in_dim3A_388 = vector.shape_cast %select_n3A_324 : vector<16xi32> to vector<16x1xi32>
          %gather3A_389 = vector.shape_cast %broadcast_in_dim3A_388 : vector<16x1xi32> to vector<16xi32>
          %gather3A_390 = tpu.dynamic_gather %gather3A_386[%gather3A_389] in [0] : vector<16xf32>, vector<16xi32> -> vector<16xf32>
          %max3A_391 = arith.maximumf %gather3A_386, %gather3A_390 : vector<16xf32>
          %broadcast_in_dim3A_392 = vector.shape_cast %select_n3A_324 : vector<16xi32> to vector<16x1xi32>
          %gather3A_393 = vector.shape_cast %broadcast_in_dim3A_392 : vector<16x1xi32> to vector<16xi32>
          %gather3A_394 = tpu.dynamic_gather %gather3A_386[%gather3A_393] in [0] : vector<16xf32>, vector<16xi32> -> vector<16xf32>
          %min3A_395 = arith.minimumf %gather3A_386, %gather3A_394 : vector<16xf32>
          %broadcast_in_dim3A_396 = vector.shape_cast %select_n3A_330 : vector<16xi32> to vector<16x1xi32>
          %gather3A_397 = vector.shape_cast %broadcast_in_dim3A_396 : vector<16x1xi32> to vector<16xi32>
          %gather3A_398 = tpu.dynamic_gather %max3A_391[%gather3A_397] in [0] : vector<16xf32>, vector<16xi32> -> vector<16xf32>
          %max3A_399 = arith.maximumf %max3A_391, %gather3A_398 : vector<16xf32>
          %broadcast_in_dim3A_400 = vector.shape_cast %select_n3A_330 : vector<16xi32> to vector<16x1xi32>
          %gather3A_401 = vector.shape_cast %broadcast_in_dim3A_400 : vector<16x1xi32> to vector<16xi32>
          %gather3A_402 = tpu.dynamic_gather %min3A_395[%gather3A_401] in [0] : vector<16xf32>, vector<16xi32> -> vector<16xf32>
          %min3A_403 = arith.minimumf %min3A_395, %gather3A_402 : vector<16xf32>
          %broadcast_in_dim3A_404 = vector.shape_cast %select_n3A_336 : vector<16xi32> to vector<16x1xi32>
          %gather3A_405 = vector.shape_cast %broadcast_in_dim3A_404 : vector<16x1xi32> to vector<16xi32>
          %gather3A_406 = tpu.dynamic_gather %max3A_399[%gather3A_405] in [0] : vector<16xf32>, vector<16xi32> -> vector<16xf32>
          %max3A_407 = arith.maximumf %max3A_399, %gather3A_406 : vector<16xf32>
          %broadcast_in_dim3A_408 = vector.shape_cast %select_n3A_336 : vector<16xi32> to vector<16x1xi32>
          %gather3A_409 = vector.shape_cast %broadcast_in_dim3A_408 : vector<16x1xi32> to vector<16xi32>
          %gather3A_410 = tpu.dynamic_gather %min3A_403[%gather3A_409] in [0] : vector<16xf32>, vector<16xi32> -> vector<16xf32>
          %min3A_411 = arith.minimumf %min3A_403, %gather3A_410 : vector<16xf32>
          %broadcast_in_dim3A_412 = vector.shape_cast %select_n3A_342 : vector<16xi32> to vector<16x1xi32>
          %gather3A_413 = vector.shape_cast %broadcast_in_dim3A_412 : vector<16x1xi32> to vector<16xi32>
          %gather3A_414 = tpu.dynamic_gather %max3A_407[%gather3A_413] in [0] : vector<16xf32>, vector<16xi32> -> vector<16xf32>
          %max3A_415 = arith.maximumf %max3A_407, %gather3A_414 : vector<16xf32>
          %broadcast_in_dim3A_416 = vector.shape_cast %select_n3A_342 : vector<16xi32> to vector<16x1xi32>
          %gather3A_417 = vector.shape_cast %broadcast_in_dim3A_416 : vector<16x1xi32> to vector<16xi32>
          %gather3A_418 = tpu.dynamic_gather %min3A_411[%gather3A_417] in [0] : vector<16xf32>, vector<16xi32> -> vector<16xf32>
          %min3A_419 = arith.minimumf %min3A_411, %gather3A_418 : vector<16xf32>
          %gather3A_420 = tpu.vector_load_idx %arg17[%masked_sort3A_318] masked %or3A_347 : memref<10240xf32, #tpu.memory_space<vmem>>[vector<16xi32>], vector<16xf32>, vector<16xi1>
          %max3A_421 = arith.maximumf %gather3A_420, %max3A_415 : vector<16xf32>
          tpu.vector_store_idx %arg17[%masked_sort3A_318], %max3A_421 masked %or3A_347 : memref<10240xf32, #tpu.memory_space<vmem>>[vector<16xi32>], vector<16xf32>, vector<16xi1>
          %gather3A_422 = tpu.vector_load_idx %arg19[%masked_sort3A_318] masked %or3A_347 : memref<10240xf32, #tpu.memory_space<vmem>>[vector<16xi32>], vector<16xf32>, vector<16xi1>
          %min3A_423 = arith.minimumf %gather3A_422, %min3A_419 : vector<16xf32>
          tpu.vector_store_idx %arg19[%masked_sort3A_318], %min3A_423 masked %or3A_347 : memref<10240xf32, #tpu.memory_space<vmem>>[vector<16xi32>], vector<16xf32>, vector<16xi1>
        } else {
        }
      }
      %scan3A_145 = arith.constant 100 : i32
      %add3A_146 = arith.constant 3200 : i32
      %add3A_147 = arith.addi %add3A_128, %add3A_146 : i32
      %add3A_148 = arith.constant 3200 : i32
      %add3A_149 = arith.addi %add3A_147, %add3A_148 : i32
      %lt3A_150 = arith.constant 320000 : i32
      %lt3A_151 = arith.cmpi slt, %add3A_149, %lt3A_150 : i32
      %convert_element_type3A_152 = arith.extui %lt3A_151 : i1 to i32
      %cond3A_153 = arith.constant 0 : i32
      %cond3A_154 = arith.cmpi ne, %convert_element_type3A_152, %cond3A_153 : i32
      scf.if %cond3A_154 {
        %dma_start3A_164 = tpu.memref_slice %arg4[%add3A_149] : memref<320000xi32, #tpu.memory_space<hbm>> -> memref<3200xi32, #tpu.memory_space<hbm>>
        %dma_start3A_165 = tpu.memref_slice %arg4[%add3A_149] : memref<320000xi32, #tpu.memory_space<hbm>> -> memref<3200xi32, #tpu.memory_space<hbm>>
        tpu.enqueue_dma source(%dma_start3A_165 : memref<3200xi32, #tpu.memory_space<hbm>>) target(%arg21 : memref<3200xi32, #tpu.memory_space<vmem>>) target_semaphore(%arg25 : memref<!tpu.dma_semaphore, #tpu.memory_space<semaphore_mem>>)
        %dma_start3A_166 = tpu.memref_slice %arg3[%add3A_149] : memref<320000xi32, #tpu.memory_space<hbm>> -> memref<3200xi32, #tpu.memory_space<hbm>>
        %dma_start3A_167 = tpu.memref_slice %arg3[%add3A_149] : memref<320000xi32, #tpu.memory_space<hbm>> -> memref<3200xi32, #tpu.memory_space<hbm>>
        tpu.enqueue_dma source(%dma_start3A_167 : memref<3200xi32, #tpu.memory_space<hbm>>) target(%arg22 : memref<3200xi32, #tpu.memory_space<vmem>>) target_semaphore(%arg25 : memref<!tpu.dma_semaphore, #tpu.memory_space<semaphore_mem>>)
      } else {
      }
      %dma_wait3A_155 = tpu.memref_slice %arg4[%add3A_147] : memref<320000xi32, #tpu.memory_space<hbm>> -> memref<3200xi32, #tpu.memory_space<hbm>>
      %dma_wait3A_156 = tpu.memref_slice %arg4[%add3A_147] : memref<320000xi32, #tpu.memory_space<hbm>> -> memref<3200xi32, #tpu.memory_space<hbm>>
      tpu.wait_dma2 semaphore(%arg26 : memref<!tpu.dma_semaphore, #tpu.memory_space<semaphore_mem>>) src(%dma_wait3A_156 : memref<3200xi32, #tpu.memory_space<hbm>>) dst(%arg23 : memref<3200xi32, #tpu.memory_space<vmem>>)
      %dma_wait3A_157 = tpu.memref_slice %arg3[%add3A_147] : memref<320000xi32, #tpu.memory_space<hbm>> -> memref<3200xi32, #tpu.memory_space<hbm>>
      %dma_wait3A_158 = tpu.memref_slice %arg3[%add3A_147] : memref<320000xi32, #tpu.memory_space<hbm>> -> memref<3200xi32, #tpu.memory_space<hbm>>
      tpu.wait_dma2 semaphore(%arg26 : memref<!tpu.dma_semaphore, #tpu.memory_space<semaphore_mem>>) src(%dma_wait3A_158 : memref<3200xi32, #tpu.memory_space<hbm>>) dst(%arg24 : memref<3200xi32, #tpu.memory_space<vmem>>)
      %scan3A_159 = arith.constant 0 : i32
      %scan3A_160 = arith.constant 100 : i32
      %scan3A_161 = arith.addi %scan3A_159, %scan3A_160 : i32
      %scan3A_162 = arith.constant 1 : i32
      scf.for %scan3A_164 = %scan3A_159 to %scan3A_161 step %scan3A_162  : i32 {
        %mul3A_165 = arith.constant 32 : i32
        %mul3A_166 = arith.muli %scan3A_164, %mul3A_165 : i32
        %add3A_167 = arith.constant 0 : i32
        %add3A_168 = arith.addi %add3A_167, %mul3A_166 : i32
        %get3A = arith.index_cast %add3A_168 : i32 to index
        %get3A_169 = tpu.vector_load %arg23[%get3A] {strides = array<i32>} : memref<3200xi32, #tpu.memory_space<vmem>>, vector<16xi32>,
        %get3A_170 = arith.index_cast %add3A_168 : i32 to index
        %get3A_171 = tpu.vector_load %arg24[%get3A_170] {strides = array<i32>} : memref<3200xi32, #tpu.memory_space<vmem>>, vector<16xi32>,
        %add3A_172 = arith.constant 16 : i32
        %add3A_173 = arith.addi %add3A_168, %add3A_172 : i32
        %get3A_174 = arith.index_cast %add3A_173 : i32 to index
        %get3A_175 = tpu.vector_load %arg23[%get3A_174] {strides = array<i32>} : memref<3200xi32, #tpu.memory_space<vmem>>, vector<16xi32>,
        %add3A_176 = arith.constant 16 : i32
        %add3A_177 = arith.addi %add3A_168, %add3A_176 : i32
        %get3A_178 = arith.index_cast %add3A_177 : i32 to index
        %get3A_179 = tpu.vector_load %arg24[%get3A_178] {strides = array<i32>} : memref<3200xi32, #tpu.memory_space<vmem>>, vector<16xi32>,
        %broadcast_in_dim3A_180 = arith.constant true
        %broadcast_in_dim3A_181 = vector.broadcast %broadcast_in_dim3A_180 : i1 to vector<16xi1>
        %unique3A, %unique3A_182 = tpu.scan_count mask(%broadcast_in_dim3A_181 : vector<16xi1>) value(%get3A_169 : vector<16xi32>) : vector<16xi1>, vector<16xi32>
        %broadcast_in_dim3A_183 = arith.constant true
        %broadcast_in_dim3A_184 = vector.broadcast %broadcast_in_dim3A_183 : i1 to vector<16xi1>
        %unique3A_185, %unique3A_186 = tpu.scan_count mask(%broadcast_in_dim3A_184 : vector<16xi1>) value(%get3A_175 : vector<16xi32>) : vector<16xi1>, vector<16xi32>
        %max3A_187 = arith.maxsi %unique3A_182, %unique3A_186 : vector<16xi32>
        %reduce_max3A = arith.constant true
        %reduce_max3A_188 = vector.broadcast %reduce_max3A : i1 to vector<16xi1>
        %reduce_max3A_189 = arith.constant -2147483648 : i32
        %reduce_max3A_190 = vector.broadcast %reduce_max3A_189 : i32 to vector<16xi32>
        %reduce_max3A_191 = arith.xori %max3A_187, %reduce_max3A_190 : vector<16xi32>
        %reduce_max3A_192 = tpu.scan <max>, %reduce_max3A_191 masked %reduce_max3A_188 : vector<16xi32>, vector<16xi1> -> vector<16xi32>
        %reduce_max3A_193 = arith.xori %reduce_max3A_192, %reduce_max3A_190 : vector<16xi32>
        %reduce_max3A_194 = vector.extract %reduce_max3A_193[15] : i32 from vector<16xi32>
        %gt3A = arith.constant 1 : i32
        %gt3A_195 = arith.cmpi sgt, %reduce_max3A_194, %gt3A : i32
        %not3A = arith.constant true
        %not3A_196 = arith.xori %gt3A_195, %not3A : i1
        %convert_element_type3A_197 = arith.extui %not3A_196 : i1 to i32
        %cond3A_198 = arith.constant 0 : i32
        %cond3A_199 = arith.cmpi ne, %convert_element_type3A_197, %cond3A_198 : i32
        scf.if %cond3A_199 {
          %gather3A = tpu.vector_load_idx %arg10[%get3A_171] : memref<10240xf32, #tpu.memory_space<vmem>>[vector<16xi32>], vector<16xf32>,
          tpu.vector_store_idx %arg12[%get3A_169], %gather3A {add = true} : memref<10240xf32, #tpu.memory_space<vmem>>[vector<16xi32>], vector<16xf32>,
          %mul3A_203 = arith.mulf %gather3A, %gather3A : vector<16xf32>
          tpu.vector_store_idx %arg14[%get3A_169], %mul3A_203 {add = true} : memref<10240xf32, #tpu.memory_space<vmem>>[vector<16xi32>], vector<16xf32>,
          %gather3A_204 = tpu.vector_load_idx %arg16[%get3A_169] : memref<10240xf32, #tpu.memory_space<vmem>>[vector<16xi32>], vector<16xf32>,
          %max3A_205 = arith.maximumf %gather3A_204, %gather3A : vector<16xf32>
          tpu.vector_store_idx %arg16[%get3A_169], %max3A_205 : memref<10240xf32, #tpu.memory_space<vmem>>[vector<16xi32>], vector<16xf32>,
          %gather3A_206 = tpu.vector_load_idx %arg18[%get3A_169] : memref<10240xf32, #tpu.memory_space<vmem>>[vector<16xi32>], vector<16xf32>,
          %min3A_207 = arith.minimumf %gather3A_206, %gather3A : vector<16xf32>
          tpu.vector_store_idx %arg18[%get3A_169], %min3A_207 : memref<10240xf32, #tpu.memory_space<vmem>>[vector<16xi32>], vector<16xf32>,
          %gather3A_208 = tpu.vector_load_idx %arg11[%get3A_171] : memref<10240xf32, #tpu.memory_space<vmem>>[vector<16xi32>], vector<16xf32>,
          tpu.vector_store_idx %arg13[%get3A_169], %gather3A_208 {add = true} : memref<10240xf32, #tpu.memory_space<vmem>>[vector<16xi32>], vector<16xf32>,
          %mul3A_209 = arith.mulf %gather3A_208, %gather3A_208 : vector<16xf32>
          tpu.vector_store_idx %arg15[%get3A_169], %mul3A_209 {add = true} : memref<10240xf32, #tpu.memory_space<vmem>>[vector<16xi32>], vector<16xf32>,
          %gather3A_210 = tpu.vector_load_idx %arg17[%get3A_169] : memref<10240xf32, #tpu.memory_space<vmem>>[vector<16xi32>], vector<16xf32>,
          %max3A_211 = arith.maximumf %gather3A_210, %gather3A_208 : vector<16xf32>
          tpu.vector_store_idx %arg17[%get3A_169], %max3A_211 : memref<10240xf32, #tpu.memory_space<vmem>>[vector<16xi32>], vector<16xf32>,
          %gather3A_212 = tpu.vector_load_idx %arg19[%get3A_169] : memref<10240xf32, #tpu.memory_space<vmem>>[vector<16xi32>], vector<16xf32>,
          %min3A_213 = arith.minimumf %gather3A_212, %gather3A_208 : vector<16xf32>
          tpu.vector_store_idx %arg19[%get3A_169], %min3A_213 : memref<10240xf32, #tpu.memory_space<vmem>>[vector<16xi32>], vector<16xf32>,
          %gather3A_214 = tpu.vector_load_idx %arg10[%get3A_179] : memref<10240xf32, #tpu.memory_space<vmem>>[vector<16xi32>], vector<16xf32>,
          tpu.vector_store_idx %arg12[%get3A_175], %gather3A_214 {add = true} : memref<10240xf32, #tpu.memory_space<vmem>>[vector<16xi32>], vector<16xf32>,
          %mul3A_215 = arith.mulf %gather3A_214, %gather3A_214 : vector<16xf32>
          tpu.vector_store_idx %arg14[%get3A_175], %mul3A_215 {add = true} : memref<10240xf32, #tpu.memory_space<vmem>>[vector<16xi32>], vector<16xf32>,
          %gather3A_216 = tpu.vector_load_idx %arg16[%get3A_175] : memref<10240xf32, #tpu.memory_space<vmem>>[vector<16xi32>], vector<16xf32>,
          %max3A_217 = arith.maximumf %gather3A_216, %gather3A_214 : vector<16xf32>
          tpu.vector_store_idx %arg16[%get3A_175], %max3A_217 : memref<10240xf32, #tpu.memory_space<vmem>>[vector<16xi32>], vector<16xf32>,
          %gather3A_218 = tpu.vector_load_idx %arg18[%get3A_175] : memref<10240xf32, #tpu.memory_space<vmem>>[vector<16xi32>], vector<16xf32>,
          %min3A_219 = arith.minimumf %gather3A_218, %gather3A_214 : vector<16xf32>
          tpu.vector_store_idx %arg18[%get3A_175], %min3A_219 : memref<10240xf32, #tpu.memory_space<vmem>>[vector<16xi32>], vector<16xf32>,
          %gather3A_220 = tpu.vector_load_idx %arg11[%get3A_179] : memref<10240xf32, #tpu.memory_space<vmem>>[vector<16xi32>], vector<16xf32>,
          tpu.vector_store_idx %arg13[%get3A_175], %gather3A_220 {add = true} : memref<10240xf32, #tpu.memory_space<vmem>>[vector<16xi32>], vector<16xf32>,
          %mul3A_221 = arith.mulf %gather3A_220, %gather3A_220 : vector<16xf32>
          tpu.vector_store_idx %arg15[%get3A_175], %mul3A_221 {add = true} : memref<10240xf32, #tpu.memory_space<vmem>>[vector<16xi32>], vector<16xf32>,
          %gather3A_222 = tpu.vector_load_idx %arg17[%get3A_175] : memref<10240xf32, #tpu.memory_space<vmem>>[vector<16xi32>], vector<16xf32>,
          %max3A_223 = arith.maximumf %gather3A_222, %gather3A_220 : vector<16xf32>
          tpu.vector_store_idx %arg17[%get3A_175], %max3A_223 : memref<10240xf32, #tpu.memory_space<vmem>>[vector<16xi32>], vector<16xf32>,
          %gather3A_224 = tpu.vector_load_idx %arg19[%get3A_175] : memref<10240xf32, #tpu.memory_space<vmem>>[vector<16xi32>], vector<16xf32>,
          %min3A_225 = arith.minimumf %gather3A_224, %gather3A_220 : vector<16xf32>
          tpu.vector_store_idx %arg19[%get3A_175], %min3A_225 : memref<10240xf32, #tpu.memory_space<vmem>>[vector<16xi32>], vector<16xf32>,
        } else {
        }
        %convert_element_type3A_200 = arith.extui %gt3A_195 : i1 to i32
        %cond3A_201 = arith.constant 0 : i32
        %cond3A_202 = arith.cmpi ne, %convert_element_type3A_200, %cond3A_201 : i32
        scf.if %cond3A_202 {
          %masked_sort3A = arith.constant dense<true> : vector<16xi1>
          %masked_sort3A_203 = arith.constant -2147483648 : i32
          %masked_sort3A_204 = vector.broadcast %masked_sort3A_203 : i32 to vector<16xi32>
          %masked_sort3A_205 = arith.xori %get3A_169, %masked_sort3A_204 : vector<16xi32>
          %masked_sort3A_206, %masked_sort3A_207, %masked_sort3A_208 = tpu.sort %masked_sort3A_205, %get3A_171 masked %masked_sort3A : (vector<16xi32>, vector<16xi32>, vector<16xi1>) -> (vector<16xi1>, vector<16xi32>, vector<16xi32>)
          %masked_sort3A_209 = arith.xori %masked_sort3A_207, %masked_sort3A_204 : vector<16xi32>
          %broadcast_in_dim3A_210 = vector.shape_cast %max3A_11 : vector<16xi32> to vector<16x1xi32>
          %gather3A = vector.shape_cast %broadcast_in_dim3A_210 : vector<16x1xi32> to vector<16xi32>
          %gather3A_211 = tpu.dynamic_gather %masked_sort3A_209[%gather3A] in [0] : vector<16xi32>, vector<16xi32> -> vector<16xi32>
          %eq3A_212 = arith.cmpi eq, %masked_sort3A_209, %gather3A_211 : vector<16xi32>
          %and3A_213 = arith.andi %ge3A_31, %eq3A_212 : vector<16xi1>
          %select_n3A = arith.select %and3A_213, %max3A_11, %iota3A : vector<16xi1>, vector<16xi32>
          %broadcast_in_dim3A_214 = vector.shape_cast %max3A_17 : vector<16xi32> to vector<16x1xi32>
          %gather3A_215 = vector.shape_cast %broadcast_in_dim3A_214 : vector<16x1xi32> to vector<16xi32>
          %gather3A_216 = tpu.dynamic_gather %masked_sort3A_209[%gather3A_215] in [0] : vector<16xi32>, vector<16xi32> -> vector<16xi32>
          %eq3A_217 = arith.cmpi eq, %masked_sort3A_209, %gather3A_216 : vector<16xi32>
          %and3A_218 = arith.andi %ge3A_34, %eq3A_217 : vector<16xi1>
          %select_n3A_219 = arith.select %and3A_218, %max3A_17, %iota3A : vector<16xi1>, vector<16xi32>
          %broadcast_in_dim3A_220 = vector.shape_cast %max3A_23 : vector<16xi32> to vector<16x1xi32>
          %gather3A_221 = vector.shape_cast %broadcast_in_dim3A_220 : vector<16x1xi32> to vector<16xi32>
          %gather3A_222 = tpu.dynamic_gather %masked_sort3A_209[%gather3A_221] in [0] : vector<16xi32>, vector<16xi32> -> vector<16xi32>
          %eq3A_223 = arith.cmpi eq, %masked_sort3A_209, %gather3A_222 : vector<16xi32>
          %and3A_224 = arith.andi %ge3A_37, %eq3A_223 : vector<16xi1>
          %select_n3A_225 = arith.select %and3A_224, %max3A_23, %iota3A : vector<16xi1>, vector<16xi32>
          %broadcast_in_dim3A_226 = vector.shape_cast %max3A_29 : vector<16xi32> to vector<16x1xi32>
          %gather3A_227 = vector.shape_cast %broadcast_in_dim3A_226 : vector<16x1xi32> to vector<16xi32>
          %gather3A_228 = tpu.dynamic_gather %masked_sort3A_209[%gather3A_227] in [0] : vector<16xi32>, vector<16xi32> -> vector<16xi32>
          %eq3A_229 = arith.cmpi eq, %masked_sort3A_209, %gather3A_228 : vector<16xi32>
          %and3A_230 = arith.andi %ge3A_40, %eq3A_229 : vector<16xi1>
          %select_n3A_231 = arith.select %and3A_230, %max3A_29, %iota3A : vector<16xi1>, vector<16xi32>
          %broadcast_in_dim3A_232 = vector.shape_cast %min3A_45 : vector<16xi32> to vector<16x1xi32>
          %gather3A_233 = vector.shape_cast %broadcast_in_dim3A_232 : vector<16x1xi32> to vector<16xi32>
          %gather3A_234 = tpu.dynamic_gather %masked_sort3A_209[%gather3A_233] in [0] : vector<16xi32>, vector<16xi32> -> vector<16xi32>
          %ne3A = arith.cmpi ne, %masked_sort3A_209, %gather3A_234 : vector<16xi32>
          %or3A = arith.ori %ne3A, %eq3A_47 : vector<16xi1>
          %gather3A_235 = tpu.vector_load_idx %arg10[%masked_sort3A_208] : memref<10240xf32, #tpu.memory_space<vmem>>[vector<16xi32>], vector<16xf32>,
          tpu.vector_store_idx %arg12[%masked_sort3A_209], %gather3A_235 {add = true} : memref<10240xf32, #tpu.memory_space<vmem>>[vector<16xi32>], vector<16xf32>,
          %mul3A_236 = arith.mulf %gather3A_235, %gather3A_235 : vector<16xf32>
          tpu.vector_store_idx %arg14[%masked_sort3A_209], %mul3A_236 {add = true} : memref<10240xf32, #tpu.memory_space<vmem>>[vector<16xi32>], vector<16xf32>,
          %broadcast_in_dim3A_237 = vector.shape_cast %select_n3A : vector<16xi32> to vector<16x1xi32>
          %gather3A_238 = vector.shape_cast %broadcast_in_dim3A_237 : vector<16x1xi32> to vector<16xi32>
          %gather3A_239 = tpu.dynamic_gather %gather3A_235[%gather3A_238] in [0] : vector<16xf32>, vector<16xi32> -> vector<16xf32>
          %max3A_240 = arith.maximumf %gather3A_235, %gather3A_239 : vector<16xf32>
          %broadcast_in_dim3A_241 = vector.shape_cast %select_n3A : vector<16xi32> to vector<16x1xi32>
          %gather3A_242 = vector.shape_cast %broadcast_in_dim3A_241 : vector<16x1xi32> to vector<16xi32>
          %gather3A_243 = tpu.dynamic_gather %gather3A_235[%gather3A_242] in [0] : vector<16xf32>, vector<16xi32> -> vector<16xf32>
          %min3A_244 = arith.minimumf %gather3A_235, %gather3A_243 : vector<16xf32>
          %broadcast_in_dim3A_245 = vector.shape_cast %select_n3A_219 : vector<16xi32> to vector<16x1xi32>
          %gather3A_246 = vector.shape_cast %broadcast_in_dim3A_245 : vector<16x1xi32> to vector<16xi32>
          %gather3A_247 = tpu.dynamic_gather %max3A_240[%gather3A_246] in [0] : vector<16xf32>, vector<16xi32> -> vector<16xf32>
          %max3A_248 = arith.maximumf %max3A_240, %gather3A_247 : vector<16xf32>
          %broadcast_in_dim3A_249 = vector.shape_cast %select_n3A_219 : vector<16xi32> to vector<16x1xi32>
          %gather3A_250 = vector.shape_cast %broadcast_in_dim3A_249 : vector<16x1xi32> to vector<16xi32>
          %gather3A_251 = tpu.dynamic_gather %min3A_244[%gather3A_250] in [0] : vector<16xf32>, vector<16xi32> -> vector<16xf32>
          %min3A_252 = arith.minimumf %min3A_244, %gather3A_251 : vector<16xf32>
          %broadcast_in_dim3A_253 = vector.shape_cast %select_n3A_225 : vector<16xi32> to vector<16x1xi32>
          %gather3A_254 = vector.shape_cast %broadcast_in_dim3A_253 : vector<16x1xi32> to vector<16xi32>
          %gather3A_255 = tpu.dynamic_gather %max3A_248[%gather3A_254] in [0] : vector<16xf32>, vector<16xi32> -> vector<16xf32>
          %max3A_256 = arith.maximumf %max3A_248, %gather3A_255 : vector<16xf32>
          %broadcast_in_dim3A_257 = vector.shape_cast %select_n3A_225 : vector<16xi32> to vector<16x1xi32>
          %gather3A_258 = vector.shape_cast %broadcast_in_dim3A_257 : vector<16x1xi32> to vector<16xi32>
          %gather3A_259 = tpu.dynamic_gather %min3A_252[%gather3A_258] in [0] : vector<16xf32>, vector<16xi32> -> vector<16xf32>
          %min3A_260 = arith.minimumf %min3A_252, %gather3A_259 : vector<16xf32>
          %broadcast_in_dim3A_261 = vector.shape_cast %select_n3A_231 : vector<16xi32> to vector<16x1xi32>
          %gather3A_262 = vector.shape_cast %broadcast_in_dim3A_261 : vector<16x1xi32> to vector<16xi32>
          %gather3A_263 = tpu.dynamic_gather %max3A_256[%gather3A_262] in [0] : vector<16xf32>, vector<16xi32> -> vector<16xf32>
          %max3A_264 = arith.maximumf %max3A_256, %gather3A_263 : vector<16xf32>
          %broadcast_in_dim3A_265 = vector.shape_cast %select_n3A_231 : vector<16xi32> to vector<16x1xi32>
          %gather3A_266 = vector.shape_cast %broadcast_in_dim3A_265 : vector<16x1xi32> to vector<16xi32>
          %gather3A_267 = tpu.dynamic_gather %min3A_260[%gather3A_266] in [0] : vector<16xf32>, vector<16xi32> -> vector<16xf32>
          %min3A_268 = arith.minimumf %min3A_260, %gather3A_267 : vector<16xf32>
          %gather3A_269 = tpu.vector_load_idx %arg16[%masked_sort3A_209] masked %or3A : memref<10240xf32, #tpu.memory_space<vmem>>[vector<16xi32>], vector<16xf32>, vector<16xi1>
          %max3A_270 = arith.maximumf %gather3A_269, %max3A_264 : vector<16xf32>
          tpu.vector_store_idx %arg16[%masked_sort3A_209], %max3A_270 masked %or3A : memref<10240xf32, #tpu.memory_space<vmem>>[vector<16xi32>], vector<16xf32>, vector<16xi1>
          %gather3A_271 = tpu.vector_load_idx %arg18[%masked_sort3A_209] masked %or3A : memref<10240xf32, #tpu.memory_space<vmem>>[vector<16xi32>], vector<16xf32>, vector<16xi1>
          %min3A_272 = arith.minimumf %gather3A_271, %min3A_268 : vector<16xf32>
          tpu.vector_store_idx %arg18[%masked_sort3A_209], %min3A_272 masked %or3A : memref<10240xf32, #tpu.memory_space<vmem>>[vector<16xi32>], vector<16xf32>, vector<16xi1>
          %gather3A_273 = tpu.vector_load_idx %arg11[%masked_sort3A_208] : memref<10240xf32, #tpu.memory_space<vmem>>[vector<16xi32>], vector<16xf32>,
          tpu.vector_store_idx %arg13[%masked_sort3A_209], %gather3A_273 {add = true} : memref<10240xf32, #tpu.memory_space<vmem>>[vector<16xi32>], vector<16xf32>,
          %mul3A_274 = arith.mulf %gather3A_273, %gather3A_273 : vector<16xf32>
          tpu.vector_store_idx %arg15[%masked_sort3A_209], %mul3A_274 {add = true} : memref<10240xf32, #tpu.memory_space<vmem>>[vector<16xi32>], vector<16xf32>,
          %broadcast_in_dim3A_275 = vector.shape_cast %select_n3A : vector<16xi32> to vector<16x1xi32>
          %gather3A_276 = vector.shape_cast %broadcast_in_dim3A_275 : vector<16x1xi32> to vector<16xi32>
          %gather3A_277 = tpu.dynamic_gather %gather3A_273[%gather3A_276] in [0] : vector<16xf32>, vector<16xi32> -> vector<16xf32>
          %max3A_278 = arith.maximumf %gather3A_273, %gather3A_277 : vector<16xf32>
          %broadcast_in_dim3A_279 = vector.shape_cast %select_n3A : vector<16xi32> to vector<16x1xi32>
          %gather3A_280 = vector.shape_cast %broadcast_in_dim3A_279 : vector<16x1xi32> to vector<16xi32>
          %gather3A_281 = tpu.dynamic_gather %gather3A_273[%gather3A_280] in [0] : vector<16xf32>, vector<16xi32> -> vector<16xf32>
          %min3A_282 = arith.minimumf %gather3A_273, %gather3A_281 : vector<16xf32>
          %broadcast_in_dim3A_283 = vector.shape_cast %select_n3A_219 : vector<16xi32> to vector<16x1xi32>
          %gather3A_284 = vector.shape_cast %broadcast_in_dim3A_283 : vector<16x1xi32> to vector<16xi32>
          %gather3A_285 = tpu.dynamic_gather %max3A_278[%gather3A_284] in [0] : vector<16xf32>, vector<16xi32> -> vector<16xf32>
          %max3A_286 = arith.maximumf %max3A_278, %gather3A_285 : vector<16xf32>
          %broadcast_in_dim3A_287 = vector.shape_cast %select_n3A_219 : vector<16xi32> to vector<16x1xi32>
          %gather3A_288 = vector.shape_cast %broadcast_in_dim3A_287 : vector<16x1xi32> to vector<16xi32>
          %gather3A_289 = tpu.dynamic_gather %min3A_282[%gather3A_288] in [0] : vector<16xf32>, vector<16xi32> -> vector<16xf32>
          %min3A_290 = arith.minimumf %min3A_282, %gather3A_289 : vector<16xf32>
          %broadcast_in_dim3A_291 = vector.shape_cast %select_n3A_225 : vector<16xi32> to vector<16x1xi32>
          %gather3A_292 = vector.shape_cast %broadcast_in_dim3A_291 : vector<16x1xi32> to vector<16xi32>
          %gather3A_293 = tpu.dynamic_gather %max3A_286[%gather3A_292] in [0] : vector<16xf32>, vector<16xi32> -> vector<16xf32>
          %max3A_294 = arith.maximumf %max3A_286, %gather3A_293 : vector<16xf32>
          %broadcast_in_dim3A_295 = vector.shape_cast %select_n3A_225 : vector<16xi32> to vector<16x1xi32>
          %gather3A_296 = vector.shape_cast %broadcast_in_dim3A_295 : vector<16x1xi32> to vector<16xi32>
          %gather3A_297 = tpu.dynamic_gather %min3A_290[%gather3A_296] in [0] : vector<16xf32>, vector<16xi32> -> vector<16xf32>
          %min3A_298 = arith.minimumf %min3A_290, %gather3A_297 : vector<16xf32>
          %broadcast_in_dim3A_299 = vector.shape_cast %select_n3A_231 : vector<16xi32> to vector<16x1xi32>
          %gather3A_300 = vector.shape_cast %broadcast_in_dim3A_299 : vector<16x1xi32> to vector<16xi32>
          %gather3A_301 = tpu.dynamic_gather %max3A_294[%gather3A_300] in [0] : vector<16xf32>, vector<16xi32> -> vector<16xf32>
          %max3A_302 = arith.maximumf %max3A_294, %gather3A_301 : vector<16xf32>
          %broadcast_in_dim3A_303 = vector.shape_cast %select_n3A_231 : vector<16xi32> to vector<16x1xi32>
          %gather3A_304 = vector.shape_cast %broadcast_in_dim3A_303 : vector<16x1xi32> to vector<16xi32>
          %gather3A_305 = tpu.dynamic_gather %min3A_298[%gather3A_304] in [0] : vector<16xf32>, vector<16xi32> -> vector<16xf32>
          %min3A_306 = arith.minimumf %min3A_298, %gather3A_305 : vector<16xf32>
          %gather3A_307 = tpu.vector_load_idx %arg17[%masked_sort3A_209] masked %or3A : memref<10240xf32, #tpu.memory_space<vmem>>[vector<16xi32>], vector<16xf32>, vector<16xi1>
          %max3A_308 = arith.maximumf %gather3A_307, %max3A_302 : vector<16xf32>
          tpu.vector_store_idx %arg17[%masked_sort3A_209], %max3A_308 masked %or3A : memref<10240xf32, #tpu.memory_space<vmem>>[vector<16xi32>], vector<16xf32>, vector<16xi1>
          %gather3A_309 = tpu.vector_load_idx %arg19[%masked_sort3A_209] masked %or3A : memref<10240xf32, #tpu.memory_space<vmem>>[vector<16xi32>], vector<16xf32>, vector<16xi1>
          %min3A_310 = arith.minimumf %gather3A_309, %min3A_306 : vector<16xf32>
          tpu.vector_store_idx %arg19[%masked_sort3A_209], %min3A_310 masked %or3A : memref<10240xf32, #tpu.memory_space<vmem>>[vector<16xi32>], vector<16xf32>, vector<16xi1>
          %masked_sort3A_311 = arith.constant dense<true> : vector<16xi1>
          %masked_sort3A_312 = arith.constant -2147483648 : i32
          %masked_sort3A_313 = vector.broadcast %masked_sort3A_312 : i32 to vector<16xi32>
          %masked_sort3A_314 = arith.xori %get3A_175, %masked_sort3A_313 : vector<16xi32>
          %masked_sort3A_315, %masked_sort3A_316, %masked_sort3A_317 = tpu.sort %masked_sort3A_314, %get3A_179 masked %masked_sort3A_311 : (vector<16xi32>, vector<16xi32>, vector<16xi1>) -> (vector<16xi1>, vector<16xi32>, vector<16xi32>)
          %masked_sort3A_318 = arith.xori %masked_sort3A_316, %masked_sort3A_313 : vector<16xi32>
          %broadcast_in_dim3A_319 = vector.shape_cast %max3A_11 : vector<16xi32> to vector<16x1xi32>
          %gather3A_320 = vector.shape_cast %broadcast_in_dim3A_319 : vector<16x1xi32> to vector<16xi32>
          %gather3A_321 = tpu.dynamic_gather %masked_sort3A_318[%gather3A_320] in [0] : vector<16xi32>, vector<16xi32> -> vector<16xi32>
          %eq3A_322 = arith.cmpi eq, %masked_sort3A_318, %gather3A_321 : vector<16xi32>
          %and3A_323 = arith.andi %ge3A_31, %eq3A_322 : vector<16xi1>
          %select_n3A_324 = arith.select %and3A_323, %max3A_11, %iota3A : vector<16xi1>, vector<16xi32>
          %broadcast_in_dim3A_325 = vector.shape_cast %max3A_17 : vector<16xi32> to vector<16x1xi32>
          %gather3A_326 = vector.shape_cast %broadcast_in_dim3A_325 : vector<16x1xi32> to vector<16xi32>
          %gather3A_327 = tpu.dynamic_gather %masked_sort3A_318[%gather3A_326] in [0] : vector<16xi32>, vector<16xi32> -> vector<16xi32>
          %eq3A_328 = arith.cmpi eq, %masked_sort3A_318, %gather3A_327 : vector<16xi32>
          %and3A_329 = arith.andi %ge3A_34, %eq3A_328 : vector<16xi1>
          %select_n3A_330 = arith.select %and3A_329, %max3A_17, %iota3A : vector<16xi1>, vector<16xi32>
          %broadcast_in_dim3A_331 = vector.shape_cast %max3A_23 : vector<16xi32> to vector<16x1xi32>
          %gather3A_332 = vector.shape_cast %broadcast_in_dim3A_331 : vector<16x1xi32> to vector<16xi32>
          %gather3A_333 = tpu.dynamic_gather %masked_sort3A_318[%gather3A_332] in [0] : vector<16xi32>, vector<16xi32> -> vector<16xi32>
          %eq3A_334 = arith.cmpi eq, %masked_sort3A_318, %gather3A_333 : vector<16xi32>
          %and3A_335 = arith.andi %ge3A_37, %eq3A_334 : vector<16xi1>
          %select_n3A_336 = arith.select %and3A_335, %max3A_23, %iota3A : vector<16xi1>, vector<16xi32>
          %broadcast_in_dim3A_337 = vector.shape_cast %max3A_29 : vector<16xi32> to vector<16x1xi32>
          %gather3A_338 = vector.shape_cast %broadcast_in_dim3A_337 : vector<16x1xi32> to vector<16xi32>
          %gather3A_339 = tpu.dynamic_gather %masked_sort3A_318[%gather3A_338] in [0] : vector<16xi32>, vector<16xi32> -> vector<16xi32>
          %eq3A_340 = arith.cmpi eq, %masked_sort3A_318, %gather3A_339 : vector<16xi32>
          %and3A_341 = arith.andi %ge3A_40, %eq3A_340 : vector<16xi1>
          %select_n3A_342 = arith.select %and3A_341, %max3A_29, %iota3A : vector<16xi1>, vector<16xi32>
          %broadcast_in_dim3A_343 = vector.shape_cast %min3A_45 : vector<16xi32> to vector<16x1xi32>
          %gather3A_344 = vector.shape_cast %broadcast_in_dim3A_343 : vector<16x1xi32> to vector<16xi32>
          %gather3A_345 = tpu.dynamic_gather %masked_sort3A_318[%gather3A_344] in [0] : vector<16xi32>, vector<16xi32> -> vector<16xi32>
          %ne3A_346 = arith.cmpi ne, %masked_sort3A_318, %gather3A_345 : vector<16xi32>
          %or3A_347 = arith.ori %ne3A_346, %eq3A_47 : vector<16xi1>
          %gather3A_348 = tpu.vector_load_idx %arg10[%masked_sort3A_317] : memref<10240xf32, #tpu.memory_space<vmem>>[vector<16xi32>], vector<16xf32>,
          tpu.vector_store_idx %arg12[%masked_sort3A_318], %gather3A_348 {add = true} : memref<10240xf32, #tpu.memory_space<vmem>>[vector<16xi32>], vector<16xf32>,
          %mul3A_349 = arith.mulf %gather3A_348, %gather3A_348 : vector<16xf32>
          tpu.vector_store_idx %arg14[%masked_sort3A_318], %mul3A_349 {add = true} : memref<10240xf32, #tpu.memory_space<vmem>>[vector<16xi32>], vector<16xf32>,
          %broadcast_in_dim3A_350 = vector.shape_cast %select_n3A_324 : vector<16xi32> to vector<16x1xi32>
          %gather3A_351 = vector.shape_cast %broadcast_in_dim3A_350 : vector<16x1xi32> to vector<16xi32>
          %gather3A_352 = tpu.dynamic_gather %gather3A_348[%gather3A_351] in [0] : vector<16xf32>, vector<16xi32> -> vector<16xf32>
          %max3A_353 = arith.maximumf %gather3A_348, %gather3A_352 : vector<16xf32>
          %broadcast_in_dim3A_354 = vector.shape_cast %select_n3A_324 : vector<16xi32> to vector<16x1xi32>
          %gather3A_355 = vector.shape_cast %broadcast_in_dim3A_354 : vector<16x1xi32> to vector<16xi32>
          %gather3A_356 = tpu.dynamic_gather %gather3A_348[%gather3A_355] in [0] : vector<16xf32>, vector<16xi32> -> vector<16xf32>
          %min3A_357 = arith.minimumf %gather3A_348, %gather3A_356 : vector<16xf32>
          %broadcast_in_dim3A_358 = vector.shape_cast %select_n3A_330 : vector<16xi32> to vector<16x1xi32>
          %gather3A_359 = vector.shape_cast %broadcast_in_dim3A_358 : vector<16x1xi32> to vector<16xi32>
          %gather3A_360 = tpu.dynamic_gather %max3A_353[%gather3A_359] in [0] : vector<16xf32>, vector<16xi32> -> vector<16xf32>
          %max3A_361 = arith.maximumf %max3A_353, %gather3A_360 : vector<16xf32>
          %broadcast_in_dim3A_362 = vector.shape_cast %select_n3A_330 : vector<16xi32> to vector<16x1xi32>
          %gather3A_363 = vector.shape_cast %broadcast_in_dim3A_362 : vector<16x1xi32> to vector<16xi32>
          %gather3A_364 = tpu.dynamic_gather %min3A_357[%gather3A_363] in [0] : vector<16xf32>, vector<16xi32> -> vector<16xf32>
          %min3A_365 = arith.minimumf %min3A_357, %gather3A_364 : vector<16xf32>
          %broadcast_in_dim3A_366 = vector.shape_cast %select_n3A_336 : vector<16xi32> to vector<16x1xi32>
          %gather3A_367 = vector.shape_cast %broadcast_in_dim3A_366 : vector<16x1xi32> to vector<16xi32>
          %gather3A_368 = tpu.dynamic_gather %max3A_361[%gather3A_367] in [0] : vector<16xf32>, vector<16xi32> -> vector<16xf32>
          %max3A_369 = arith.maximumf %max3A_361, %gather3A_368 : vector<16xf32>
          %broadcast_in_dim3A_370 = vector.shape_cast %select_n3A_336 : vector<16xi32> to vector<16x1xi32>
          %gather3A_371 = vector.shape_cast %broadcast_in_dim3A_370 : vector<16x1xi32> to vector<16xi32>
          %gather3A_372 = tpu.dynamic_gather %min3A_365[%gather3A_371] in [0] : vector<16xf32>, vector<16xi32> -> vector<16xf32>
          %min3A_373 = arith.minimumf %min3A_365, %gather3A_372 : vector<16xf32>
          %broadcast_in_dim3A_374 = vector.shape_cast %select_n3A_342 : vector<16xi32> to vector<16x1xi32>
          %gather3A_375 = vector.shape_cast %broadcast_in_dim3A_374 : vector<16x1xi32> to vector<16xi32>
          %gather3A_376 = tpu.dynamic_gather %max3A_369[%gather3A_375] in [0] : vector<16xf32>, vector<16xi32> -> vector<16xf32>
          %max3A_377 = arith.maximumf %max3A_369, %gather3A_376 : vector<16xf32>
          %broadcast_in_dim3A_378 = vector.shape_cast %select_n3A_342 : vector<16xi32> to vector<16x1xi32>
          %gather3A_379 = vector.shape_cast %broadcast_in_dim3A_378 : vector<16x1xi32> to vector<16xi32>
          %gather3A_380 = tpu.dynamic_gather %min3A_373[%gather3A_379] in [0] : vector<16xf32>, vector<16xi32> -> vector<16xf32>
          %min3A_381 = arith.minimumf %min3A_373, %gather3A_380 : vector<16xf32>
          %gather3A_382 = tpu.vector_load_idx %arg16[%masked_sort3A_318] masked %or3A_347 : memref<10240xf32, #tpu.memory_space<vmem>>[vector<16xi32>], vector<16xf32>, vector<16xi1>
          %max3A_383 = arith.maximumf %gather3A_382, %max3A_377 : vector<16xf32>
          tpu.vector_store_idx %arg16[%masked_sort3A_318], %max3A_383 masked %or3A_347 : memref<10240xf32, #tpu.memory_space<vmem>>[vector<16xi32>], vector<16xf32>, vector<16xi1>
          %gather3A_384 = tpu.vector_load_idx %arg18[%masked_sort3A_318] masked %or3A_347 : memref<10240xf32, #tpu.memory_space<vmem>>[vector<16xi32>], vector<16xf32>, vector<16xi1>
          %min3A_385 = arith.minimumf %gather3A_384, %min3A_381 : vector<16xf32>
          tpu.vector_store_idx %arg18[%masked_sort3A_318], %min3A_385 masked %or3A_347 : memref<10240xf32, #tpu.memory_space<vmem>>[vector<16xi32>], vector<16xf32>, vector<16xi1>
          %gather3A_386 = tpu.vector_load_idx %arg11[%masked_sort3A_317] : memref<10240xf32, #tpu.memory_space<vmem>>[vector<16xi32>], vector<16xf32>,
          tpu.vector_store_idx %arg13[%masked_sort3A_318], %gather3A_386 {add = true} : memref<10240xf32, #tpu.memory_space<vmem>>[vector<16xi32>], vector<16xf32>,
          %mul3A_387 = arith.mulf %gather3A_386, %gather3A_386 : vector<16xf32>
          tpu.vector_store_idx %arg15[%masked_sort3A_318], %mul3A_387 {add = true} : memref<10240xf32, #tpu.memory_space<vmem>>[vector<16xi32>], vector<16xf32>,
          %broadcast_in_dim3A_388 = vector.shape_cast %select_n3A_324 : vector<16xi32> to vector<16x1xi32>
          %gather3A_389 = vector.shape_cast %broadcast_in_dim3A_388 : vector<16x1xi32> to vector<16xi32>
          %gather3A_390 = tpu.dynamic_gather %gather3A_386[%gather3A_389] in [0] : vector<16xf32>, vector<16xi32> -> vector<16xf32>
          %max3A_391 = arith.maximumf %gather3A_386, %gather3A_390 : vector<16xf32>
          %broadcast_in_dim3A_392 = vector.shape_cast %select_n3A_324 : vector<16xi32> to vector<16x1xi32>
          %gather3A_393 = vector.shape_cast %broadcast_in_dim3A_392 : vector<16x1xi32> to vector<16xi32>
          %gather3A_394 = tpu.dynamic_gather %gather3A_386[%gather3A_393] in [0] : vector<16xf32>, vector<16xi32> -> vector<16xf32>
          %min3A_395 = arith.minimumf %gather3A_386, %gather3A_394 : vector<16xf32>
          %broadcast_in_dim3A_396 = vector.shape_cast %select_n3A_330 : vector<16xi32> to vector<16x1xi32>
          %gather3A_397 = vector.shape_cast %broadcast_in_dim3A_396 : vector<16x1xi32> to vector<16xi32>
          %gather3A_398 = tpu.dynamic_gather %max3A_391[%gather3A_397] in [0] : vector<16xf32>, vector<16xi32> -> vector<16xf32>
          %max3A_399 = arith.maximumf %max3A_391, %gather3A_398 : vector<16xf32>
          %broadcast_in_dim3A_400 = vector.shape_cast %select_n3A_330 : vector<16xi32> to vector<16x1xi32>
          %gather3A_401 = vector.shape_cast %broadcast_in_dim3A_400 : vector<16x1xi32> to vector<16xi32>
          %gather3A_402 = tpu.dynamic_gather %min3A_395[%gather3A_401] in [0] : vector<16xf32>, vector<16xi32> -> vector<16xf32>
          %min3A_403 = arith.minimumf %min3A_395, %gather3A_402 : vector<16xf32>
          %broadcast_in_dim3A_404 = vector.shape_cast %select_n3A_336 : vector<16xi32> to vector<16x1xi32>
          %gather3A_405 = vector.shape_cast %broadcast_in_dim3A_404 : vector<16x1xi32> to vector<16xi32>
          %gather3A_406 = tpu.dynamic_gather %max3A_399[%gather3A_405] in [0] : vector<16xf32>, vector<16xi32> -> vector<16xf32>
          %max3A_407 = arith.maximumf %max3A_399, %gather3A_406 : vector<16xf32>
          %broadcast_in_dim3A_408 = vector.shape_cast %select_n3A_336 : vector<16xi32> to vector<16x1xi32>
          %gather3A_409 = vector.shape_cast %broadcast_in_dim3A_408 : vector<16x1xi32> to vector<16xi32>
          %gather3A_410 = tpu.dynamic_gather %min3A_403[%gather3A_409] in [0] : vector<16xf32>, vector<16xi32> -> vector<16xf32>
          %min3A_411 = arith.minimumf %min3A_403, %gather3A_410 : vector<16xf32>
          %broadcast_in_dim3A_412 = vector.shape_cast %select_n3A_342 : vector<16xi32> to vector<16x1xi32>
          %gather3A_413 = vector.shape_cast %broadcast_in_dim3A_412 : vector<16x1xi32> to vector<16xi32>
          %gather3A_414 = tpu.dynamic_gather %max3A_407[%gather3A_413] in [0] : vector<16xf32>, vector<16xi32> -> vector<16xf32>
          %max3A_415 = arith.maximumf %max3A_407, %gather3A_414 : vector<16xf32>
          %broadcast_in_dim3A_416 = vector.shape_cast %select_n3A_342 : vector<16xi32> to vector<16x1xi32>
          %gather3A_417 = vector.shape_cast %broadcast_in_dim3A_416 : vector<16x1xi32> to vector<16xi32>
          %gather3A_418 = tpu.dynamic_gather %min3A_411[%gather3A_417] in [0] : vector<16xf32>, vector<16xi32> -> vector<16xf32>
          %min3A_419 = arith.minimumf %min3A_411, %gather3A_418 : vector<16xf32>
          %gather3A_420 = tpu.vector_load_idx %arg17[%masked_sort3A_318] masked %or3A_347 : memref<10240xf32, #tpu.memory_space<vmem>>[vector<16xi32>], vector<16xf32>, vector<16xi1>
          %max3A_421 = arith.maximumf %gather3A_420, %max3A_415 : vector<16xf32>
          tpu.vector_store_idx %arg17[%masked_sort3A_318], %max3A_421 masked %or3A_347 : memref<10240xf32, #tpu.memory_space<vmem>>[vector<16xi32>], vector<16xf32>, vector<16xi1>
          %gather3A_422 = tpu.vector_load_idx %arg19[%masked_sort3A_318] masked %or3A_347 : memref<10240xf32, #tpu.memory_space<vmem>>[vector<16xi32>], vector<16xf32>, vector<16xi1>
          %min3A_423 = arith.minimumf %gather3A_422, %min3A_419 : vector<16xf32>
          tpu.vector_store_idx %arg19[%masked_sort3A_318], %min3A_423 masked %or3A_347 : memref<10240xf32, #tpu.memory_space<vmem>>[vector<16xi32>], vector<16xf32>, vector<16xi1>
        } else {
        }
      }
      %scan3A_163 = arith.constant 100 : i32
    }
    %scan3A_106 = arith.constant 50 : i32
    "tpu.region"() ({
      %run_scoped3A = tpu.sem_alloc : memref<!tpu.dma_semaphore, #tpu.memory_space<semaphore_mem>>
      %dma_start3A_124 = arith.constant 0 : i32
      %dma_start3A_125 = tpu.memref_slice %arg5[%add3A_86, %dma_start3A_124] : memref<128x10240xf32, #tpu.memory_space<hbm>> -> memref<1x10240xf32, #tpu.memory_space<hbm>>
      %dma_start3A_126 = tpu.memref_squeeze %dma_start3A_125 : memref<1x10240xf32, #tpu.memory_space<hbm>> -> memref<10240xf32, #tpu.memory_space<hbm>>
      %dma_start3A_127 = arith.constant 0 : i32
      %dma_start3A_128 = tpu.memref_slice %arg5[%add3A_86, %dma_start3A_127] : memref<128x10240xf32, #tpu.memory_space<hbm>> -> memref<1x10240xf32, #tpu.memory_space<hbm>>
      %dma_start3A_129 = tpu.memref_squeeze %dma_start3A_128 : memref<1x10240xf32, #tpu.memory_space<hbm>> -> memref<10240xf32, #tpu.memory_space<hbm>>
      tpu.enqueue_dma source(%arg12 : memref<10240xf32, #tpu.memory_space<vmem>>) target(%dma_start3A_129 : memref<10240xf32, #tpu.memory_space<hbm>>) target_semaphore(%run_scoped3A : memref<!tpu.dma_semaphore, #tpu.memory_space<semaphore_mem>>)
      %dma_wait3A = arith.constant 0 : i32
      %dma_wait3A_130 = tpu.memref_slice %arg5[%add3A_86, %dma_wait3A] : memref<128x10240xf32, #tpu.memory_space<hbm>> -> memref<1x10240xf32, #tpu.memory_space<hbm>>
      %dma_wait3A_131 = tpu.memref_squeeze %dma_wait3A_130 : memref<1x10240xf32, #tpu.memory_space<hbm>> -> memref<10240xf32, #tpu.memory_space<hbm>>
      %dma_wait3A_132 = arith.constant 0 : i32
      %dma_wait3A_133 = tpu.memref_slice %arg5[%add3A_86, %dma_wait3A_132] : memref<128x10240xf32, #tpu.memory_space<hbm>> -> memref<1x10240xf32, #tpu.memory_space<hbm>>
      %dma_wait3A_134 = tpu.memref_squeeze %dma_wait3A_133 : memref<1x10240xf32, #tpu.memory_space<hbm>> -> memref<10240xf32, #tpu.memory_space<hbm>>
      tpu.wait_dma2 semaphore(%run_scoped3A : memref<!tpu.dma_semaphore, #tpu.memory_space<semaphore_mem>>) src(%arg12 : memref<10240xf32, #tpu.memory_space<vmem>>) dst(%dma_wait3A_134 : memref<10240xf32, #tpu.memory_space<hbm>>)
      tpu.yield
    }) : () -> ()
    %add3A_107 = arith.constant 1 : i32
    %add3A_108 = arith.addi %add3A_86, %add3A_107 : i32
    "tpu.region"() ({
      %run_scoped3A = tpu.sem_alloc : memref<!tpu.dma_semaphore, #tpu.memory_space<semaphore_mem>>
      %dma_start3A_124 = arith.constant 0 : i32
      %dma_start3A_125 = tpu.memref_slice %arg5[%add3A_108, %dma_start3A_124] : memref<128x10240xf32, #tpu.memory_space<hbm>> -> memref<1x10240xf32, #tpu.memory_space<hbm>>
      %dma_start3A_126 = tpu.memref_squeeze %dma_start3A_125 : memref<1x10240xf32, #tpu.memory_space<hbm>> -> memref<10240xf32, #tpu.memory_space<hbm>>
      %dma_start3A_127 = arith.constant 0 : i32
      %dma_start3A_128 = tpu.memref_slice %arg5[%add3A_108, %dma_start3A_127] : memref<128x10240xf32, #tpu.memory_space<hbm>> -> memref<1x10240xf32, #tpu.memory_space<hbm>>
      %dma_start3A_129 = tpu.memref_squeeze %dma_start3A_128 : memref<1x10240xf32, #tpu.memory_space<hbm>> -> memref<10240xf32, #tpu.memory_space<hbm>>
      tpu.enqueue_dma source(%arg13 : memref<10240xf32, #tpu.memory_space<vmem>>) target(%dma_start3A_129 : memref<10240xf32, #tpu.memory_space<hbm>>) target_semaphore(%run_scoped3A : memref<!tpu.dma_semaphore, #tpu.memory_space<semaphore_mem>>)
      %dma_wait3A = arith.constant 0 : i32
      %dma_wait3A_130 = tpu.memref_slice %arg5[%add3A_108, %dma_wait3A] : memref<128x10240xf32, #tpu.memory_space<hbm>> -> memref<1x10240xf32, #tpu.memory_space<hbm>>
      %dma_wait3A_131 = tpu.memref_squeeze %dma_wait3A_130 : memref<1x10240xf32, #tpu.memory_space<hbm>> -> memref<10240xf32, #tpu.memory_space<hbm>>
      %dma_wait3A_132 = arith.constant 0 : i32
      %dma_wait3A_133 = tpu.memref_slice %arg5[%add3A_108, %dma_wait3A_132] : memref<128x10240xf32, #tpu.memory_space<hbm>> -> memref<1x10240xf32, #tpu.memory_space<hbm>>
      %dma_wait3A_134 = tpu.memref_squeeze %dma_wait3A_133 : memref<1x10240xf32, #tpu.memory_space<hbm>> -> memref<10240xf32, #tpu.memory_space<hbm>>
      tpu.wait_dma2 semaphore(%run_scoped3A : memref<!tpu.dma_semaphore, #tpu.memory_space<semaphore_mem>>) src(%arg13 : memref<10240xf32, #tpu.memory_space<vmem>>) dst(%dma_wait3A_134 : memref<10240xf32, #tpu.memory_space<hbm>>)
      tpu.yield
    }) : () -> ()
    "tpu.region"() ({
      %run_scoped3A = tpu.sem_alloc : memref<!tpu.dma_semaphore, #tpu.memory_space<semaphore_mem>>
      %dma_start3A_124 = arith.constant 0 : i32
      %dma_start3A_125 = tpu.memref_slice %arg6[%add3A_86, %dma_start3A_124] : memref<128x10240xf32, #tpu.memory_space<hbm>> -> memref<1x10240xf32, #tpu.memory_space<hbm>>
      %dma_start3A_126 = tpu.memref_squeeze %dma_start3A_125 : memref<1x10240xf32, #tpu.memory_space<hbm>> -> memref<10240xf32, #tpu.memory_space<hbm>>
      %dma_start3A_127 = arith.constant 0 : i32
      %dma_start3A_128 = tpu.memref_slice %arg6[%add3A_86, %dma_start3A_127] : memref<128x10240xf32, #tpu.memory_space<hbm>> -> memref<1x10240xf32, #tpu.memory_space<hbm>>
      %dma_start3A_129 = tpu.memref_squeeze %dma_start3A_128 : memref<1x10240xf32, #tpu.memory_space<hbm>> -> memref<10240xf32, #tpu.memory_space<hbm>>
      tpu.enqueue_dma source(%arg14 : memref<10240xf32, #tpu.memory_space<vmem>>) target(%dma_start3A_129 : memref<10240xf32, #tpu.memory_space<hbm>>) target_semaphore(%run_scoped3A : memref<!tpu.dma_semaphore, #tpu.memory_space<semaphore_mem>>)
      %dma_wait3A = arith.constant 0 : i32
      %dma_wait3A_130 = tpu.memref_slice %arg6[%add3A_86, %dma_wait3A] : memref<128x10240xf32, #tpu.memory_space<hbm>> -> memref<1x10240xf32, #tpu.memory_space<hbm>>
      %dma_wait3A_131 = tpu.memref_squeeze %dma_wait3A_130 : memref<1x10240xf32, #tpu.memory_space<hbm>> -> memref<10240xf32, #tpu.memory_space<hbm>>
      %dma_wait3A_132 = arith.constant 0 : i32
      %dma_wait3A_133 = tpu.memref_slice %arg6[%add3A_86, %dma_wait3A_132] : memref<128x10240xf32, #tpu.memory_space<hbm>> -> memref<1x10240xf32, #tpu.memory_space<hbm>>
      %dma_wait3A_134 = tpu.memref_squeeze %dma_wait3A_133 : memref<1x10240xf32, #tpu.memory_space<hbm>> -> memref<10240xf32, #tpu.memory_space<hbm>>
      tpu.wait_dma2 semaphore(%run_scoped3A : memref<!tpu.dma_semaphore, #tpu.memory_space<semaphore_mem>>) src(%arg14 : memref<10240xf32, #tpu.memory_space<vmem>>) dst(%dma_wait3A_134 : memref<10240xf32, #tpu.memory_space<hbm>>)
      tpu.yield
    }) : () -> ()
    %add3A_109 = arith.constant 1 : i32
    %add3A_110 = arith.addi %add3A_86, %add3A_109 : i32
    "tpu.region"() ({
      %run_scoped3A = tpu.sem_alloc : memref<!tpu.dma_semaphore, #tpu.memory_space<semaphore_mem>>
      %dma_start3A_124 = arith.constant 0 : i32
      %dma_start3A_125 = tpu.memref_slice %arg6[%add3A_110, %dma_start3A_124] : memref<128x10240xf32, #tpu.memory_space<hbm>> -> memref<1x10240xf32, #tpu.memory_space<hbm>>
      %dma_start3A_126 = tpu.memref_squeeze %dma_start3A_125 : memref<1x10240xf32, #tpu.memory_space<hbm>> -> memref<10240xf32, #tpu.memory_space<hbm>>
      %dma_start3A_127 = arith.constant 0 : i32
      %dma_start3A_128 = tpu.memref_slice %arg6[%add3A_110, %dma_start3A_127] : memref<128x10240xf32, #tpu.memory_space<hbm>> -> memref<1x10240xf32, #tpu.memory_space<hbm>>
      %dma_start3A_129 = tpu.memref_squeeze %dma_start3A_128 : memref<1x10240xf32, #tpu.memory_space<hbm>> -> memref<10240xf32, #tpu.memory_space<hbm>>
      tpu.enqueue_dma source(%arg15 : memref<10240xf32, #tpu.memory_space<vmem>>) target(%dma_start3A_129 : memref<10240xf32, #tpu.memory_space<hbm>>) target_semaphore(%run_scoped3A : memref<!tpu.dma_semaphore, #tpu.memory_space<semaphore_mem>>)
      %dma_wait3A = arith.constant 0 : i32
      %dma_wait3A_130 = tpu.memref_slice %arg6[%add3A_110, %dma_wait3A] : memref<128x10240xf32, #tpu.memory_space<hbm>> -> memref<1x10240xf32, #tpu.memory_space<hbm>>
      %dma_wait3A_131 = tpu.memref_squeeze %dma_wait3A_130 : memref<1x10240xf32, #tpu.memory_space<hbm>> -> memref<10240xf32, #tpu.memory_space<hbm>>
      %dma_wait3A_132 = arith.constant 0 : i32
      %dma_wait3A_133 = tpu.memref_slice %arg6[%add3A_110, %dma_wait3A_132] : memref<128x10240xf32, #tpu.memory_space<hbm>> -> memref<1x10240xf32, #tpu.memory_space<hbm>>
      %dma_wait3A_134 = tpu.memref_squeeze %dma_wait3A_133 : memref<1x10240xf32, #tpu.memory_space<hbm>> -> memref<10240xf32, #tpu.memory_space<hbm>>
      tpu.wait_dma2 semaphore(%run_scoped3A : memref<!tpu.dma_semaphore, #tpu.memory_space<semaphore_mem>>) src(%arg15 : memref<10240xf32, #tpu.memory_space<vmem>>) dst(%dma_wait3A_134 : memref<10240xf32, #tpu.memory_space<hbm>>)
      tpu.yield
    }) : () -> ()
    "tpu.region"() ({
      %run_scoped3A = tpu.sem_alloc : memref<!tpu.dma_semaphore, #tpu.memory_space<semaphore_mem>>
      %dma_start3A_124 = arith.constant 0 : i32
      %dma_start3A_125 = tpu.memref_slice %arg7[%add3A_86, %dma_start3A_124] : memref<128x10240xf32, #tpu.memory_space<hbm>> -> memref<1x10240xf32, #tpu.memory_space<hbm>>
      %dma_start3A_126 = tpu.memref_squeeze %dma_start3A_125 : memref<1x10240xf32, #tpu.memory_space<hbm>> -> memref<10240xf32, #tpu.memory_space<hbm>>
      %dma_start3A_127 = arith.constant 0 : i32
      %dma_start3A_128 = tpu.memref_slice %arg7[%add3A_86, %dma_start3A_127] : memref<128x10240xf32, #tpu.memory_space<hbm>> -> memref<1x10240xf32, #tpu.memory_space<hbm>>
      %dma_start3A_129 = tpu.memref_squeeze %dma_start3A_128 : memref<1x10240xf32, #tpu.memory_space<hbm>> -> memref<10240xf32, #tpu.memory_space<hbm>>
      tpu.enqueue_dma source(%arg16 : memref<10240xf32, #tpu.memory_space<vmem>>) target(%dma_start3A_129 : memref<10240xf32, #tpu.memory_space<hbm>>) target_semaphore(%run_scoped3A : memref<!tpu.dma_semaphore, #tpu.memory_space<semaphore_mem>>)
      %dma_wait3A = arith.constant 0 : i32
      %dma_wait3A_130 = tpu.memref_slice %arg7[%add3A_86, %dma_wait3A] : memref<128x10240xf32, #tpu.memory_space<hbm>> -> memref<1x10240xf32, #tpu.memory_space<hbm>>
      %dma_wait3A_131 = tpu.memref_squeeze %dma_wait3A_130 : memref<1x10240xf32, #tpu.memory_space<hbm>> -> memref<10240xf32, #tpu.memory_space<hbm>>
      %dma_wait3A_132 = arith.constant 0 : i32
      %dma_wait3A_133 = tpu.memref_slice %arg7[%add3A_86, %dma_wait3A_132] : memref<128x10240xf32, #tpu.memory_space<hbm>> -> memref<1x10240xf32, #tpu.memory_space<hbm>>
      %dma_wait3A_134 = tpu.memref_squeeze %dma_wait3A_133 : memref<1x10240xf32, #tpu.memory_space<hbm>> -> memref<10240xf32, #tpu.memory_space<hbm>>
      tpu.wait_dma2 semaphore(%run_scoped3A : memref<!tpu.dma_semaphore, #tpu.memory_space<semaphore_mem>>) src(%arg16 : memref<10240xf32, #tpu.memory_space<vmem>>) dst(%dma_wait3A_134 : memref<10240xf32, #tpu.memory_space<hbm>>)
      tpu.yield
    }) : () -> ()
    %add3A_111 = arith.constant 1 : i32
    %add3A_112 = arith.addi %add3A_86, %add3A_111 : i32
    "tpu.region"() ({
      %run_scoped3A = tpu.sem_alloc : memref<!tpu.dma_semaphore, #tpu.memory_space<semaphore_mem>>
      %dma_start3A_124 = arith.constant 0 : i32
      %dma_start3A_125 = tpu.memref_slice %arg7[%add3A_112, %dma_start3A_124] : memref<128x10240xf32, #tpu.memory_space<hbm>> -> memref<1x10240xf32, #tpu.memory_space<hbm>>
      %dma_start3A_126 = tpu.memref_squeeze %dma_start3A_125 : memref<1x10240xf32, #tpu.memory_space<hbm>> -> memref<10240xf32, #tpu.memory_space<hbm>>
      %dma_start3A_127 = arith.constant 0 : i32
      %dma_start3A_128 = tpu.memref_slice %arg7[%add3A_112, %dma_start3A_127] : memref<128x10240xf32, #tpu.memory_space<hbm>> -> memref<1x10240xf32, #tpu.memory_space<hbm>>
      %dma_start3A_129 = tpu.memref_squeeze %dma_start3A_128 : memref<1x10240xf32, #tpu.memory_space<hbm>> -> memref<10240xf32, #tpu.memory_space<hbm>>
      tpu.enqueue_dma source(%arg17 : memref<10240xf32, #tpu.memory_space<vmem>>) target(%dma_start3A_129 : memref<10240xf32, #tpu.memory_space<hbm>>) target_semaphore(%run_scoped3A : memref<!tpu.dma_semaphore, #tpu.memory_space<semaphore_mem>>)
      %dma_wait3A = arith.constant 0 : i32
      %dma_wait3A_130 = tpu.memref_slice %arg7[%add3A_112, %dma_wait3A] : memref<128x10240xf32, #tpu.memory_space<hbm>> -> memref<1x10240xf32, #tpu.memory_space<hbm>>
      %dma_wait3A_131 = tpu.memref_squeeze %dma_wait3A_130 : memref<1x10240xf32, #tpu.memory_space<hbm>> -> memref<10240xf32, #tpu.memory_space<hbm>>
      %dma_wait3A_132 = arith.constant 0 : i32
      %dma_wait3A_133 = tpu.memref_slice %arg7[%add3A_112, %dma_wait3A_132] : memref<128x10240xf32, #tpu.memory_space<hbm>> -> memref<1x10240xf32, #tpu.memory_space<hbm>>
      %dma_wait3A_134 = tpu.memref_squeeze %dma_wait3A_133 : memref<1x10240xf32, #tpu.memory_space<hbm>> -> memref<10240xf32, #tpu.memory_space<hbm>>
      tpu.wait_dma2 semaphore(%run_scoped3A : memref<!tpu.dma_semaphore, #tpu.memory_space<semaphore_mem>>) src(%arg17 : memref<10240xf32, #tpu.memory_space<vmem>>) dst(%dma_wait3A_134 : memref<10240xf32, #tpu.memory_space<hbm>>)
      tpu.yield
    }) : () -> ()
    "tpu.region"() ({
      %run_scoped3A = tpu.sem_alloc : memref<!tpu.dma_semaphore, #tpu.memory_space<semaphore_mem>>
      %dma_start3A_124 = arith.constant 0 : i32
      %dma_start3A_125 = tpu.memref_slice %arg8[%add3A_86, %dma_start3A_124] : memref<128x10240xf32, #tpu.memory_space<hbm>> -> memref<1x10240xf32, #tpu.memory_space<hbm>>
      %dma_start3A_126 = tpu.memref_squeeze %dma_start3A_125 : memref<1x10240xf32, #tpu.memory_space<hbm>> -> memref<10240xf32, #tpu.memory_space<hbm>>
      %dma_start3A_127 = arith.constant 0 : i32
      %dma_start3A_128 = tpu.memref_slice %arg8[%add3A_86, %dma_start3A_127] : memref<128x10240xf32, #tpu.memory_space<hbm>> -> memref<1x10240xf32, #tpu.memory_space<hbm>>
      %dma_start3A_129 = tpu.memref_squeeze %dma_start3A_128 : memref<1x10240xf32, #tpu.memory_space<hbm>> -> memref<10240xf32, #tpu.memory_space<hbm>>
      tpu.enqueue_dma source(%arg18 : memref<10240xf32, #tpu.memory_space<vmem>>) target(%dma_start3A_129 : memref<10240xf32, #tpu.memory_space<hbm>>) target_semaphore(%run_scoped3A : memref<!tpu.dma_semaphore, #tpu.memory_space<semaphore_mem>>)
      %dma_wait3A = arith.constant 0 : i32
      %dma_wait3A_130 = tpu.memref_slice %arg8[%add3A_86, %dma_wait3A] : memref<128x10240xf32, #tpu.memory_space<hbm>> -> memref<1x10240xf32, #tpu.memory_space<hbm>>
      %dma_wait3A_131 = tpu.memref_squeeze %dma_wait3A_130 : memref<1x10240xf32, #tpu.memory_space<hbm>> -> memref<10240xf32, #tpu.memory_space<hbm>>
      %dma_wait3A_132 = arith.constant 0 : i32
      %dma_wait3A_133 = tpu.memref_slice %arg8[%add3A_86, %dma_wait3A_132] : memref<128x10240xf32, #tpu.memory_space<hbm>> -> memref<1x10240xf32, #tpu.memory_space<hbm>>
      %dma_wait3A_134 = tpu.memref_squeeze %dma_wait3A_133 : memref<1x10240xf32, #tpu.memory_space<hbm>> -> memref<10240xf32, #tpu.memory_space<hbm>>
      tpu.wait_dma2 semaphore(%run_scoped3A : memref<!tpu.dma_semaphore, #tpu.memory_space<semaphore_mem>>) src(%arg18 : memref<10240xf32, #tpu.memory_space<vmem>>) dst(%dma_wait3A_134 : memref<10240xf32, #tpu.memory_space<hbm>>)
      tpu.yield
    }) : () -> ()
    %add3A_113 = arith.constant 1 : i32
    %add3A_114 = arith.addi %add3A_86, %add3A_113 : i32
    "tpu.region"() ({
      %run_scoped3A = tpu.sem_alloc : memref<!tpu.dma_semaphore, #tpu.memory_space<semaphore_mem>>
      %dma_start3A_124 = arith.constant 0 : i32
      %dma_start3A_125 = tpu.memref_slice %arg8[%add3A_114, %dma_start3A_124] : memref<128x10240xf32, #tpu.memory_space<hbm>> -> memref<1x10240xf32, #tpu.memory_space<hbm>>
      %dma_start3A_126 = tpu.memref_squeeze %dma_start3A_125 : memref<1x10240xf32, #tpu.memory_space<hbm>> -> memref<10240xf32, #tpu.memory_space<hbm>>
      %dma_start3A_127 = arith.constant 0 : i32
      %dma_start3A_128 = tpu.memref_slice %arg8[%add3A_114, %dma_start3A_127] : memref<128x10240xf32, #tpu.memory_space<hbm>> -> memref<1x10240xf32, #tpu.memory_space<hbm>>
      %dma_start3A_129 = tpu.memref_squeeze %dma_start3A_128 : memref<1x10240xf32, #tpu.memory_space<hbm>> -> memref<10240xf32, #tpu.memory_space<hbm>>
      tpu.enqueue_dma source(%arg19 : memref<10240xf32, #tpu.memory_space<vmem>>) target(%dma_start3A_129 : memref<10240xf32, #tpu.memory_space<hbm>>) target_semaphore(%run_scoped3A : memref<!tpu.dma_semaphore, #tpu.memory_space<semaphore_mem>>)
      %dma_wait3A = arith.constant 0 : i32
      %dma_wait3A_130 = tpu.memref_slice %arg8[%add3A_114, %dma_wait3A] : memref<128x10240xf32, #tpu.memory_space<hbm>> -> memref<1x10240xf32, #tpu.memory_space<hbm>>
      %dma_wait3A_131 = tpu.memref_squeeze %dma_wait3A_130 : memref<1x10240xf32, #tpu.memory_space<hbm>> -> memref<10240xf32, #tpu.memory_space<hbm>>
      %dma_wait3A_132 = arith.constant 0 : i32
      %dma_wait3A_133 = tpu.memref_slice %arg8[%add3A_114, %dma_wait3A_132] : memref<128x10240xf32, #tpu.memory_space<hbm>> -> memref<1x10240xf32, #tpu.memory_space<hbm>>
      %dma_wait3A_134 = tpu.memref_squeeze %dma_wait3A_133 : memref<1x10240xf32, #tpu.memory_space<hbm>> -> memref<10240xf32, #tpu.memory_space<hbm>>
      tpu.wait_dma2 semaphore(%run_scoped3A : memref<!tpu.dma_semaphore, #tpu.memory_space<semaphore_mem>>) src(%arg19 : memref<10240xf32, #tpu.memory_space<vmem>>) dst(%dma_wait3A_134 : memref<10240xf32, #tpu.memory_space<hbm>>)
      tpu.yield
    }) : () -> ()
    %eq3A_115 = arith.constant 0 : i32
    %eq3A_116 = arith.cmpi eq, %add3A, %eq3A_115 : i32
    %convert_element_type3A = arith.extui %eq3A_116 : i1 to i32
    %cond3A = arith.constant 0 : i32
    %cond3A_117 = arith.cmpi ne, %convert_element_type3A, %cond3A : i32
    scf.if %cond3A_117 {
      %run_scoped3A = arith.constant 0 : i32
      "tpu.region"() ({
        %run_scoped3A_124 = tpu.sem_alloc : memref<!tpu.dma_semaphore, #tpu.memory_space<semaphore_mem>>
        %dma_start3A_125 = arith.constant 0 : i32
        %dma_start3A_126 = tpu.memref_slice %arg9[%run_scoped3A, %dma_start3A_125] : memref<8x10240xf32, #tpu.memory_space<hbm>> -> memref<1x10240xf32, #tpu.memory_space<hbm>>
        %dma_start3A_127 = tpu.memref_squeeze %dma_start3A_126 : memref<1x10240xf32, #tpu.memory_space<hbm>> -> memref<10240xf32, #tpu.memory_space<hbm>>
        %dma_start3A_128 = arith.constant 0 : i32
        %dma_start3A_129 = tpu.memref_slice %arg9[%run_scoped3A, %dma_start3A_128] : memref<8x10240xf32, #tpu.memory_space<hbm>> -> memref<1x10240xf32, #tpu.memory_space<hbm>>
        %dma_start3A_130 = tpu.memref_squeeze %dma_start3A_129 : memref<1x10240xf32, #tpu.memory_space<hbm>> -> memref<10240xf32, #tpu.memory_space<hbm>>
        tpu.enqueue_dma source(%arg20 : memref<10240xf32, #tpu.memory_space<vmem>>) target(%dma_start3A_130 : memref<10240xf32, #tpu.memory_space<hbm>>) target_semaphore(%run_scoped3A_124 : memref<!tpu.dma_semaphore, #tpu.memory_space<semaphore_mem>>)
        %dma_wait3A = arith.constant 0 : i32
        %dma_wait3A_131 = tpu.memref_slice %arg9[%run_scoped3A, %dma_wait3A] : memref<8x10240xf32, #tpu.memory_space<hbm>> -> memref<1x10240xf32, #tpu.memory_space<hbm>>
        %dma_wait3A_132 = tpu.memref_squeeze %dma_wait3A_131 : memref<1x10240xf32, #tpu.memory_space<hbm>> -> memref<10240xf32, #tpu.memory_space<hbm>>
        %dma_wait3A_133 = arith.constant 0 : i32
        %dma_wait3A_134 = tpu.memref_slice %arg9[%run_scoped3A, %dma_wait3A_133] : memref<8x10240xf32, #tpu.memory_space<hbm>> -> memref<1x10240xf32, #tpu.memory_space<hbm>>
        %dma_wait3A_135 = tpu.memref_squeeze %dma_wait3A_134 : memref<1x10240xf32, #tpu.memory_space<hbm>> -> memref<10240xf32, #tpu.memory_space<hbm>>
        tpu.wait_dma2 semaphore(%run_scoped3A_124 : memref<!tpu.dma_semaphore, #tpu.memory_space<semaphore_mem>>) src(%arg20 : memref<10240xf32, #tpu.memory_space<vmem>>) dst(%dma_wait3A_135 : memref<10240xf32, #tpu.memory_space<hbm>>)
        tpu.yield
      }) : () -> ()
    } else {
    }
    %ge3A_118 = arith.constant 1 : i32
    %ge3A_119 = arith.cmpi sge, %add3A, %ge3A_118 : i32
    %lt3A = arith.constant 8 : i32
    %lt3A_120 = arith.cmpi slt, %add3A, %lt3A : i32
    %and3A = arith.andi %ge3A_119, %lt3A_120 : i1
    %convert_element_type3A_121 = arith.extui %and3A : i1 to i32
    %cond3A_122 = arith.constant 0 : i32
    %cond3A_123 = arith.cmpi ne, %convert_element_type3A_121, %cond3A_122 : i32
    scf.if %cond3A_123 {
      "tpu.region"() ({
        %run_scoped3A = tpu.sem_alloc : memref<!tpu.dma_semaphore, #tpu.memory_space<semaphore_mem>>
        %dma_start3A_124 = arith.constant 0 : i32
        %dma_start3A_125 = tpu.memref_slice %arg9[%add3A, %dma_start3A_124] : memref<8x10240xf32, #tpu.memory_space<hbm>> -> memref<1x10240xf32, #tpu.memory_space<hbm>>
        %dma_start3A_126 = tpu.memref_squeeze %dma_start3A_125 : memref<1x10240xf32, #tpu.memory_space<hbm>> -> memref<10240xf32, #tpu.memory_space<hbm>>
        %dma_start3A_127 = arith.constant 0 : i32
        %dma_start3A_128 = tpu.memref_slice %arg9[%add3A, %dma_start3A_127] : memref<8x10240xf32, #tpu.memory_space<hbm>> -> memref<1x10240xf32, #tpu.memory_space<hbm>>
        %dma_start3A_129 = tpu.memref_squeeze %dma_start3A_128 : memref<1x10240xf32, #tpu.memory_space<hbm>> -> memref<10240xf32, #tpu.memory_space<hbm>>
        tpu.enqueue_dma source(%arg20 : memref<10240xf32, #tpu.memory_space<vmem>>) target(%dma_start3A_129 : memref<10240xf32, #tpu.memory_space<hbm>>) target_semaphore(%run_scoped3A : memref<!tpu.dma_semaphore, #tpu.memory_space<semaphore_mem>>)
        %dma_wait3A = arith.constant 0 : i32
        %dma_wait3A_130 = tpu.memref_slice %arg9[%add3A, %dma_wait3A] : memref<8x10240xf32, #tpu.memory_space<hbm>> -> memref<1x10240xf32, #tpu.memory_space<hbm>>
        %dma_wait3A_131 = tpu.memref_squeeze %dma_wait3A_130 : memref<1x10240xf32, #tpu.memory_space<hbm>> -> memref<10240xf32, #tpu.memory_space<hbm>>
        %dma_wait3A_132 = arith.constant 0 : i32
        %dma_wait3A_133 = tpu.memref_slice %arg9[%add3A, %dma_wait3A_132] : memref<8x10240xf32, #tpu.memory_space<hbm>> -> memref<1x10240xf32, #tpu.memory_space<hbm>>
        %dma_wait3A_134 = tpu.memref_squeeze %dma_wait3A_133 : memref<1x10240xf32, #tpu.memory_space<hbm>> -> memref<10240xf32, #tpu.memory_space<hbm>>
        tpu.wait_dma2 semaphore(%run_scoped3A : memref<!tpu.dma_semaphore, #tpu.memory_space<semaphore_mem>>) src(%arg20 : memref<10240xf32, #tpu.memory_space<vmem>>) dst(%dma_wait3A_134 : memref<10240xf32, #tpu.memory_space<hbm>>)
        tpu.yield
      }) : () -> ()
    } else {
    }
    return
  }
}

module attributes {stable_mosaic.version = 14 : i64} {
  func.func @_tc_finalize_kernel(%arg0: i32, %arg1: memref<128x1024xf32, #tpu.memory_space<vmem>>, %arg2: memref<128x1024xf32, #tpu.memory_space<vmem>>, %arg3: memref<128x1024xf32, #tpu.memory_space<vmem>>, %arg4: memref<128x1024xf32, #tpu.memory_space<vmem>>, %arg5: memref<8x1024xf32, #tpu.memory_space<vmem>>, %arg6: memref<1536x128xf32, #tpu.memory_space<vmem>>, %arg7: memref<1x128xf32, #tpu.memory_space<vmem>>, %arg8: memref<1024x128xf32, #tpu.memory_space<vmem>>) attributes {dimension_semantics = [#tpu.dimension_semantics<arbitrary>], iteration_bounds = array<i64: 10>, scalar_prefetch = 0 : i64, scratch_operands = 0 : i64, tpu.core_type = #tpu.core_type<tc>, window_params = [{transform_indices = @transform_0, window_bounds = array<i64: 128, 1024>}, {transform_indices = @transform_1, window_bounds = array<i64: 128, 1024>}, {transform_indices = @transform_2, window_bounds = array<i64: 128, 1024>}, {transform_indices = @transform_3, window_bounds = array<i64: 128, 1024>}, {transform_indices = @transform_4, window_bounds = array<i64: 8, 1024>}, {pipeline_mode = #tpu.pipeline_mode<synchronous>, transform_indices = @transform_5, window_bounds = array<i64: 1536, 128>}, {pipeline_mode = #tpu.pipeline_mode<synchronous>, transform_indices = @transform_6, window_bounds = array<i64: 1, 128>}, {transform_indices = @transform_7, window_bounds = array<i64: 1024, 128>}]} {
    %get3A = arith.constant 0 : index
    %get3A_0 = arith.constant 0 : index
    %get3A_1 = vector.load %arg5[%get3A, %get3A_0] : memref<8x1024xf32, #tpu.memory_space<vmem>>, vector<8x1024xf32>
    %reduce_sum3A = arith.constant dense<0.000000e+00> : vector<1024xf32>
    %reduce_sum3A_2 = vector.multi_reduction <add>, %get3A_1, %reduce_sum3A [0] : vector<8x1024xf32> to vector<1024xf32>
    %broadcast_in_dim3A = vector.shape_cast %reduce_sum3A_2 : vector<1024xf32> to vector<1x1024xf32>
    %max3A = arith.constant 1.000000e+00 : f32
    %max3A_3 = vector.broadcast %max3A : f32 to vector<1x1024xf32>
    %max3A_4 = arith.maximumf %broadcast_in_dim3A, %max3A_3 : vector<1x1024xf32>
    %div3A = arith.constant 1.000000e+00 : f32
    %div3A_5 = vector.broadcast %div3A : f32 to vector<1x1024xf32>
    %div3A_6 = arith.divf %div3A_5, %max3A_4 : vector<1x1024xf32>
    %gt3A = arith.constant 0.000000e+00 : f32
    %gt3A_7 = vector.broadcast %gt3A : f32 to vector<1x1024xf32>
    %gt3A_8 = arith.cmpf ogt, %broadcast_in_dim3A, %gt3A_7 : vector<1x1024xf32>
    %get3A_9 = arith.constant 0 : index
    %get3A_10 = arith.constant 0 : index
    %get3A_11 = vector.load %arg1[%get3A_9, %get3A_10] : memref<128x1024xf32, #tpu.memory_space<vmem>>, vector<128x1024xf32>
    %mul3A = vector.broadcast %div3A_6 : vector<1x1024xf32> to vector<128x1024xf32>
    %mul3A_12 = arith.mulf %get3A_11, %mul3A : vector<128x1024xf32>
    %get3A_13 = arith.constant 0 : index
    %get3A_14 = arith.constant 0 : index
    %get3A_15 = vector.load %arg3[%get3A_13, %get3A_14] : memref<128x1024xf32, #tpu.memory_space<vmem>>, vector<128x1024xf32>
    %jit3A = arith.constant 0.000000e+00 : f32
    %broadcast_in_dim3A_16 = vector.shape_cast %gt3A_8 : vector<1x1024xi1> to vector<1x1024xi1>
    %broadcast_in_dim3A_17 = vector.broadcast %broadcast_in_dim3A_16 : vector<1x1024xi1> to vector<128x1024xi1>
    %broadcast_in_dim3A_18 = vector.broadcast %jit3A : f32 to vector<128x1024xf32>
    %select_n3A = arith.select %broadcast_in_dim3A_17, %get3A_15, %broadcast_in_dim3A_18 : vector<128x1024xi1>, vector<128x1024xf32>
    %get3A_19 = arith.constant 0 : index
    %get3A_20 = arith.constant 0 : index
    %get3A_21 = vector.load %arg4[%get3A_19, %get3A_20] : memref<128x1024xf32, #tpu.memory_space<vmem>>, vector<128x1024xf32>
    %jit3A_22 = arith.constant 0.000000e+00 : f32
    %broadcast_in_dim3A_23 = vector.shape_cast %gt3A_8 : vector<1x1024xi1> to vector<1x1024xi1>
    %broadcast_in_dim3A_24 = vector.broadcast %broadcast_in_dim3A_23 : vector<1x1024xi1> to vector<128x1024xi1>
    %broadcast_in_dim3A_25 = vector.broadcast %jit3A_22 : f32 to vector<128x1024xf32>
    %select_n3A_26 = arith.select %broadcast_in_dim3A_24, %get3A_21, %broadcast_in_dim3A_25 : vector<128x1024xi1>, vector<128x1024xf32>
    %get3A_27 = arith.constant 0 : index
    %get3A_28 = arith.constant 0 : index
    %get3A_29 = vector.load %arg2[%get3A_27, %get3A_28] : memref<128x1024xf32, #tpu.memory_space<vmem>>, vector<128x1024xf32>
    %mul3A_30 = vector.broadcast %div3A_6 : vector<1x1024xf32> to vector<128x1024xf32>
    %mul3A_31 = arith.mulf %get3A_29, %mul3A_30 : vector<128x1024xf32>
    %mul3A_32 = arith.mulf %mul3A_12, %mul3A_12 : vector<128x1024xf32>
    %sub3A = arith.subf %mul3A_31, %mul3A_32 : vector<128x1024xf32>
    %max3A_33 = arith.constant 0.000000e+00 : f32
    %max3A_34 = vector.broadcast %max3A_33 : f32 to vector<128x1024xf32>
    %max3A_35 = arith.maximumf %sub3A, %max3A_34 : vector<128x1024xf32>
    %add3A = arith.constant 9.99999974E-6 : f32
    %add3A_36 = vector.broadcast %add3A : f32 to vector<128x1024xf32>
    %add3A_37 = arith.addf %max3A_35, %add3A_36 : vector<128x1024xf32>
    %sqrt3A = math.sqrt %add3A_37 : vector<128x1024xf32>
    %concatenate3A = tpu.concatenate %mul3A_12, %select_n3A, %select_n3A_26, %sqrt3A in 0 : vector<128x1024xf32>, vector<128x1024xf32>, vector<128x1024xf32>, vector<128x1024xf32> -> vector<512x1024xf32>
    %add3A_38 = arith.constant 1.000000e+00 : f32
    %add3A_39 = vector.broadcast %add3A_38 : f32 to vector<1x1024xf32>
    %add3A_40 = arith.addf %broadcast_in_dim3A, %add3A_39 : vector<1x1024xf32>
    %log3A = math.log %add3A_40 : vector<1x1024xf32>
    %mul3A_41 = arith.constant 0.285999656 : f32
    %mul3A_42 = vector.broadcast %mul3A_41 : f32 to vector<1x1024xf32>
    %mul3A_43 = arith.mulf %log3A, %mul3A_42 : vector<1x1024xf32>
    %max3A_44 = arith.constant 9.99999974E-6 : f32
    %max3A_45 = vector.broadcast %max3A_44 : f32 to vector<1x1024xf32>
    %max3A_46 = arith.maximumf %log3A, %max3A_45 : vector<1x1024xf32>
    %div3A_47 = arith.constant 3.49650764 : f32
    %div3A_48 = vector.broadcast %div3A_47 : f32 to vector<1x1024xf32>
    %div3A_49 = arith.divf %div3A_48, %max3A_46 : vector<1x1024xf32>
    %mul3A_50 = vector.broadcast %mul3A_43 : vector<1x1024xf32> to vector<512x1024xf32>
    %mul3A_51 = arith.mulf %concatenate3A, %mul3A_50 : vector<512x1024xf32>
    %mul3A_52 = vector.broadcast %div3A_49 : vector<1x1024xf32> to vector<512x1024xf32>
    %mul3A_53 = arith.mulf %concatenate3A, %mul3A_52 : vector<512x1024xf32>
    %concatenate3A_54 = tpu.concatenate %concatenate3A, %mul3A_51, %mul3A_53 in 0 : vector<512x1024xf32>, vector<512x1024xf32>, vector<512x1024xf32> -> vector<1536x1024xf32>
    %get3A_55 = arith.constant 0 : index
    %get3A_56 = arith.constant 0 : index
    %get3A_57 = vector.load %arg6[%get3A_55, %get3A_56] : memref<1536x128xf32, #tpu.memory_space<vmem>>, vector<1536x128xf32>
    %dot_general3A = arith.constant dense<0.000000e+00> : vector<1024x128xf32>
    %dot_general3A_58 = tpu.matmul %concatenate3A_54, %get3A_57, %dot_general3A {dimension_numbers = #tpu.dot_dimension_numbers<[0], [0], [1], [1], [0, 1, 1, 1], [], []>, transpose_lhs_hint = false} : vector<1536x1024xf32>, vector<1536x128xf32>, vector<1024x128xf32> -> vector<1024x128xf32>
    %get3A_59 = arith.constant 0 : index
    %get3A_60 = arith.constant 0 : index
    %get3A_61 = vector.load %arg7[%get3A_59, %get3A_60] : memref<1x128xf32, #tpu.memory_space<vmem>>, vector<1x128xf32>
    %add3A_62 = vector.broadcast %get3A_61 : vector<1x128xf32> to vector<1024x128xf32>
    %add3A_63 = arith.addf %dot_general3A_58, %add3A_62 : vector<1024x128xf32>
    %swap3A = arith.constant 0 : index
    %swap3A_64 = arith.constant 0 : index
    %swap3A_65 = vector.load %arg8[%swap3A, %swap3A_64] : memref<1024x128xf32, #tpu.memory_space<vmem>>, vector<1024x128xf32>
    tpu.vector_store %arg8[%swap3A, %swap3A_64], %add3A_63 {strides = array<i32>} : memref<1024x128xf32, #tpu.memory_space<vmem>>, vector<1024x128xf32>,
    return
  }
  func.func @transform_0(%arg0: i32) -> (i32, i32) {
    %c0_i32 = arith.constant 0 : i32
    %c0_i32_0 = arith.constant 0 : i32
    return %c0_i32, %arg0 : i32, i32
  }
  func.func @transform_1(%arg0: i32) -> (i32, i32) {
    %c0_i32 = arith.constant 0 : i32
    %c0_i32_0 = arith.constant 0 : i32
    return %c0_i32, %arg0 : i32, i32
  }
  func.func @transform_2(%arg0: i32) -> (i32, i32) {
    %c0_i32 = arith.constant 0 : i32
    %c0_i32_0 = arith.constant 0 : i32
    return %c0_i32, %arg0 : i32, i32
  }
  func.func @transform_3(%arg0: i32) -> (i32, i32) {
    %c0_i32 = arith.constant 0 : i32
    %c0_i32_0 = arith.constant 0 : i32
    return %c0_i32, %arg0 : i32, i32
  }
  func.func @transform_4(%arg0: i32) -> (i32, i32) {
    %c0_i32 = arith.constant 0 : i32
    %c0_i32_0 = arith.constant 0 : i32
    return %c0_i32, %arg0 : i32, i32
  }
  func.func @transform_5(%arg0: i32) -> (i32, i32) {
    %c0_i32 = arith.constant 0 : i32
    %c0_i32_0 = arith.constant 0 : i32
    %c0_i32_1 = arith.constant 0 : i32
    return %c0_i32, %c0_i32_0 : i32, i32
  }
  func.func @transform_6(%arg0: i32) -> (i32, i32) {
    %c0_i32 = arith.constant 0 : i32
    %c0_i32_0 = arith.constant 0 : i32
    %c0_i32_1 = arith.constant 0 : i32
    return %c0_i32, %c0_i32_0 : i32, i32
  }
  func.func @transform_7(%arg0: i32) -> (i32, i32) {
    %c0_i32 = arith.constant 0 : i32
    %c0_i32_0 = arith.constant 0 : i32
    return %arg0, %c0_i32 : i32, i32
  }
}

</mosaic_0001>

<sc_bundles>
// kernel: kernel.4.cloned.1.call-start
scs
__scs_entry_jumppad:
0x0: {  	(pc) =	sbr.rel $0x88, $3  }
0x1: {  	(tag) =	ssettag $0x0;
	lr =	simm.s32 $0x1  }
0x2: {  	[smem:$0x3F9D] =	sst lr;
	_ =	strace $0xD0000000  }
0x3: {  	_ = 	snop  }
0x4: {  	_ = 	snop  }
0x5: {  	_ = 	snop  }
0x6: {  	_ = 	snop  }
0x7: {  	_ = 	snop  }
__scs_overlays_trampoline_lowered:
0x8: {  	[smem:$0x3FAC] =	sst s0  }
0x9: {  	[smem:$0x3FAD] =	sst s1  }
0xa: {  	[smem:$0x3FAE] =	sst s2  }
0xb: {  	[smem:$0x3FAF] =	sst s3  }
0xc: {  	[smem:$0x3FB0] =	sst s4  }
0xd: {  	[smem:$0x3FB1] =	sst s5  }
0xe: {  	[smem:$0x3FB2] =	sst s6  }
0xf: {  	[smem:$0x3FB3] =	sst s7  }
0x10: {  	[smem:$0x3FB4] =	sst s8  }
0x11: {  	[smem:$0x3FB5] =	sst s9;
	s0 =	simm.s32 @!p0 $0x0  }
0x12: {  	s1 =	sld [smem:$0x3F9B];
	s0 =	simm.s32 @p0 $0x1  }
0x13: {  	[smem:$0x3FB6] =	sst s0;
	s0 =	simm.s32 @!p1 $0x0  }
0x14: {  	s2 =	sld [smem:$0x3F9A];
	s0 =	simm.s32 @p1 $0x1  }
0x15: {  	[smem:$0x3FB7] =	sst s0;
	s0 =	simm.s32 @!p2 $0x0  }
0x16: {  	s3 =	sld [smem:$0x3FDB];
	s0 =	simm.s32 @p2 $0x1  }
0x17: {  	s4 =	simm.s32 $0x1BF5;
	[smem:$0x3FB9] =	sst s0  }
0x18: {  	s0 =	sld [smem:$0x3F9C];
	_ =	swait.ge [sflag:s4], $0x0  }
0x19: {  	s7 =	sld [smem:$0x3F9D]  }
0x1a: {  	s8 =	sadd.s32 $0xFFFFE003, lr  }
0x1b: {  	s9 =	sadd.s32 $0xFFFFFEF7, lr;
	s5 =	simm.s32 $0xFFFFFFFF;
	p2 =	slt.u32 s8, $0xFFFFF086  }
0x1c: {  	p1 =	slt.u32 s9, $0xF7A;
	s5 =	simm.s32 @!p2 $0x0  }
0x1d: {  	s5 =	simm.s32 @p1 $0x1;
	p0 =	seq.s32 s7, s2  }
0x1e: {  	s7 =	smul.u32 @!p0 $0xF7A, s2;
	p2 =	seq.s32 @!p0 s5, $0x0  }
0x1f: {  	s9 =	smul.u32 $0xF7A, s1;
	s8 =	simm.s32 @!p0 $0x1BF5;
	p2 =	por !p2, p0  }
0x20: {  	[sflag:s8] =	ssyncset.s32 @!p0 $0xFFFFF086;
	s6 =	sadd.s32 @!p0 s3, s7;
	s7 =	simm.s32 @!p0 $0x108  }
0x21: {  	s3 =	sadd.s32 s3, s9;
	s6 =	sadd.s32 @!p0 $0x88, s6;
	s7 =	simm.s32 @p2 $0x1082  }
0x22: {  	[simem:s7], [sflag:s8] =	dma.local @!p0 [hbm:s6], $0xF7A  }
0x23: {  	s9 =	sor.u32 $0xD0000000, s2;
	s6 =	simm.s32 $0x108;
	_ =	swait.ge @!p0 [sflag:s8], $0x0  }
0x24: {  	s3 =	sadd.s32 $0x88, s3;
	s6 =	simm.s32 @!p1 $0x1082;
	[sflag:s4] =	ssyncset.s32 $0xFFFFF086  }
0x25: {  	[simem:s6], [sflag:s4] =	dma.local [hbm:s3], $0xF7A  }
0x26: {  	[smem:$0x3F9D] =	sst s1;
	(tag) =	ssettag s2;
	_ =	strace s9  }
0x27: {  	s1 =	sld [smem:$0x3FAD]  }
0x28: {  	s2 =	sld [smem:$0x3FAE]  }
0x29: {  	s4 =	sld [smem:$0x3FB0]  }
0x2a: {  	p0 =	seq.s32 s5, $0x0;
	s5 =	sld [smem:$0x3FB1]  }
0x2b: {  	s6 =	sld [smem:$0x3FB2]  }
0x2c: {  	s7 =	sld [smem:$0x3FB3]  }
0x2d: {  	s3 =	simm.s32 $0x108;
	s8 =	sld [smem:$0x3FB4]  }
0x2e: {  	s3 =	simm.s32 @!p0 $0x1082;
	s9 =	sld [smem:$0x3FB5]  }
0x2f: {  	lr =	sadd.s32 s0, s3;
	s0 =	sld [smem:$0x3FAC]  }
0x30: {  	s3 =	sld [smem:$0x3FAF]  }
0x31: {  	[smem:$0x3FB8] =	sst s10  }
0x32: {  	s10 =	sld [smem:$0x3FB6];
	_ =	sdelay $0x3  }
0x33: {  	p0 =	seq.s32 s10, $0x1;
	s10 =	sld [smem:$0x3FB8];
	_ =	sdelay $0x3  }
0x34: {  	[smem:$0x3FB8] =	sst s10  }
0x35: {  	s10 =	sld [smem:$0x3FB7];
	_ =	sdelay $0x3  }
0x36: {  	p1 =	seq.s32 s10, $0x1;
	s10 =	sld [smem:$0x3FB8];
	_ =	sdelay $0x3  }
0x37: {  	[smem:$0x3FB8] =	sst s10  }
0x38: {  	s10 =	sld [smem:$0x3FB9]  }
0x39: {  	_ = 	snop;
	(pc) =	sbr.ind lr, $3  }
0x3a: {  	_ = 	snop  }
0x3b: {  	_ = 	snop  }
0x3c: {  	p2 =	seq.s32 s10, $0x1;
	s10 =	sld [smem:$0x3FB8]  }
0x3d: {  	_ =	shalt  }
0x3e: {  	_ =	shalt  }
0x3f: {  	_ =	shalt  }
0x40: {  	_ =	shalt  }
0x41: {  	_ =	shalt  }
0x42: {  	_ =	shalt  }
0x43: {  	_ =	shalt  }
0x44: {  	_ =	shalt  }
0x45: {  	_ =	shalt  }
0x46: {  	_ =	shalt  }
0x47: {  	_ =	shalt  }
0x48: {  	_ =	shalt  }
0x49: {  	_ =	shalt  }
0x4a: {  	_ =	shalt  }
0x4b: {  	_ =	shalt  }
0x4c: {  	_ =	shalt  }
0x4d: {  	_ =	shalt  }
0x4e: {  	_ =	shalt  }
0x4f: {  	_ =	shalt  }
0x50: {  	_ =	shalt  }
0x51: {  	_ =	shalt  }
0x52: {  	_ =	shalt  }
0x53: {  	_ =	shalt  }
0x54: {  	_ =	shalt  }
0x55: {  	_ =	shalt  }
0x56: {  	_ =	shalt  }
0x57: {  	_ =	shalt  }
0x58: {  	_ =	shalt  }
0x59: {  	_ =	shalt  }
0x5a: {  	_ =	shalt  }
0x5b: {  	_ =	shalt  }
0x5c: {  	_ =	shalt  }
0x5d: {  	_ =	shalt  }
0x5e: {  	_ =	shalt  }
0x5f: {  	_ =	shalt  }
0x60: {  	_ =	shalt  }
0x61: {  	_ =	shalt  }
0x62: {  	_ =	shalt  }
0x63: {  	_ =	shalt  }
0x64: {  	_ =	shalt  }
0x65: {  	_ =	shalt  }
0x66: {  	_ =	shalt  }
0x67: {  	_ =	shalt  }
0x68: {  	_ =	shalt  }
0x69: {  	_ =	shalt  }
0x6a: {  	_ =	shalt  }
0x6b: {  	_ =	shalt  }
0x6c: {  	_ =	shalt  }
0x6d: {  	_ =	shalt  }
0x6e: {  	_ =	shalt  }
0x6f: {  	_ =	shalt  }
0x70: {  	_ =	shalt  }
0x71: {  	_ =	shalt  }
0x72: {  	_ =	shalt  }
0x73: {  	_ =	shalt  }
0x74: {  	_ =	shalt  }
0x75: {  	_ =	shalt  }
0x76: {  	_ =	shalt  }
0x77: {  	_ =	shalt  }
0x78: {  	_ =	shalt  }
0x79: {  	_ =	shalt  }
0x7a: {  	_ =	shalt  }
0x7b: {  	_ =	shalt  }
0x7c: {  	_ =	shalt  }
0x7d: {  	_ =	shalt  }
0x7e: {  	_ =	shalt  }
0x7f: {  	_ =	shalt  }
0x80: {  	_ =	shalt  }
0x81: {  	_ =	shalt  }
0x82: {  	_ =	shalt  }
0x83: {  	_ =	shalt  }
0x84: {  	_ =	shalt  }
0x85: {  	_ =	shalt  }
0x86: {  	_ =	shalt  }
0x87: {  	_ =	shalt  }
.Lfunc_end0:
.L_simem_size_0:
called_computation_lowered:
.L_overlay_start_0:
0x88: {  	s2 =	sld [smem:$0x3FD9]  }
0x89: {  	s3 =	sld [smem:$0x3FFE];
	_ =	sdelay $0x1  }
0x8a: {  	s1 =	srdreg.scid  }
0x8b: {  	s0 =	sand.u32 $0x1, s1  }
0x8c: {  	s17 =	sshll.u32 s0, $0xA;
	s2 =	sadd.s32 s3, s2  }
0x8d: {  	s2 =	sadd.s32 s2, s17  }
0x8e: {  	[smem:$0x3FC4] =	sst s2  }
0x8f: {  	_ = 	snop  }
0x90: {  	s2 =	sld [smem:$0x3FD0];
	(tm) =	ssettm $0x1  }
0x91: {  	s18 =	sld [smem:$0x3FFB];
	_ =	sdelay $0x3  }
0x92: {  	_ =	strace s18  }
0x93: {  	s3 =	sld [smem:$0x3FFC];
	_ =	sdelay $0x3  }
0x94: {  	_ =	strace s3  }
0x95: {  	s3 =	sld [smem:$0x3FFD];
	_ =	sdelay $0x3  }
0x96: {  	_ =	strace s3  }
0x97: {  	_ =	strace $0x8FFFFFFF  }
0x98: {  	s19 =	sld [smem:$0x3FDB];
	_ =	sdelay $0x1  }
0x99: {  	s4 =	simm.s32 $_scs_section_size  }
0x9a: {  	s5 =	simm.s32 $_size__tile_overlayer_lowered;
	s6 =	simm.s32 $_tile_overlayer_lowered  }
0x9b: {  	s22 =	simm.s32 $0x1BFF;
	s21 =	sshll.u32 s6, $0x1;
	s3 =	sadd.s32 s4, s19  }
0x9c: {  	s7 =	simm.s32 $0x0;
	s20 =	sshll.u32 s5, $0x1;
	s5 =	sadd.s32 s21, s3  }
0x9d: {  	[timem:s7], [sflag:s22] =	dma.local [hbm:s5], s20  }
0x9e: {  	_ =	swait.ge [sflag:s22], s20  }
0x9f: {  	s4 =	ssub.s32 $0x0, s20;
	[sflag:s22] =	ssyncset.done $0x0  }
0xa0: {  	[sflag:s22] =	ssyncadd.s32 s4;
	_ =	sdelay $0x1  }
0xa1: {  	s23 =	simm.s32 $0x1B8B  }
0xa2: {  	_ =	swait.ge [sflag:s23], $0x1  }
0xa3: {  	[sflag:s23] =	ssyncset.done $0x0  }
0xa4: {  	s25 =	simm.s32 $0x1B8E;
	s24 =	sld [smem:$0x3FFE];
	[sflag:s23] =	ssyncadd.s32 $0xFFFFFFFF  }
0xa5: {  	s26 =	simm.s32 $execute0_lowered;
	[smem:$0x3FD2] =	sst s25  }
0xa6: {  	s5 =	sshll.u32 s26, $0x1;
	_ =	strace $0x80000046;
	[dreg:$0x1] =	wrdreg $0xFFFFFFFF  }
0xa7: {  	s28 =	simm.s32 $_size_execute0_lowered;
	s3 =	sadd.s32 s3, s5;
	[dreg:$0x0] =	wrdreg $0x0  }
0xa8: {  	s5 =	sshll.u32 s28, $0x1;
	[dreg:$0x2] =	wrdreg s3  }
0xa9: {  	[dreg:$0x3] =	wrdreg s5  }
0xaa: {  	[dreg:$0x4] =	wrdreg $0xC0  }
0xab: {  	_ =	task [dreg:s7], $0x5FFFF  }
0xac: {  	[dreg:$0x1] =	wrdreg $0xFFFFFFFF  }
0xad: {  	[dreg:$0x0] =	wrdreg $0x60  }
0xae: {  	[dreg:$0x2] =	wrdreg s24  }
0xaf: {  	[dreg:$0x3] =	wrdreg s2  }
0xb0: {  	[dreg:$0x4] =	wrdreg $0x9  }
0xb1: {  	_ =	task.clear_ibuf [dreg:s7], $0x5FFFF;
	_ =	strace $0x90000046  }
0xb2: {  	s29 =	simm.s32 $0x9;
	_ =	strace $0x80000048  }
0xb3: {  	_ =	swait.ge [sflag:s29], $0x1  }
0xb4: {  	[sflag:s29] =	ssyncadd.s32 $0xFFFFFFFF  }
0xb5: {  	_ =	strace $0x90000048  }
0xb6: {  	_ =	sfence  }
0xb7: {  	s30 =	sld [smem:$0x0];
	_ =	sdelay $0x2  }
0xb8: {  	s31 =	sshll.u32 s1, $0xD;
	s1 =	sshrl.u32 s1, $0x2  }
0xb9: {  	s3 =	sand.u32 $0x4000, s31;
	s1 =	sadd.s32 s1, s30  }
0xba: {  	s0 =	sor.u32 s3, s0;
	s1 =	sshll.u32 s1, $0x11  }
0xbb: {  	s0 =	sor.u32 s1, s0  }
0xbc: {  	s0 =	sadd.s32 $0x8F2B, s0  }
0xbd: {  	[sflag:s0] =	ssyncadd.remote.s32 $0x1  }
0xbe: {  	_ =	sfence.sel $0xFFFF  }
0xbf: {  	[dreg:$0x0] =	wrdreg $0xFFFFFFFF;
	(pc) =	sbr.abs _section_cstart, $3  }
0xc0: {  	[dreg:$0x1] =	wrdreg $0xFFFFFFFF  }
0xc1: {  	_ =	task.clear_ibuf [dreg:s7], $0x2FFFF;
	_ =	strace $0x9FFFFFFF  }
0xc2: {  	(tm) =	ssettm $0x7FFFFFFF  }
0xc3: {  	_ =	shalt  }
tec
execute0_lowered:
.L_overlay_start_1:
0x0: {  	(tag) =	ssettag $0x1  }
0x1: {  	s0 =	rddreg [dreg:$0x0];
	s2 =	srdreg.scid  }
0x2: {  	s15 =	stileid.u32;
	s1 =	rddreg [dreg:$0x1]  }
0x3: {  	s29 =	simm.s32 $0x80;
	s30 =	simm.s32 $0x400;
	s31 =	simm.s32 $0x3  }
0x4: {  	s4 =	sand.u32 $0x1, s2;
	s3 =	sshll.u32 s15, $0x1;
	s2 =	simm.s32 $0x0  }
0x5: {  	s5 =	sshrl.u32 s15, $0x1;
	s7 =	sadd.s32 $0xA800, s0;
	s8 =	sadd.s32 $0x32800, s0  }
0x6: {  	s9 =	sadd.s32 $0x5A800, s0;
	s12 =	sadd.s32 $0xAD000, s0;
	s3 =	sor.u32 s4, s3  }
0x7: {  	p2 =	sgt.u32 s15, $0x3;
	s5 =	smul.u32 $0x14000, s5;
	s6 =	sshll.u32 s3, $0x8  }
0x8: {  	s15 =	simm.s32 $0x0;
	s4 =	ssub.s32 $0x2, s4;
	s6 =	sand.u32 $0x300, s6  }
0x9: {  	[smem:$0x7FF] =	sst s2;
	s10 =	sshrl.u32 s4, $0x1;
	s5 =	sor.u32 s5, s6  }
0xa: {  	s13 =	sshll.u32 s3, $0x1;
	p0 =	sne.s32 s3, $0x0;
	s11 =	sshrl.u32 s5, $0x3  }
0xb: {  	p1 =	seq.s32 s3, $0x0;
	s3 =	sshll.u32 s3, $0x4;
	s14 =	sadd.s32 s7, s11  }
0xc: {  	s4 =	ssub.s32 s4, s10;
	s22 =	sadd.s32 s8, s11;
	[dreg:$0x3] =	wrdreg s14  }
0xd: {  	s6 =	sadd.s32 $0x82800, s0;
	s24 =	sadd.s32 s9, s11;
	[dreg:$0x5] =	wrdreg s22  }
0xe: {  	s13 =	sor.u32 $0x41, s13;
	s16 =	sadd.s32 s6, s11;
	[dreg:$0x7] =	wrdreg s24  }
0xf: {  	s20 =	sor.u32 $0x10, s11;
	s11 =	sadd.s32 s12, s11;
	[dreg:$0x9] =	wrdreg s16  }
0x10: {  	s26 =	sshrl.u32 s13, $0x3;
	s21 =	sadd.s32 s7, s20;
	[dreg:$0xb] =	wrdreg s11  }
0x11: {  	s13 =	sshll.u32 s13, $0x7;
	s23 =	sadd.s32 s8, s20;
	[dreg:$0x4] =	wrdreg s21  }
0x12: {  	v0 =	vimm.s32 $0x65432100;
	v1 =	vimm.s32 $0xEDCBA987;
	s28 =	smax.u32 s4, $0x1;
	s25 =	sadd.s32 s9, s20;
	[dreg:$0x6] =	wrdreg s23  }
0x13: {  	v2 =	vimm.s32 $0xE40000;
	v6 =	vimm.s32 $0x54321000;
	v4 =	vunpack.c.l.s4.s8 v1;
	s5 =	sadd.s32 $0xA0000, s5;
	s17 =	sadd.s32 s6, s20;
	[dreg:$0x8] =	wrdreg s25  }
0x14: {  	v7 =	vimm.s32 $0xDCBA9876;
	v3 =	vunpack.c.l.s4.s8 v0;
	v5 =	vunpack.c.l.s2.s4 v2;
	s5 =	sshrl.u32 s5, $0x3;
	s10 =	sadd.s32 s12, s20;
	[dreg:$0xa] =	wrdreg s17  }
0x15: {  	v8 =	vimm.s32 $0x54321010;
	vm0 =	vcmask $0x3F30;
	v4 =	vunpack.c.0.s8.s32 v4;
	s4 =	simm.s32 $0x1DD80;
	s19 =	sadd.s32 s7, s5;
	[dreg:$0xc] =	wrdreg s10  }
0x16: {  	v9 =	vimm.s32 $0x87654321;
	v3 =	vunpack.c.0.s8.s32 v3;
	v5 =	vunpack.c.l.s4.s8 v5;
	s13 =	sand.u32 $0x380, s13;
	[dreg:$0xd] =	wrdreg s19;
	s21 =	sadd.s32 s8, s5  }
0x17: {  	v10 =	vimm.s32 $0xBA987654;
	v11 =	vimm.s32 $0x32100000;
	v4 =	vand.u32 $0xF, v4;
	s14 =	smul.u32 $0x14000, s26;
	s23 =	sadd.s32 s9, s5;
	[dreg:$0xf] =	wrdreg s21  }
0x18: {  	v5 =	vunpack.c.0.s8.s32 v5;
	v3 =	vcombine.low v3, v4;
	v4 =	vimm.s32 $0x7060504;
	s11 =	simm.s32 $0xC800;
	s25 =	sadd.s32 s6, s5;
	[dreg:$0x11] =	wrdreg s23  }
0x19: {  	v0 =	vimm.f32 $0.0e+00;
	v1 =	vimm.f32 $-3.000000010e+38;
	v4 =	vunpack.c.0.s8.s32 v4;
	s5 =	sadd.s32 s12, s5;
	s19 =	simm.s32 $0x2800;
	[dreg:$0x13] =	wrdreg s25  }
0x1a: {  	v2 =	vimm.f32 $3.000000010e+38;
	v6 =	vunpack.c.l.s4.s8 v6;
	v5 =	vand.u32 $0x3, v5;
	s10 =	simm.s32 $0x7800;
	s18 =	sor.u32 s13, s14;
	[dreg:$0x15] =	wrdreg s5  }
0x1b: {  	v7 =	vunpack.c.l.s4.s8 v7;
	v4 =	vsel vm0, v4, v5;
	v5 =	vimm.s32 $0xFFEDCBA9;
	s25 =	sadd.s32 $0xA00, s0;
	s5 =	simm.s32 $0x1;
	s20 =	sshrl.u32 s18, $0x3  }
0x1c: {  	v9 =	vunpack.c.l.s4.s8 v9;
	v8 =	vunpack.c.l.s4.s8 v8;
	v5 =	vunpack.c.l.s4.s8 v5;
	s13 =	simm.s32 $0x16800;
	s14 =	simm.s32 $0x2;
	s7 =	sadd.s32 s7, s20  }
0x1d: {  	v10 =	vunpack.c.l.s4.s8 v10;
	v11 =	vunpack.c.l.s4.s8 v11;
	v6 =	vunpack.c.0.s8.s32 v6;
	s22 =	sadd.s32 s8, s20;
	s24 =	sadd.s32 s9, s20;
	[dreg:$0xe] =	wrdreg s7  }
0x1e: {  	v7 =	vunpack.c.0.s8.s32 v7;
	v9 =	vunpack.c.0.s8.s32 v9;
	s6 =	sadd.s32 s6, s20;
	s23 =	sadd.s32 s12, s20;
	v5 =	vunpack.c.0.s8.s32 v5;
	[dreg:$0x10] =	wrdreg s22  }
.Ltmp0:
0x1f: {  	v8 =	vunpack.c.0.s8.s32 v8;
	v10 =	vunpack.c.0.s8.s32 v10;
	v11 =	vunpack.c.0.s8.s32 v11;
	s8 =	simm.s32 $0xF000;
	[dreg:$0x12] =	wrdreg s24;
	(pc) =	sbr.rel .LBB2_1-.Ltmp0, $4  }
0x20: {  	v7 =	vand.u32 $0xF, v7;
	s9 =	simm.s32 $0x14000;
	s12 =	simm.s32 $0x11800;
	[dreg:$0x14] =	wrdreg s6;
	v12 =	vcombine.low v9, v5;
	v9 =	vimm.s32 $0x3020100  }
0x21: {  	v10 =	vand.u32 $0xF, v10;
	vm0 =	vcmask $0x3F3C;
	s24 =	sadd.s32 $0xAA800, s0;
	s0 =	simm.s32 $0x1B800;
	s6 =	simm.s32 $0x5000;
	v9 =	vunpack.c.0.s8.s32 v9  }
0x22: {  	s7 =	simm.s32 $0xA000;
	_ =	strace $0x80000047;
	s26 =	sadd.s32 s24, s3;
	v5 =	vcombine.low v6, v7;
	v6 =	vcombine.low v8, v7;
	v7 =	vlaneseq.u32  }
0x23: {  	s3 =	simm.s32 $0x1D100;
	v8 =	vcombine.low v11, v10;
	[dreg:$0x16] =	wrdreg s26;
	s26 =	simm.s32 $0x1C480;
	v9 =	vcombine.low v9, v10;
	v10 =	vand.u32 $0xF, v12  }
.LBB2_34:
0x24: {  	s17 =	simm.s32 $0x19000  }
0x25: {  	[hbm4b:s16+s29] =	stream.strided.scatter [tilespmem:s17], [sflag:$0x3], $0x2800, s30, s29, $0x38;
	[tilespmem:$0x1EA00] =	vst v63  }
0x26: {  	_ =	swait.ge [sflag:s31], $0x2800  }
0x27: {  	[sflag:s31] =	ssyncset.done $0x0  }
0x28: {  	[sflag:s31] =	ssyncadd.s32 $0xFFFFD800  }
.LBB2_35:
0x29: {  	s15 =	sadd.s32 $0x1, s15  }
0x2a: {  	p3 =	sne.s32 s15, s28  }
.Ltmp1:
0x2b: {  	_ = 	snop;
	(pc) =	sbr.rel @!p3 .LBB2_36-.Ltmp1, $1  }
0x2c: {  	_ =	sdelay $0x3  }
.LBB2_1:
0x2d: {  	s16 =	simm.s32 $0x0  }
.LBB2_2:
0x2e: {  	p3 =	sne.s32 s16, $0x9FC0  }
.Ltmp2:
0x2f: {  	_ = 	snop;
	(pc) =	sbr.rel @p3 .LBB2_2-.Ltmp2, $3  }
0x30: {  	_ =	sdelay $0x1  }
0x31: {  	s17 =	sshra.s32 s16, $0x2  }
0x32: {  	s16 =	sadd.s32 $0x40, s16;
	[tilespmem:s17+$0x19000] =	vst v0  }
0x33: {  	s16 =	simm.s32 $0x0;
	s17 =	simm.s32 $0x40  }
.LBB2_4:
0x34: {  	p3 =	sne.s32 s17, $0x9FC0;
	[tilespmem:s16+$0x16800] =	vst v2  }
0x35: {  	[tilespmem:s16+$0x5000] =	vst v0  }
0x36: {  	[tilespmem:s16+$0x7800] =	vst v0  }
.Ltmp3:
0x37: {  	[tilespmem:s16+$0xA000] =	vst v0;
	(pc) =	sbr.rel @p3 .LBB2_4-.Ltmp3, $4  }
0x38: {  	[tilespmem:s16+$0xC800] =	vst v0  }
0x39: {  	[tilespmem:s16+$0xF000] =	vst v1  }
0x3a: {  	[tilespmem:s16+$0x11800] =	vst v1  }
0x3b: {  	[tilespmem:s16+$0x14000] =	vst v2;
	s16 =	sshra.s32 s17, $0x2;
	s17 =	sadd.s32 $0x40, s17  }
0x3c: {  	[tilespmem:s16+$0x16800] =	vst v2  }
0x3d: {  	[tilespmem:s16+$0x5000] =	vst v0  }
0x3e: {  	[tilespmem:s16+$0x7800] =	vst v0  }
0x3f: {  	[tilespmem:s16+$0xA000] =	vst v0  }
0x40: {  	[tilespmem:s16+$0xC800] =	vst v0  }
0x41: {  	[tilespmem:s16+$0xF000] =	vst v1  }
0x42: {  	[tilespmem:s16+$0x11800] =	vst v1  }
0x43: {  	[tilespmem:s16+$0x14000] =	vst v2;
	s16 =	simm.s32 $0x0;
	s17 =	rddreg [dreg:$0x3]  }
0x44: {  	[tilespmem:s16], [sflag:$0x3] =	stream.strided.gather [hbm4b:s17+s29], $0x2800, s30, s29, $0x38;
	[tilespmem:$0x1EA00] =	vst v63  }
0x45: {  	_ =	swait.ge [sflag:s31], $0x2800  }
0x46: {  	[sflag:s31] =	ssyncset.done $0x0  }
0x47: {  	s22 =	rddreg [dreg:$0x4];
	[sflag:s31] =	ssyncadd.s32 $0xFFFFD800  }
0x48: {  	[tilespmem:s19], [sflag:$0x3] =	stream.strided.gather [hbm4b:s22+s29], $0x2800, s30, s29, $0x38;
	[tilespmem:$0x1EA00] =	vst v63  }
0x49: {  	_ =	swait.ge [sflag:s31], $0x2800  }
.Ltmp4:
0x4a: {  	[sflag:s31] =	ssyncset.done $0x0;
	(pc) =	sbr.rel .LBB2_6-.Ltmp4, $4  }
0x4b: {  	[sflag:s31] =	ssyncadd.s32 $0xFFFFD800  }
0x4c: {  	[tilespmem:s0], [sflag:$0x1] =	stream.linear.gather [hbm4b:s1+s16], $0xC80, $0x38;
	[tilespmem:$0x1EA00] =	vst v63  }
0x4d: {  	s17 =	simm.s32 $0x0  }
0x4e: {  	[tilespmem:s26], [sflag:$0x1] =	stream.linear.gather [hbm4b:s25+s16], $0xC80, $0x38;
	[tilespmem:$0x1EA00] =	vst v63  }
.LBB2_16:
0x4f: {  	s17 =	sadd.s32 $0x1, s17  }
0x50: {  	p3 =	sne.s32 s17, $0x32  }
.Ltmp5:
0x51: {  	_ = 	snop;
	(pc) =	sbr.rel @!p3 .LBB2_17-.Ltmp5, $1  }
0x52: {  	_ =	sdelay $0x3  }
.LBB2_6:
0x53: {  	s18 =	smul.u32 $0x1900, s17;
	_ =	sdelay $0x1  }
0x54: {  	s20 =	sshrl.u32 s18, $0x3  }
0x55: {  	s20 =	sadd.s32 $0x190, s20  }
0x56: {  	s21 =	sadd.s32 s1, s20  }
0x57: {  	[tilespmem:s3], [sflag:$0x2] =	stream.linear.gather [hbm4b:s21+s16], $0xC80, $0x38;
	[tilespmem:$0x1EA00] =	vst v63  }
0x58: {  	s20 =	sadd.s32 s25, s20  }
0x59: {  	[tilespmem:s4], [sflag:$0x2] =	stream.linear.gather [hbm4b:s20+s16], $0xC80, $0x38;
	[tilespmem:$0x1EA00] =	vst v63  }
0x5a: {  	_ =	swait.ge [sflag:s5], $0xC80  }
.Ltmp6:
0x5b: {  	[sflag:s5] =	ssyncset.done $0x0;
	(pc) =	sbr.rel .LBB2_7-.Ltmp6, $4  }
0x5c: {  	[sflag:s5] =	ssyncadd.s32 $0xFFFFF380  }
0x5d: {  	_ =	swait.ge [sflag:s5], $0xC80  }
0x5e: {  	[sflag:s5] =	ssyncset.done $0x0  }
0x5f: {  	s20 =	simm.s32 $0x0;
	[sflag:s5] =	ssyncadd.s32 $0xFFFFF380  }
.LBB2_9:
0x60: {  	v13 =	vxor.u32 $0x80000000, v13  }
0x61: {  	(xrf1) =	vsort.ascd.msk.u32 $0xffff, v13, v14;
	_ =	sdelay $0xd  }
0x62: {  	v13, v14, _ =	vpop (xrf1);
	_ =	sdelay $0x3  }
0x63: {  	v13 =	vxor.u32 $0x80000000, v13;
	v15 =	vld.idx.msk [tilespmem:v14+s2+$0x0], $0xffff  }
0x64: {  	v16 =	vperm.xlane v13, v3;
	_ =	sdelay $0x1  }
0x65: {  	v62 =	vperm.xlane v13, v10;
	vm1 =	veq.s32 v13, v16  }
0x66: {  	v18 =	vperm.xlane v13, v5;
	v17 =	vsel vm1, v3, v7  }
0x67: {  	vm1 =	vne.s32 v13, v62;
	v63 =	vperm.xlane v15, v17  }
0x68: {  	vm2 =	veq.s32 v13, v18;
	vm1 =	vmor vm1, vm0  }
0x69: {  	v27 =	vperm.xlane v13, v8;
	v19 =	vsel vm2, v6, v7;
	v20 =	vmax.f32 v15, v63  }
0x6a: {  	v28 =	vperm.xlane v20, v19  }
0x6b: {  	v23 =	vperm.xlane v13, v4;
	vm2 =	veq.s32 v13, v27;
	v22 =	vmul.f32 v15, v15  }
0x6c: {  	v21 =	vsel vm2, v9, v7;
	[tilespmem:v13+s6+$0x0] =	vst.idx.add.f32.msk $0xffff, v15;
	v18 =	vmax.f32 v20, v28  }
0x6d: {  	[tilespmem:v13+s7+$0x0] =	vst.idx.add.f32.msk $0xffff, v22;
	v20 =	vperm.xlane v18, v21  }
0x6e: {  	v29 =	vand.u32 $0x7, v7;
	vm2 =	veq.s32 v13, v23;
	v30 =	vld.idx.msk [tilespmem:v13+s8+$0x0], vm1  }
0x6f: {  	v24 =	vsel vm2, v29, v7;
	v18 =	vmax.f32 v18, v20  }
0x70: {  	v15 =	vmin.f32 v15, v63;
	v31 =	vperm.xlane v18, v24  }
0x71: {  	v32 =	vperm.xlane v15, v19  }
0x72: {  	v16 =	vmax.f32 v18, v31  }
0x73: {  	v15 =	vmin.f32 v15, v32;
	v16 =	vmax.f32 v30, v16  }
0x74: {  	v33 =	vperm.xlane v15, v21;
	[tilespmem:v13+s8+$0x0] =	vst.idx.msk vm1, v16  }
0x75: {  	v16 =	vld.idx.msk [tilespmem:v13+s9+$0x0], vm1  }
0x76: {  	v15 =	vmin.f32 v15, v33  }
0x77: {  	v18 =	vperm.xlane v15, v24;
	_ =	sdelay $0x1  }
0x78: {  	v15 =	vmin.f32 v15, v18  }
0x79: {  	v15 =	vmin.f32 v16, v15  }
0x7a: {  	[tilespmem:v13+s9+$0x0] =	vst.idx.msk vm1, v15  }
0x7b: {  	v14 =	vld.idx.msk [tilespmem:v14+s19+$0x0], $0xffff;
	_ =	sdelay $0x4  }
0x7c: {  	v34 =	vperm.xlane v14, v17;
	_ =	sdelay $0x1  }
0x7d: {  	v11 =	vxor.u32 $0x80000000, v11;
	v35 =	vmax.f32 v14, v34  }
0x7e: {  	(xrf1) =	vsort.ascd.msk.u32 $0xffff, v11, v12;
	v36 =	vperm.xlane v35, v19  }
0x7f: {  	v11 =	vmul.f32 v14, v14  }
0x80: {  	[tilespmem:v13+s10+$0x0] =	vst.idx.add.f32.msk $0xffff, v14;
	v37 =	vmax.f32 v35, v36  }
0x81: {  	[tilespmem:v13+s11+$0x0] =	vst.idx.add.f32.msk $0xffff, v11;
	v11 =	vperm.xlane v37, v21  }
0x82: {  	v38 =	vld.idx.msk [tilespmem:v13+s12+$0x0], vm1  }
0x83: {  	v11 =	vmax.f32 v37, v11  }
0x84: {  	v39 =	vmin.f32 v14, v34;
	v40 =	vperm.xlane v11, v24  }
0x85: {  	v15 =	vperm.xlane v39, v19  }
0x86: {  	v11 =	vmax.f32 v11, v40  }
0x87: {  	v12 =	vmin.f32 v39, v15;
	v11 =	vmax.f32 v38, v11  }
0x88: {  	v41 =	vperm.xlane v12, v21;
	[tilespmem:v13+s12+$0x0] =	vst.idx.msk vm1, v11  }
0x89: {  	v11 =	vld.idx.msk [tilespmem:v13+s13+$0x0], vm1  }
0x8a: {  	v12 =	vmin.f32 v12, v41  }
0x8b: {  	v14 =	vperm.xlane v12, v24  }
0x8c: {  	v42, v43, _ =	vpop (xrf1)  }
0x8d: {  	v12 =	vmin.f32 v12, v14  }
0x8e: {  	v11 =	vmin.f32 v11, v12  }
0x8f: {  	[tilespmem:v13+s13+$0x0] =	vst.idx.msk vm1, v11  }
0x90: {  	v11 =	vxor.u32 $0x80000000, v42;
	v44 =	vld.idx.msk [tilespmem:v43+s2+$0x0], $0xffff  }
0x91: {  	v45 =	vperm.xlane v11, v3;
	_ =	sdelay $0x1  }
0x92: {  	v46 =	vperm.xlane v11, v10;
	vm1 =	veq.s32 v11, v45  }
0x93: {  	v15 =	vperm.xlane v11, v5;
	v47 =	vsel vm1, v3, v7  }
0x94: {  	vm1 =	vne.s32 v11, v46;
	v48 =	vperm.xlane v44, v47  }
0x95: {  	vm2 =	veq.s32 v11, v15;
	vm1 =	vmor vm1, vm0  }
0x96: {  	v49 =	vperm.xlane v11, v8;
	v50 =	vsel vm2, v6, v7;
	v51 =	vmax.f32 v44, v48  }
0x97: {  	v52 =	vperm.xlane v51, v50  }
0x98: {  	v55 =	vperm.xlane v11, v4;
	vm2 =	veq.s32 v11, v49;
	v54 =	vmul.f32 v44, v44  }
0x99: {  	v53 =	vsel vm2, v9, v7;
	[tilespmem:v11+s6+$0x0] =	vst.idx.add.f32.msk $0xffff, v44;
	v15 =	vmax.f32 v51, v52  }
0x9a: {  	[tilespmem:v11+s7+$0x0] =	vst.idx.add.f32.msk $0xffff, v54;
	v18 =	vperm.xlane v15, v53  }
0x9b: {  	vm2 =	veq.s32 v11, v55;
	v20 =	vld.idx.msk [tilespmem:v11+s8+$0x0], vm1  }
0x9c: {  	v21 =	vsel vm2, v29, v7;
	v15 =	vmax.f32 v15, v18  }
0x9d: {  	v12 =	vmin.f32 v44, v48;
	v56 =	vperm.xlane v15, v21  }
0x9e: {  	v57 =	vperm.xlane v12, v50  }
0x9f: {  	v13 =	vmax.f32 v15, v56  }
0xa0: {  	v12 =	vmin.f32 v12, v57;
	v13 =	vmax.f32 v20, v13  }
0xa1: {  	v58 =	vperm.xlane v12, v53;
	[tilespmem:v11+s8+$0x0] =	vst.idx.msk vm1, v13  }
0xa2: {  	v13 =	vld.idx.msk [tilespmem:v11+s9+$0x0], vm1  }
0xa3: {  	v12 =	vmin.f32 v12, v58  }
0xa4: {  	v15 =	vperm.xlane v12, v21;
	_ =	sdelay $0x1  }
0xa5: {  	v12 =	vmin.f32 v12, v15  }
0xa6: {  	v12 =	vmin.f32 v13, v12  }
0xa7: {  	[tilespmem:v11+s9+$0x0] =	vst.idx.msk vm1, v12  }
0xa8: {  	v12 =	vld.idx.msk [tilespmem:v43+s19+$0x0], $0xffff;
	_ =	sdelay $0x4  }
0xa9: {  	v59 =	vperm.xlane v12, v47;
	_ =	sdelay $0x1  }
0xaa: {  	v14 =	vmax.f32 v12, v59  }
0xab: {  	v60 =	vperm.xlane v14, v50  }
0xac: {  	v16 =	vmul.f32 v12, v12  }
0xad: {  	[tilespmem:v11+s10+$0x0] =	vst.idx.add.f32.msk $0xffff, v12;
	v14 =	vmax.f32 v14, v60  }
0xae: {  	[tilespmem:v11+s11+$0x0] =	vst.idx.add.f32.msk $0xffff, v16;
	v15 =	vperm.xlane v14, v53  }
0xaf: {  	v16 =	vld.idx.msk [tilespmem:v11+s12+$0x0], vm1  }
0xb0: {  	v14 =	vmax.f32 v14, v15  }
0xb1: {  	v12 =	vmin.f32 v12, v59;
	v61 =	vperm.xlane v14, v21  }
0xb2: {  	v62 =	vperm.xlane v12, v50  }
0xb3: {  	v13 =	vmax.f32 v14, v61  }
0xb4: {  	v12 =	vmin.f32 v12, v62;
	v13 =	vmax.f32 v16, v13  }
0xb5: {  	v63 =	vperm.xlane v12, v53;
	[tilespmem:v11+s12+$0x0] =	vst.idx.msk vm1, v13  }
0xb6: {  	v13 =	vld.idx.msk [tilespmem:v11+s13+$0x0], vm1  }
0xb7: {  	v12 =	vmin.f32 v12, v63  }
0xb8: {  	v14 =	vperm.xlane v12, v21;
	_ =	sdelay $0x1  }
0xb9: {  	v12 =	vmin.f32 v12, v14  }
0xba: {  	v12 =	vmin.f32 v13, v12  }
0xbb: {  	[tilespmem:v11+s13+$0x0] =	vst.idx.msk vm1, v12  }
.LBB2_10:
0xbc: {  	s20 =	sadd.s32 $0x80, s20  }
0xbd: {  	p3 =	sne.s32 s20, $0x3200  }
.Ltmp7:
0xbe: {  	_ = 	snop;
	(pc) =	sbr.rel @!p3 .LBB2_11-.Ltmp7, $1  }
0xbf: {  	_ =	sdelay $0x3  }
.LBB2_7:
0xc0: {  	s21 =	sshra.s32 s20, $0x2  }
0xc1: {  	v13 =	vld [tilespmem:s21+$0x1B800]  }
0xc2: {  	v11 =	vld [tilespmem:s21+$0x1B810];
	_ =	sdelay $0x3  }
0xc3: {  	(xrf1) =	vunique.msk.u32 $0xffff, v13  }
0xc4: {  	(xrf1) =	vunique.msk.u32 $0xffff, v11;
	_ =	sdelay $0xc  }
0xc5: {  	_, v12, _ =	vpop (xrf1)  }
0xc6: {  	_, v14, _ =	vpop (xrf1)  }
0xc7: {  	vm1 =	vgt.s32 v12, v14  }
0xc8: {  	v12 =	vsel vm1, v12, v14  }
0xc9: {  	v12 =	vxor.u32 $0x80000000, v12  }
0xca: {  	(xrf0) =	vmax.scan.msk.u32 $0xffff, v12;
	_ =	sdelay $0x5  }
0xcb: {  	v12, _, _ =	vpop (xrf0)  }
0xcc: {  	(v2sf) =	vpush v12, $0xF;
	_ =	sdelay $0xe  }
0xcd: {  	s22 =	spop (v2sf)  }
0xce: {  	p3 =	sgt.u32 s22, $0x80000001  }
.Ltmp8:
0xcf: {  	_ = 	snop;
	(pc) =	sbr.rel @p3 .LBB2_9-.Ltmp8, $4  }
0xd0: {  	v14 =	vld [tilespmem:s21+$0x1C480]  }
0xd1: {  	v15 =	vimm.f32 @!p0 $1.000000000e+00;
	v12 =	vld [tilespmem:s21+$0x1C490];
	s21 =	simm.s32 @!p0 $0x19000  }
0xd2: {  	[tilespmem:v13+s21+$0x0] =	vst.idx.add.f32.msk @!p0 $0xffff, v15  }
0xd3: {  	[tilespmem:v11+s21+$0x0] =	vst.idx.add.f32.msk @!p0 $0xffff, v15  }
0xd4: {  	_ =	sdelay $0x4  }
0xd5: {  	v15 =	vld.idx.msk [tilespmem:v14+s2+$0x0], $0xffff;
	_ =	sdelay $0x4  }
0xd6: {  	v16 =	vmul.f32 v15, v15  }
0xd7: {  	[tilespmem:v13+s6+$0x0] =	vst.idx.add.f32.msk $0xffff, v15  }
0xd8: {  	[tilespmem:v13+s7+$0x0] =	vst.idx.add.f32.msk $0xffff, v16  }
0xd9: {  	v16 =	vld.idx.msk [tilespmem:v13+s8+$0x0], $0xffff;
	_ =	sdelay $0x4  }
0xda: {  	v16 =	vmax.f32 v16, v15  }
0xdb: {  	[tilespmem:v13+s8+$0x0] =	vst.idx.msk $0xffff, v16  }
0xdc: {  	v16 =	vld.idx.msk [tilespmem:v13+s9+$0x0], $0xffff;
	_ =	sdelay $0x4  }
0xdd: {  	v15 =	vmin.f32 v16, v15  }
0xde: {  	[tilespmem:v13+s9+$0x0] =	vst.idx.msk $0xffff, v15  }
0xdf: {  	v59 =	vld.idx.msk [tilespmem:v14+s19+$0x0], $0xffff;
	_ =	sdelay $0x4  }
0xe0: {  	v60 =	vmul.f32 v59, v59  }
0xe1: {  	[tilespmem:v13+s10+$0x0] =	vst.idx.add.f32.msk $0xffff, v59  }
0xe2: {  	[tilespmem:v13+s11+$0x0] =	vst.idx.add.f32.msk $0xffff, v60  }
0xe3: {  	v15 =	vld.idx.msk [tilespmem:v13+s12+$0x0], $0xffff;
	_ =	sdelay $0x4  }
0xe4: {  	v15 =	vmax.f32 v15, v59  }
0xe5: {  	[tilespmem:v13+s12+$0x0] =	vst.idx.msk $0xffff, v15  }
0xe6: {  	v15 =	vld.idx.msk [tilespmem:v13+s13+$0x0], $0xffff;
	_ =	sdelay $0x4  }
0xe7: {  	v14 =	vmin.f32 v15, v59  }
0xe8: {  	[tilespmem:v13+s13+$0x0] =	vst.idx.msk $0xffff, v14  }
0xe9: {  	v13 =	vld.idx.msk [tilespmem:v12+s2+$0x0], $0xffff;
	_ =	sdelay $0x4  }
0xea: {  	v61 =	vmul.f32 v13, v13  }
0xeb: {  	[tilespmem:v11+s6+$0x0] =	vst.idx.add.f32.msk $0xffff, v13  }
0xec: {  	[tilespmem:v11+s7+$0x0] =	vst.idx.add.f32.msk $0xffff, v61  }
0xed: {  	v14 =	vld.idx.msk [tilespmem:v11+s8+$0x0], $0xffff;
	_ =	sdelay $0x4  }
0xee: {  	v14 =	vmax.f32 v14, v13  }
0xef: {  	[tilespmem:v11+s8+$0x0] =	vst.idx.msk $0xffff, v14  }
0xf0: {  	v14 =	vld.idx.msk [tilespmem:v11+s9+$0x0], $0xffff;
	_ =	sdelay $0x4  }
0xf1: {  	v13 =	vmin.f32 v14, v13  }
0xf2: {  	[tilespmem:v11+s9+$0x0] =	vst.idx.msk $0xffff, v13  }
0xf3: {  	v62 =	vld.idx.msk [tilespmem:v12+s19+$0x0], $0xffff;
	_ =	sdelay $0x4  }
0xf4: {  	v63 =	vmul.f32 v62, v62  }
0xf5: {  	[tilespmem:v11+s10+$0x0] =	vst.idx.add.f32.msk $0xffff, v62  }
0xf6: {  	[tilespmem:v11+s11+$0x0] =	vst.idx.add.f32.msk $0xffff, v63  }
0xf7: {  	v13 =	vld.idx.msk [tilespmem:v11+s12+$0x0], $0xffff;
	_ =	sdelay $0x4  }
0xf8: {  	v13 =	vmax.f32 v13, v62  }
0xf9: {  	[tilespmem:v11+s12+$0x0] =	vst.idx.msk $0xffff, v13  }
0xfa: {  	v13 =	vld.idx.msk [tilespmem:v11+s13+$0x0], $0xffff;
	_ =	sdelay $0x1  }
.Ltmp9:
0xfb: {  	_ = 	snop;
	(pc) =	sbr.rel .LBB2_10-.Ltmp9, $3  }
0xfc: {  	_ =	sdelay $0x1  }
0xfd: {  	v12 =	vmin.f32 v13, v62  }
0xfe: {  	[tilespmem:v11+s13+$0x0] =	vst.idx.msk $0xffff, v12  }
.LBB2_11:
0xff: {  	p3 =	seq.s32 s17, $0x31  }
0x100: {  	s18 =	sshrl.u32 @!p3 s18, $0x3  }
0x101: {  	s18 =	sadd.s32 @!p3 $0x320, s18  }
0x102: {  	s21 =	simm.s32 @!p3 $0x0;
	s22 =	simm.s32 @!p3 $0x1B800;
	s20 =	sadd.s32 @!p3 s1, s18  }
0x103: {  	[tilespmem:s22], [sflag:$0x1] =	stream.linear.gather @!p3 [hbm4b:s20+s21], $0xC80, $0x38;
	[tilespmem:$0x1EA00] =	vst v63  }
0x104: {  	s18 =	sadd.s32 @!p3 s25, s18;
	s20 =	simm.s32 @!p3 $0x1C480  }
0x105: {  	[tilespmem:s20], [sflag:$0x1] =	stream.linear.gather @!p3 [hbm4b:s18+s21], $0xC80, $0x38;
	[tilespmem:$0x1EA00] =	vst v63  }
0x106: {  	_ =	swait.ge [sflag:s14], $0xC80  }
.Ltmp10:
0x107: {  	[sflag:s14] =	ssyncset.done $0x0;
	(pc) =	sbr.rel .LBB2_12-.Ltmp10, $4  }
0x108: {  	[sflag:s14] =	ssyncadd.s32 $0xFFFFF380  }
0x109: {  	_ =	swait.ge [sflag:s14], $0xC80  }
0x10a: {  	[sflag:s14] =	ssyncset.done $0x0  }
0x10b: {  	s18 =	simm.s32 $0x0;
	[sflag:s14] =	ssyncadd.s32 $0xFFFFF380  }
.LBB2_14:
0x10c: {  	v13 =	vxor.u32 $0x80000000, v13  }
0x10d: {  	(xrf1) =	vsort.ascd.msk.u32 $0xffff, v13, v14;
	_ =	sdelay $0xd  }
0x10e: {  	v13, v14, _ =	vpop (xrf1);
	_ =	sdelay $0x3  }
0x10f: {  	v13 =	vxor.u32 $0x80000000, v13;
	v15 =	vld.idx.msk [tilespmem:v14+s2+$0x0], $0xffff  }
0x110: {  	v16 =	vperm.xlane v13, v3;
	_ =	sdelay $0x1  }
0x111: {  	v62 =	vperm.xlane v13, v10;
	vm1 =	veq.s32 v13, v16  }
0x112: {  	v18 =	vperm.xlane v13, v5;
	v17 =	vsel vm1, v3, v7  }
0x113: {  	vm1 =	vne.s32 v13, v62;
	v63 =	vperm.xlane v15, v17  }
0x114: {  	vm2 =	veq.s32 v13, v18;
	vm1 =	vmor vm1, vm0  }
0x115: {  	v27 =	vperm.xlane v13, v8;
	v19 =	vsel vm2, v6, v7;
	v20 =	vmax.f32 v15, v63  }
0x116: {  	v28 =	vperm.xlane v20, v19  }
0x117: {  	v23 =	vperm.xlane v13, v4;
	vm2 =	veq.s32 v13, v27;
	v22 =	vmul.f32 v15, v15  }
0x118: {  	v21 =	vsel vm2, v9, v7;
	[tilespmem:v13+s6+$0x0] =	vst.idx.add.f32.msk $0xffff, v15;
	v18 =	vmax.f32 v20, v28  }
0x119: {  	[tilespmem:v13+s7+$0x0] =	vst.idx.add.f32.msk $0xffff, v22;
	v20 =	vperm.xlane v18, v21  }
0x11a: {  	v29 =	vand.u32 $0x7, v7;
	vm2 =	veq.s32 v13, v23;
	v30 =	vld.idx.msk [tilespmem:v13+s8+$0x0], vm1  }
0x11b: {  	v24 =	vsel vm2, v29, v7;
	v18 =	vmax.f32 v18, v20  }
0x11c: {  	v15 =	vmin.f32 v15, v63;
	v31 =	vperm.xlane v18, v24  }
0x11d: {  	v32 =	vperm.xlane v15, v19  }
0x11e: {  	v16 =	vmax.f32 v18, v31  }
0x11f: {  	v15 =	vmin.f32 v15, v32;
	v16 =	vmax.f32 v30, v16  }
0x120: {  	v33 =	vperm.xlane v15, v21;
	[tilespmem:v13+s8+$0x0] =	vst.idx.msk vm1, v16  }
0x121: {  	v16 =	vld.idx.msk [tilespmem:v13+s9+$0x0], vm1  }
0x122: {  	v15 =	vmin.f32 v15, v33  }
0x123: {  	v18 =	vperm.xlane v15, v24;
	_ =	sdelay $0x1  }
0x124: {  	v15 =	vmin.f32 v15, v18  }
0x125: {  	v15 =	vmin.f32 v16, v15  }
0x126: {  	[tilespmem:v13+s9+$0x0] =	vst.idx.msk vm1, v15  }
0x127: {  	v14 =	vld.idx.msk [tilespmem:v14+s19+$0x0], $0xffff;
	_ =	sdelay $0x4  }
0x128: {  	v34 =	vperm.xlane v14, v17;
	_ =	sdelay $0x1  }
0x129: {  	v11 =	vxor.u32 $0x80000000, v11;
	v35 =	vmax.f32 v14, v34  }
0x12a: {  	(xrf1) =	vsort.ascd.msk.u32 $0xffff, v11, v12;
	v36 =	vperm.xlane v35, v19  }
0x12b: {  	v11 =	vmul.f32 v14, v14  }
0x12c: {  	[tilespmem:v13+s10+$0x0] =	vst.idx.add.f32.msk $0xffff, v14;
	v37 =	vmax.f32 v35, v36  }
0x12d: {  	[tilespmem:v13+s11+$0x0] =	vst.idx.add.f32.msk $0xffff, v11;
	v11 =	vperm.xlane v37, v21  }
0x12e: {  	v38 =	vld.idx.msk [tilespmem:v13+s12+$0x0], vm1  }
0x12f: {  	v11 =	vmax.f32 v37, v11  }
0x130: {  	v39 =	vmin.f32 v14, v34;
	v40 =	vperm.xlane v11, v24  }
0x131: {  	v15 =	vperm.xlane v39, v19  }
0x132: {  	v11 =	vmax.f32 v11, v40  }
0x133: {  	v12 =	vmin.f32 v39, v15;
	v11 =	vmax.f32 v38, v11  }
0x134: {  	v41 =	vperm.xlane v12, v21;
	[tilespmem:v13+s12+$0x0] =	vst.idx.msk vm1, v11  }
0x135: {  	v11 =	vld.idx.msk [tilespmem:v13+s13+$0x0], vm1  }
0x136: {  	v12 =	vmin.f32 v12, v41  }
0x137: {  	v14 =	vperm.xlane v12, v24  }
0x138: {  	v42, v43, _ =	vpop (xrf1)  }
0x139: {  	v12 =	vmin.f32 v12, v14  }
0x13a: {  	v11 =	vmin.f32 v11, v12  }
0x13b: {  	[tilespmem:v13+s13+$0x0] =	vst.idx.msk vm1, v11  }
0x13c: {  	v11 =	vxor.u32 $0x80000000, v42;
	v44 =	vld.idx.msk [tilespmem:v43+s2+$0x0], $0xffff  }
0x13d: {  	v45 =	vperm.xlane v11, v3;
	_ =	sdelay $0x1  }
0x13e: {  	v46 =	vperm.xlane v11, v10;
	vm1 =	veq.s32 v11, v45  }
0x13f: {  	v15 =	vperm.xlane v11, v5;
	v47 =	vsel vm1, v3, v7  }
0x140: {  	vm1 =	vne.s32 v11, v46;
	v48 =	vperm.xlane v44, v47  }
0x141: {  	vm2 =	veq.s32 v11, v15;
	vm1 =	vmor vm1, vm0  }
0x142: {  	v49 =	vperm.xlane v11, v8;
	v50 =	vsel vm2, v6, v7;
	v51 =	vmax.f32 v44, v48  }
0x143: {  	v52 =	vperm.xlane v51, v50  }
0x144: {  	v55 =	vperm.xlane v11, v4;
	vm2 =	veq.s32 v11, v49;
	v54 =	vmul.f32 v44, v44  }
0x145: {  	v53 =	vsel vm2, v9, v7;
	[tilespmem:v11+s6+$0x0] =	vst.idx.add.f32.msk $0xffff, v44;
	v15 =	vmax.f32 v51, v52  }
0x146: {  	[tilespmem:v11+s7+$0x0] =	vst.idx.add.f32.msk $0xffff, v54;
	v18 =	vperm.xlane v15, v53  }
0x147: {  	vm2 =	veq.s32 v11, v55;
	v20 =	vld.idx.msk [tilespmem:v11+s8+$0x0], vm1  }
0x148: {  	v21 =	vsel vm2, v29, v7;
	v15 =	vmax.f32 v15, v18  }
0x149: {  	v12 =	vmin.f32 v44, v48;
	v56 =	vperm.xlane v15, v21  }
0x14a: {  	v57 =	vperm.xlane v12, v50  }
0x14b: {  	v13 =	vmax.f32 v15, v56  }
0x14c: {  	v12 =	vmin.f32 v12, v57;
	v13 =	vmax.f32 v20, v13  }
0x14d: {  	v58 =	vperm.xlane v12, v53;
	[tilespmem:v11+s8+$0x0] =	vst.idx.msk vm1, v13  }
0x14e: {  	v13 =	vld.idx.msk [tilespmem:v11+s9+$0x0], vm1  }
0x14f: {  	v12 =	vmin.f32 v12, v58  }
0x150: {  	v15 =	vperm.xlane v12, v21;
	_ =	sdelay $0x1  }
0x151: {  	v12 =	vmin.f32 v12, v15  }
0x152: {  	v12 =	vmin.f32 v13, v12  }
0x153: {  	[tilespmem:v11+s9+$0x0] =	vst.idx.msk vm1, v12  }
0x154: {  	v12 =	vld.idx.msk [tilespmem:v43+s19+$0x0], $0xffff;
	_ =	sdelay $0x4  }
0x155: {  	v59 =	vperm.xlane v12, v47;
	_ =	sdelay $0x1  }
0x156: {  	v14 =	vmax.f32 v12, v59  }
0x157: {  	v60 =	vperm.xlane v14, v50  }
0x158: {  	v16 =	vmul.f32 v12, v12  }
0x159: {  	[tilespmem:v11+s10+$0x0] =	vst.idx.add.f32.msk $0xffff, v12;
	v14 =	vmax.f32 v14, v60  }
0x15a: {  	[tilespmem:v11+s11+$0x0] =	vst.idx.add.f32.msk $0xffff, v16;
	v15 =	vperm.xlane v14, v53  }
0x15b: {  	v16 =	vld.idx.msk [tilespmem:v11+s12+$0x0], vm1  }
0x15c: {  	v14 =	vmax.f32 v14, v15  }
0x15d: {  	v12 =	vmin.f32 v12, v59;
	v61 =	vperm.xlane v14, v21  }
0x15e: {  	v62 =	vperm.xlane v12, v50  }
0x15f: {  	v13 =	vmax.f32 v14, v61  }
0x160: {  	v12 =	vmin.f32 v12, v62;
	v13 =	vmax.f32 v16, v13  }
0x161: {  	v63 =	vperm.xlane v12, v53;
	[tilespmem:v11+s12+$0x0] =	vst.idx.msk vm1, v13  }
0x162: {  	v13 =	vld.idx.msk [tilespmem:v11+s13+$0x0], vm1  }
0x163: {  	v12 =	vmin.f32 v12, v63  }
0x164: {  	v14 =	vperm.xlane v12, v21;
	_ =	sdelay $0x1  }
0x165: {  	v12 =	vmin.f32 v12, v14  }
0x166: {  	v12 =	vmin.f32 v13, v12  }
0x167: {  	[tilespmem:v11+s13+$0x0] =	vst.idx.msk vm1, v12  }
.LBB2_15:
0x168: {  	s18 =	sadd.s32 $0x80, s18  }
0x169: {  	p3 =	sne.s32 s18, $0x3200  }
.Ltmp11:
0x16a: {  	_ = 	snop;
	(pc) =	sbr.rel @!p3 .LBB2_16-.Ltmp11, $1  }
0x16b: {  	_ =	sdelay $0x3  }
.LBB2_12:
0x16c: {  	s20 =	sshra.s32 s18, $0x2  }
0x16d: {  	v13 =	vld [tilespmem:s20+$0x1D100]  }
0x16e: {  	v11 =	vld [tilespmem:s20+$0x1D110];
	_ =	sdelay $0x3  }
0x16f: {  	(xrf1) =	vunique.msk.u32 $0xffff, v13  }
0x170: {  	(xrf1) =	vunique.msk.u32 $0xffff, v11;
	_ =	sdelay $0xc  }
0x171: {  	_, v12, _ =	vpop (xrf1)  }
0x172: {  	_, v14, _ =	vpop (xrf1)  }
0x173: {  	vm1 =	vgt.s32 v12, v14  }
0x174: {  	v12 =	vsel vm1, v12, v14  }
0x175: {  	v12 =	vxor.u32 $0x80000000, v12  }
0x176: {  	(xrf0) =	vmax.scan.msk.u32 $0xffff, v12;
	_ =	sdelay $0x5  }
0x177: {  	v12, _, _ =	vpop (xrf0)  }
0x178: {  	(v2sf) =	vpush v12, $0xF;
	_ =	sdelay $0xe  }
0x179: {  	s21 =	spop (v2sf)  }
0x17a: {  	p3 =	sgt.u32 s21, $0x80000001  }
.Ltmp12:
0x17b: {  	_ = 	snop;
	(pc) =	sbr.rel @p3 .LBB2_14-.Ltmp12, $4  }
0x17c: {  	v14 =	vld [tilespmem:s20+$0x1DD80]  }
0x17d: {  	v15 =	vimm.f32 @!p0 $1.000000000e+00;
	v12 =	vld [tilespmem:s20+$0x1DD90];
	s20 =	simm.s32 @!p0 $0x19000  }
0x17e: {  	[tilespmem:v13+s20+$0x0] =	vst.idx.add.f32.msk @!p0 $0xffff, v15  }
0x17f: {  	[tilespmem:v11+s20+$0x0] =	vst.idx.add.f32.msk @!p0 $0xffff, v15  }
0x180: {  	_ =	sdelay $0x4  }
0x181: {  	v15 =	vld.idx.msk [tilespmem:v14+s2+$0x0], $0xffff;
	_ =	sdelay $0x4  }
0x182: {  	v16 =	vmul.f32 v15, v15  }
0x183: {  	[tilespmem:v13+s6+$0x0] =	vst.idx.add.f32.msk $0xffff, v15  }
0x184: {  	[tilespmem:v13+s7+$0x0] =	vst.idx.add.f32.msk $0xffff, v16  }
0x185: {  	v16 =	vld.idx.msk [tilespmem:v13+s8+$0x0], $0xffff;
	_ =	sdelay $0x4  }
0x186: {  	v16 =	vmax.f32 v16, v15  }
0x187: {  	[tilespmem:v13+s8+$0x0] =	vst.idx.msk $0xffff, v16  }
0x188: {  	v16 =	vld.idx.msk [tilespmem:v13+s9+$0x0], $0xffff;
	_ =	sdelay $0x4  }
0x189: {  	v15 =	vmin.f32 v16, v15  }
0x18a: {  	[tilespmem:v13+s9+$0x0] =	vst.idx.msk $0xffff, v15  }
0x18b: {  	v59 =	vld.idx.msk [tilespmem:v14+s19+$0x0], $0xffff;
	_ =	sdelay $0x4  }
0x18c: {  	v60 =	vmul.f32 v59, v59  }
0x18d: {  	[tilespmem:v13+s10+$0x0] =	vst.idx.add.f32.msk $0xffff, v59  }
0x18e: {  	[tilespmem:v13+s11+$0x0] =	vst.idx.add.f32.msk $0xffff, v60  }
0x18f: {  	v15 =	vld.idx.msk [tilespmem:v13+s12+$0x0], $0xffff;
	_ =	sdelay $0x4  }
0x190: {  	v15 =	vmax.f32 v15, v59  }
0x191: {  	[tilespmem:v13+s12+$0x0] =	vst.idx.msk $0xffff, v15  }
0x192: {  	v15 =	vld.idx.msk [tilespmem:v13+s13+$0x0], $0xffff;
	_ =	sdelay $0x4  }
0x193: {  	v14 =	vmin.f32 v15, v59  }
0x194: {  	[tilespmem:v13+s13+$0x0] =	vst.idx.msk $0xffff, v14  }
0x195: {  	v13 =	vld.idx.msk [tilespmem:v12+s2+$0x0], $0xffff;
	_ =	sdelay $0x4  }
0x196: {  	v61 =	vmul.f32 v13, v13  }
0x197: {  	[tilespmem:v11+s6+$0x0] =	vst.idx.add.f32.msk $0xffff, v13  }
0x198: {  	[tilespmem:v11+s7+$0x0] =	vst.idx.add.f32.msk $0xffff, v61  }
0x199: {  	v14 =	vld.idx.msk [tilespmem:v11+s8+$0x0], $0xffff;
	_ =	sdelay $0x4  }
0x19a: {  	v14 =	vmax.f32 v14, v13  }
0x19b: {  	[tilespmem:v11+s8+$0x0] =	vst.idx.msk $0xffff, v14  }
0x19c: {  	v14 =	vld.idx.msk [tilespmem:v11+s9+$0x0], $0xffff;
	_ =	sdelay $0x4  }
0x19d: {  	v13 =	vmin.f32 v14, v13  }
0x19e: {  	[tilespmem:v11+s9+$0x0] =	vst.idx.msk $0xffff, v13  }
0x19f: {  	v62 =	vld.idx.msk [tilespmem:v12+s19+$0x0], $0xffff;
	_ =	sdelay $0x4  }
0x1a0: {  	v63 =	vmul.f32 v62, v62  }
0x1a1: {  	[tilespmem:v11+s10+$0x0] =	vst.idx.add.f32.msk $0xffff, v62  }
0x1a2: {  	[tilespmem:v11+s11+$0x0] =	vst.idx.add.f32.msk $0xffff, v63  }
0x1a3: {  	v13 =	vld.idx.msk [tilespmem:v11+s12+$0x0], $0xffff;
	_ =	sdelay $0x4  }
0x1a4: {  	v13 =	vmax.f32 v13, v62  }
0x1a5: {  	[tilespmem:v11+s12+$0x0] =	vst.idx.msk $0xffff, v13  }
0x1a6: {  	v13 =	vld.idx.msk [tilespmem:v11+s13+$0x0], $0xffff;
	_ =	sdelay $0x1  }
.Ltmp13:
0x1a7: {  	_ = 	snop;
	(pc) =	sbr.rel .LBB2_15-.Ltmp13, $3  }
0x1a8: {  	_ =	sdelay $0x1  }
0x1a9: {  	v12 =	vmin.f32 v13, v62  }
0x1aa: {  	[tilespmem:v11+s13+$0x0] =	vst.idx.msk $0xffff, v12  }
.LBB2_17:
0x1ab: {  	s16 =	rddreg [dreg:$0x5]  }
0x1ac: {  	[hbm4b:s16+s29] =	stream.strided.scatter [tilespmem:s6], [sflag:$0x3], $0x2800, s30, s29, $0x38;
	[tilespmem:$0x1EA00] =	vst v63  }
0x1ad: {  	_ =	swait.ge [sflag:s31], $0x2800  }
0x1ae: {  	[sflag:s31] =	ssyncset.done $0x0  }
0x1af: {  	s21 =	rddreg [dreg:$0x6];
	[sflag:s31] =	ssyncadd.s32 $0xFFFFD800  }
0x1b0: {  	[hbm4b:s21+s29] =	stream.strided.scatter [tilespmem:s10], [sflag:$0x3], $0x2800, s30, s29, $0x38;
	[tilespmem:$0x1EA00] =	vst v63  }
0x1b1: {  	_ =	swait.ge [sflag:s31], $0x2800  }
0x1b2: {  	[sflag:s31] =	ssyncset.done $0x0  }
0x1b3: {  	s22 =	rddreg [dreg:$0x7];
	[sflag:s31] =	ssyncadd.s32 $0xFFFFD800  }
0x1b4: {  	[hbm4b:s22+s29] =	stream.strided.scatter [tilespmem:s7], [sflag:$0x3], $0x2800, s30, s29, $0x38;
	[tilespmem:$0x1EA00] =	vst v63  }
0x1b5: {  	_ =	swait.ge [sflag:s31], $0x2800  }
0x1b6: {  	[sflag:s31] =	ssyncset.done $0x0  }
0x1b7: {  	s17 =	rddreg [dreg:$0x8];
	[sflag:s31] =	ssyncadd.s32 $0xFFFFD800  }
0x1b8: {  	[hbm4b:s17+s29] =	stream.strided.scatter [tilespmem:s11], [sflag:$0x3], $0x2800, s30, s29, $0x38;
	[tilespmem:$0x1EA00] =	vst v63  }
0x1b9: {  	_ =	swait.ge [sflag:s31], $0x2800  }
0x1ba: {  	[sflag:s31] =	ssyncset.done $0x0  }
0x1bb: {  	s18 =	rddreg [dreg:$0x9];
	[sflag:s31] =	ssyncadd.s32 $0xFFFFD800  }
0x1bc: {  	[hbm4b:s18+s29] =	stream.strided.scatter [tilespmem:s8], [sflag:$0x3], $0x2800, s30, s29, $0x38;
	[tilespmem:$0x1EA00] =	vst v63  }
0x1bd: {  	_ =	swait.ge [sflag:s31], $0x2800  }
0x1be: {  	[sflag:s31] =	ssyncset.done $0x0  }
0x1bf: {  	s20 =	rddreg [dreg:$0xa];
	[sflag:s31] =	ssyncadd.s32 $0xFFFFD800  }
0x1c0: {  	[hbm4b:s20+s29] =	stream.strided.scatter [tilespmem:s12], [sflag:$0x3], $0x2800, s30, s29, $0x38;
	[tilespmem:$0x1EA00] =	vst v63  }
0x1c1: {  	_ =	swait.ge [sflag:s31], $0x2800  }
0x1c2: {  	[sflag:s31] =	ssyncset.done $0x0  }
0x1c3: {  	s21 =	rddreg [dreg:$0xb];
	[sflag:s31] =	ssyncadd.s32 $0xFFFFD800  }
0x1c4: {  	[hbm4b:s21+s29] =	stream.strided.scatter [tilespmem:s9], [sflag:$0x3], $0x2800, s30, s29, $0x38;
	[tilespmem:$0x1EA00] =	vst v63  }
0x1c5: {  	_ =	swait.ge [sflag:s31], $0x2800  }
0x1c6: {  	[sflag:s31] =	ssyncset.done $0x0  }
0x1c7: {  	s22 =	rddreg [dreg:$0xc];
	[sflag:s31] =	ssyncadd.s32 $0xFFFFD800  }
0x1c8: {  	[hbm4b:s22+s29] =	stream.strided.scatter [tilespmem:s13], [sflag:$0x3], $0x2800, s30, s29, $0x38;
	[tilespmem:$0x1EA00] =	vst v63  }
0x1c9: {  	_ =	swait.ge [sflag:s31], $0x2800  }
0x1ca: {  	[sflag:s31] =	ssyncset.done $0x0  }
0x1cb: {  	s16 =	simm.s32 $0x0;
	s17 =	simm.s32 $0x40;
	[sflag:s31] =	ssyncadd.s32 $0xFFFFD800  }
.LBB2_18:
0x1cc: {  	p3 =	sne.s32 s17, $0x9FC0;
	[tilespmem:s16+$0x16800] =	vst v2  }
0x1cd: {  	[tilespmem:s16+$0x5000] =	vst v0  }
0x1ce: {  	[tilespmem:s16+$0x7800] =	vst v0  }
.Ltmp14:
0x1cf: {  	[tilespmem:s16+$0xA000] =	vst v0;
	(pc) =	sbr.rel @p3 .LBB2_18-.Ltmp14, $4  }
0x1d0: {  	[tilespmem:s16+$0xC800] =	vst v0  }
0x1d1: {  	[tilespmem:s16+$0xF000] =	vst v1  }
0x1d2: {  	[tilespmem:s16+$0x11800] =	vst v1  }
0x1d3: {  	[tilespmem:s16+$0x14000] =	vst v2;
	s16 =	sshra.s32 s17, $0x2;
	s17 =	sadd.s32 $0x40, s17  }
0x1d4: {  	[tilespmem:s16+$0x16800] =	vst v2  }
0x1d5: {  	[tilespmem:s16+$0x5000] =	vst v0  }
0x1d6: {  	[tilespmem:s16+$0x7800] =	vst v0  }
0x1d7: {  	[tilespmem:s16+$0xA000] =	vst v0  }
0x1d8: {  	[tilespmem:s16+$0xC800] =	vst v0  }
0x1d9: {  	[tilespmem:s16+$0xF000] =	vst v1  }
0x1da: {  	[tilespmem:s16+$0x11800] =	vst v1  }
0x1db: {  	[tilespmem:s16+$0x14000] =	vst v2;
	s16 =	simm.s32 $0x0;
	s17 =	rddreg [dreg:$0xd]  }
0x1dc: {  	[tilespmem:s16], [sflag:$0x3] =	stream.strided.gather [hbm4b:s17+s29], $0x2800, s30, s29, $0x38;
	[tilespmem:$0x1EA00] =	vst v63  }
0x1dd: {  	_ =	swait.ge [sflag:s31], $0x2800  }
0x1de: {  	[sflag:s31] =	ssyncset.done $0x0  }
0x1df: {  	s22 =	rddreg [dreg:$0xe];
	[sflag:s31] =	ssyncadd.s32 $0xFFFFD800  }
0x1e0: {  	[tilespmem:s19], [sflag:$0x3] =	stream.strided.gather [hbm4b:s22+s29], $0x2800, s30, s29, $0x38;
	[tilespmem:$0x1EA00] =	vst v63  }
0x1e1: {  	_ =	swait.ge [sflag:s31], $0x2800  }
.Ltmp15:
0x1e2: {  	[sflag:s31] =	ssyncset.done $0x0;
	(pc) =	sbr.rel .LBB2_20-.Ltmp15, $4  }
0x1e3: {  	[sflag:s31] =	ssyncadd.s32 $0xFFFFD800  }
0x1e4: {  	[tilespmem:s0], [sflag:$0x1] =	stream.linear.gather [hbm4b:s1+s16], $0xC80, $0x38;
	[tilespmem:$0x1EA00] =	vst v63  }
0x1e5: {  	s17 =	simm.s32 $0x0  }
0x1e6: {  	[tilespmem:s26], [sflag:$0x1] =	stream.linear.gather [hbm4b:s25+s16], $0xC80, $0x38;
	[tilespmem:$0x1EA00] =	vst v63  }
.LBB2_30:
0x1e7: {  	s17 =	sadd.s32 $0x1, s17  }
0x1e8: {  	p3 =	sne.s32 s17, $0x32  }
.Ltmp16:
0x1e9: {  	_ = 	snop;
	(pc) =	sbr.rel @!p3 .LBB2_31-.Ltmp16, $1  }
0x1ea: {  	_ =	sdelay $0x3  }
.LBB2_20:
0x1eb: {  	s18 =	smul.u32 $0x1900, s17;
	_ =	sdelay $0x1  }
0x1ec: {  	s20 =	sshrl.u32 s18, $0x3  }
0x1ed: {  	s20 =	sadd.s32 $0x190, s20  }
0x1ee: {  	s21 =	sadd.s32 s1, s20  }
0x1ef: {  	[tilespmem:s3], [sflag:$0x2] =	stream.linear.gather [hbm4b:s21+s16], $0xC80, $0x38;
	[tilespmem:$0x1EA00] =	vst v63  }
0x1f0: {  	s20 =	sadd.s32 s25, s20  }
0x1f1: {  	[tilespmem:s4], [sflag:$0x2] =	stream.linear.gather [hbm4b:s20+s16], $0xC80, $0x38;
	[tilespmem:$0x1EA00] =	vst v63  }
0x1f2: {  	_ =	swait.ge [sflag:s5], $0xC80  }
.Ltmp17:
0x1f3: {  	[sflag:s5] =	ssyncset.done $0x0;
	(pc) =	sbr.rel .LBB2_21-.Ltmp17, $4  }
0x1f4: {  	[sflag:s5] =	ssyncadd.s32 $0xFFFFF380  }
0x1f5: {  	_ =	swait.ge [sflag:s5], $0xC80  }
0x1f6: {  	[sflag:s5] =	ssyncset.done $0x0  }
0x1f7: {  	s20 =	simm.s32 $0x0;
	[sflag:s5] =	ssyncadd.s32 $0xFFFFF380  }
.LBB2_23:
0x1f8: {  	v13 =	vxor.u32 $0x80000000, v13  }
0x1f9: {  	(xrf1) =	vsort.ascd.msk.u32 $0xffff, v13, v14;
	_ =	sdelay $0xd  }
0x1fa: {  	v13, v14, _ =	vpop (xrf1);
	_ =	sdelay $0x3  }
0x1fb: {  	v13 =	vxor.u32 $0x80000000, v13;
	v15 =	vld.idx.msk [tilespmem:v14+s2+$0x0], $0xffff  }
0x1fc: {  	v16 =	vperm.xlane v13, v3;
	_ =	sdelay $0x1  }
0x1fd: {  	v62 =	vperm.xlane v13, v10;
	vm1 =	veq.s32 v13, v16  }
0x1fe: {  	v18 =	vperm.xlane v13, v5;
	v17 =	vsel vm1, v3, v7  }
0x1ff: {  	vm1 =	vne.s32 v13, v62;
	v63 =	vperm.xlane v15, v17  }
0x200: {  	vm2 =	veq.s32 v13, v18;
	vm1 =	vmor vm1, vm0  }
0x201: {  	v27 =	vperm.xlane v13, v8;
	v19 =	vsel vm2, v6, v7;
	v20 =	vmax.f32 v15, v63  }
0x202: {  	v28 =	vperm.xlane v20, v19  }
0x203: {  	v23 =	vperm.xlane v13, v4;
	vm2 =	veq.s32 v13, v27;
	v22 =	vmul.f32 v15, v15  }
0x204: {  	v21 =	vsel vm2, v9, v7;
	[tilespmem:v13+s6+$0x0] =	vst.idx.add.f32.msk $0xffff, v15;
	v18 =	vmax.f32 v20, v28  }
0x205: {  	[tilespmem:v13+s7+$0x0] =	vst.idx.add.f32.msk $0xffff, v22;
	v20 =	vperm.xlane v18, v21  }
0x206: {  	v29 =	vand.u32 $0x7, v7;
	vm2 =	veq.s32 v13, v23;
	v30 =	vld.idx.msk [tilespmem:v13+s8+$0x0], vm1  }
0x207: {  	v24 =	vsel vm2, v29, v7;
	v18 =	vmax.f32 v18, v20  }
0x208: {  	v15 =	vmin.f32 v15, v63;
	v31 =	vperm.xlane v18, v24  }
0x209: {  	v32 =	vperm.xlane v15, v19  }
0x20a: {  	v16 =	vmax.f32 v18, v31  }
0x20b: {  	v15 =	vmin.f32 v15, v32;
	v16 =	vmax.f32 v30, v16  }
0x20c: {  	v33 =	vperm.xlane v15, v21;
	[tilespmem:v13+s8+$0x0] =	vst.idx.msk vm1, v16  }
0x20d: {  	v16 =	vld.idx.msk [tilespmem:v13+s9+$0x0], vm1  }
0x20e: {  	v15 =	vmin.f32 v15, v33  }
0x20f: {  	v18 =	vperm.xlane v15, v24;
	_ =	sdelay $0x1  }
0x210: {  	v15 =	vmin.f32 v15, v18  }
0x211: {  	v15 =	vmin.f32 v16, v15  }
0x212: {  	[tilespmem:v13+s9+$0x0] =	vst.idx.msk vm1, v15  }
0x213: {  	v14 =	vld.idx.msk [tilespmem:v14+s19+$0x0], $0xffff;
	_ =	sdelay $0x4  }
0x214: {  	v34 =	vperm.xlane v14, v17;
	_ =	sdelay $0x1  }
0x215: {  	v11 =	vxor.u32 $0x80000000, v11;
	v35 =	vmax.f32 v14, v34  }
0x216: {  	(xrf1) =	vsort.ascd.msk.u32 $0xffff, v11, v12;
	v36 =	vperm.xlane v35, v19  }
0x217: {  	v11 =	vmul.f32 v14, v14  }
0x218: {  	[tilespmem:v13+s10+$0x0] =	vst.idx.add.f32.msk $0xffff, v14;
	v37 =	vmax.f32 v35, v36  }
0x219: {  	[tilespmem:v13+s11+$0x0] =	vst.idx.add.f32.msk $0xffff, v11;
	v11 =	vperm.xlane v37, v21  }
0x21a: {  	v38 =	vld.idx.msk [tilespmem:v13+s12+$0x0], vm1  }
0x21b: {  	v11 =	vmax.f32 v37, v11  }
0x21c: {  	v39 =	vmin.f32 v14, v34;
	v40 =	vperm.xlane v11, v24  }
0x21d: {  	v15 =	vperm.xlane v39, v19  }
0x21e: {  	v11 =	vmax.f32 v11, v40  }
0x21f: {  	v12 =	vmin.f32 v39, v15;
	v11 =	vmax.f32 v38, v11  }
0x220: {  	v41 =	vperm.xlane v12, v21;
	[tilespmem:v13+s12+$0x0] =	vst.idx.msk vm1, v11  }
0x221: {  	v11 =	vld.idx.msk [tilespmem:v13+s13+$0x0], vm1  }
0x222: {  	v12 =	vmin.f32 v12, v41  }
0x223: {  	v14 =	vperm.xlane v12, v24  }
0x224: {  	v42, v43, _ =	vpop (xrf1)  }
0x225: {  	v12 =	vmin.f32 v12, v14  }
0x226: {  	v11 =	vmin.f32 v11, v12  }
0x227: {  	[tilespmem:v13+s13+$0x0] =	vst.idx.msk vm1, v11  }
0x228: {  	v11 =	vxor.u32 $0x80000000, v42;
	v44 =	vld.idx.msk [tilespmem:v43+s2+$0x0], $0xffff  }
0x229: {  	v45 =	vperm.xlane v11, v3;
	_ =	sdelay $0x1  }
0x22a: {  	v46 =	vperm.xlane v11, v10;
	vm1 =	veq.s32 v11, v45  }
0x22b: {  	v15 =	vperm.xlane v11, v5;
	v47 =	vsel vm1, v3, v7  }
0x22c: {  	vm1 =	vne.s32 v11, v46;
	v48 =	vperm.xlane v44, v47  }
0x22d: {  	vm2 =	veq.s32 v11, v15;
	vm1 =	vmor vm1, vm0  }
0x22e: {  	v49 =	vperm.xlane v11, v8;
	v50 =	vsel vm2, v6, v7;
	v51 =	vmax.f32 v44, v48  }
0x22f: {  	v52 =	vperm.xlane v51, v50  }
0x230: {  	v55 =	vperm.xlane v11, v4;
	vm2 =	veq.s32 v11, v49;
	v54 =	vmul.f32 v44, v44  }
0x231: {  	v53 =	vsel vm2, v9, v7;
	[tilespmem:v11+s6+$0x0] =	vst.idx.add.f32.msk $0xffff, v44;
	v15 =	vmax.f32 v51, v52  }
0x232: {  	[tilespmem:v11+s7+$0x0] =	vst.idx.add.f32.msk $0xffff, v54;
	v18 =	vperm.xlane v15, v53  }
0x233: {  	vm2 =	veq.s32 v11, v55;
	v20 =	vld.idx.msk [tilespmem:v11+s8+$0x0], vm1  }
0x234: {  	v21 =	vsel vm2, v29, v7;
	v15 =	vmax.f32 v15, v18  }
0x235: {  	v12 =	vmin.f32 v44, v48;
	v56 =	vperm.xlane v15, v21  }
0x236: {  	v57 =	vperm.xlane v12, v50  }
0x237: {  	v13 =	vmax.f32 v15, v56  }
0x238: {  	v12 =	vmin.f32 v12, v57;
	v13 =	vmax.f32 v20, v13  }
0x239: {  	v58 =	vperm.xlane v12, v53;
	[tilespmem:v11+s8+$0x0] =	vst.idx.msk vm1, v13  }
0x23a: {  	v13 =	vld.idx.msk [tilespmem:v11+s9+$0x0], vm1  }
0x23b: {  	v12 =	vmin.f32 v12, v58  }
0x23c: {  	v15 =	vperm.xlane v12, v21;
	_ =	sdelay $0x1  }
0x23d: {  	v12 =	vmin.f32 v12, v15  }
0x23e: {  	v12 =	vmin.f32 v13, v12  }
0x23f: {  	[tilespmem:v11+s9+$0x0] =	vst.idx.msk vm1, v12  }
0x240: {  	v12 =	vld.idx.msk [tilespmem:v43+s19+$0x0], $0xffff;
	_ =	sdelay $0x4  }
0x241: {  	v59 =	vperm.xlane v12, v47;
	_ =	sdelay $0x1  }
0x242: {  	v14 =	vmax.f32 v12, v59  }
0x243: {  	v60 =	vperm.xlane v14, v50  }
0x244: {  	v16 =	vmul.f32 v12, v12  }
0x245: {  	[tilespmem:v11+s10+$0x0] =	vst.idx.add.f32.msk $0xffff, v12;
	v14 =	vmax.f32 v14, v60  }
0x246: {  	[tilespmem:v11+s11+$0x0] =	vst.idx.add.f32.msk $0xffff, v16;
	v15 =	vperm.xlane v14, v53  }
0x247: {  	v16 =	vld.idx.msk [tilespmem:v11+s12+$0x0], vm1  }
0x248: {  	v14 =	vmax.f32 v14, v15  }
0x249: {  	v12 =	vmin.f32 v12, v59;
	v61 =	vperm.xlane v14, v21  }
0x24a: {  	v62 =	vperm.xlane v12, v50  }
0x24b: {  	v13 =	vmax.f32 v14, v61  }
0x24c: {  	v12 =	vmin.f32 v12, v62;
	v13 =	vmax.f32 v16, v13  }
0x24d: {  	v63 =	vperm.xlane v12, v53;
	[tilespmem:v11+s12+$0x0] =	vst.idx.msk vm1, v13  }
0x24e: {  	v13 =	vld.idx.msk [tilespmem:v11+s13+$0x0], vm1  }
0x24f: {  	v12 =	vmin.f32 v12, v63  }
0x250: {  	v14 =	vperm.xlane v12, v21;
	_ =	sdelay $0x1  }
0x251: {  	v12 =	vmin.f32 v12, v14  }
0x252: {  	v12 =	vmin.f32 v13, v12  }
0x253: {  	[tilespmem:v11+s13+$0x0] =	vst.idx.msk vm1, v12  }
.LBB2_24:
0x254: {  	s20 =	sadd.s32 $0x80, s20  }
0x255: {  	p3 =	sne.s32 s20, $0x3200  }
.Ltmp18:
0x256: {  	_ = 	snop;
	(pc) =	sbr.rel @!p3 .LBB2_25-.Ltmp18, $1  }
0x257: {  	_ =	sdelay $0x3  }
.LBB2_21:
0x258: {  	s21 =	sshra.s32 s20, $0x2  }
0x259: {  	v13 =	vld [tilespmem:s21+$0x1B800]  }
0x25a: {  	v11 =	vld [tilespmem:s21+$0x1B810];
	_ =	sdelay $0x3  }
0x25b: {  	(xrf1) =	vunique.msk.u32 $0xffff, v13  }
0x25c: {  	(xrf1) =	vunique.msk.u32 $0xffff, v11;
	_ =	sdelay $0xc  }
0x25d: {  	_, v12, _ =	vpop (xrf1)  }
0x25e: {  	_, v14, _ =	vpop (xrf1)  }
0x25f: {  	vm1 =	vgt.s32 v12, v14  }
0x260: {  	v12 =	vsel vm1, v12, v14  }
0x261: {  	v12 =	vxor.u32 $0x80000000, v12  }
0x262: {  	(xrf0) =	vmax.scan.msk.u32 $0xffff, v12;
	_ =	sdelay $0x5  }
0x263: {  	v12, _, _ =	vpop (xrf0)  }
0x264: {  	(v2sf) =	vpush v12, $0xF;
	_ =	sdelay $0xe  }
0x265: {  	s22 =	spop (v2sf)  }
0x266: {  	p3 =	sgt.u32 s22, $0x80000001  }
.Ltmp19:
0x267: {  	_ = 	snop;
	(pc) =	sbr.rel @p3 .LBB2_23-.Ltmp19, $2  }
0x268: {  	v14 =	vld [tilespmem:s21+$0x1C480];
	_ =	sdelay $0x2  }
0x269: {  	v12 =	vld [tilespmem:s21+$0x1C490]  }
0x26a: {  	_ =	sdelay $0x4  }
0x26b: {  	v15 =	vld.idx.msk [tilespmem:v14+s2+$0x0], $0xffff;
	_ =	sdelay $0x4  }
0x26c: {  	v16 =	vmul.f32 v15, v15  }
0x26d: {  	[tilespmem:v13+s6+$0x0] =	vst.idx.add.f32.msk $0xffff, v15  }
0x26e: {  	[tilespmem:v13+s7+$0x0] =	vst.idx.add.f32.msk $0xffff, v16  }
0x26f: {  	v16 =	vld.idx.msk [tilespmem:v13+s8+$0x0], $0xffff;
	_ =	sdelay $0x4  }
0x270: {  	v16 =	vmax.f32 v16, v15  }
0x271: {  	[tilespmem:v13+s8+$0x0] =	vst.idx.msk $0xffff, v16  }
0x272: {  	v16 =	vld.idx.msk [tilespmem:v13+s9+$0x0], $0xffff;
	_ =	sdelay $0x4  }
0x273: {  	v15 =	vmin.f32 v16, v15  }
0x274: {  	[tilespmem:v13+s9+$0x0] =	vst.idx.msk $0xffff, v15  }
0x275: {  	v59 =	vld.idx.msk [tilespmem:v14+s19+$0x0], $0xffff;
	_ =	sdelay $0x4  }
0x276: {  	v60 =	vmul.f32 v59, v59  }
0x277: {  	[tilespmem:v13+s10+$0x0] =	vst.idx.add.f32.msk $0xffff, v59  }
0x278: {  	[tilespmem:v13+s11+$0x0] =	vst.idx.add.f32.msk $0xffff, v60  }
0x279: {  	v15 =	vld.idx.msk [tilespmem:v13+s12+$0x0], $0xffff;
	_ =	sdelay $0x4  }
0x27a: {  	v15 =	vmax.f32 v15, v59  }
0x27b: {  	[tilespmem:v13+s12+$0x0] =	vst.idx.msk $0xffff, v15  }
0x27c: {  	v15 =	vld.idx.msk [tilespmem:v13+s13+$0x0], $0xffff;
	_ =	sdelay $0x4  }
0x27d: {  	v14 =	vmin.f32 v15, v59  }
0x27e: {  	[tilespmem:v13+s13+$0x0] =	vst.idx.msk $0xffff, v14  }
0x27f: {  	v13 =	vld.idx.msk [tilespmem:v12+s2+$0x0], $0xffff;
	_ =	sdelay $0x4  }
0x280: {  	v61 =	vmul.f32 v13, v13  }
0x281: {  	[tilespmem:v11+s6+$0x0] =	vst.idx.add.f32.msk $0xffff, v13  }
0x282: {  	[tilespmem:v11+s7+$0x0] =	vst.idx.add.f32.msk $0xffff, v61  }
0x283: {  	v14 =	vld.idx.msk [tilespmem:v11+s8+$0x0], $0xffff;
	_ =	sdelay $0x4  }
0x284: {  	v14 =	vmax.f32 v14, v13  }
0x285: {  	[tilespmem:v11+s8+$0x0] =	vst.idx.msk $0xffff, v14  }
0x286: {  	v14 =	vld.idx.msk [tilespmem:v11+s9+$0x0], $0xffff;
	_ =	sdelay $0x4  }
0x287: {  	v13 =	vmin.f32 v14, v13  }
0x288: {  	[tilespmem:v11+s9+$0x0] =	vst.idx.msk $0xffff, v13  }
0x289: {  	v62 =	vld.idx.msk [tilespmem:v12+s19+$0x0], $0xffff;
	_ =	sdelay $0x4  }
0x28a: {  	v63 =	vmul.f32 v62, v62  }
0x28b: {  	[tilespmem:v11+s10+$0x0] =	vst.idx.add.f32.msk $0xffff, v62  }
0x28c: {  	[tilespmem:v11+s11+$0x0] =	vst.idx.add.f32.msk $0xffff, v63  }
0x28d: {  	v13 =	vld.idx.msk [tilespmem:v11+s12+$0x0], $0xffff;
	_ =	sdelay $0x4  }
0x28e: {  	v13 =	vmax.f32 v13, v62  }
0x28f: {  	[tilespmem:v11+s12+$0x0] =	vst.idx.msk $0xffff, v13  }
0x290: {  	v13 =	vld.idx.msk [tilespmem:v11+s13+$0x0], $0xffff;
	_ =	sdelay $0x1  }
.Ltmp20:
0x291: {  	_ = 	snop;
	(pc) =	sbr.rel .LBB2_24-.Ltmp20, $3  }
0x292: {  	_ =	sdelay $0x1  }
0x293: {  	v12 =	vmin.f32 v13, v62  }
0x294: {  	[tilespmem:v11+s13+$0x0] =	vst.idx.msk $0xffff, v12  }
.LBB2_25:
0x295: {  	p3 =	seq.s32 s17, $0x31  }
0x296: {  	s18 =	sshrl.u32 @!p3 s18, $0x3  }
0x297: {  	s18 =	sadd.s32 @!p3 $0x320, s18  }
0x298: {  	s21 =	simm.s32 @!p3 $0x0;
	s22 =	simm.s32 @!p3 $0x1B800;
	s20 =	sadd.s32 @!p3 s1, s18  }
0x299: {  	[tilespmem:s22], [sflag:$0x1] =	stream.linear.gather @!p3 [hbm4b:s20+s21], $0xC80, $0x38;
	[tilespmem:$0x1EA00] =	vst v63  }
0x29a: {  	s18 =	sadd.s32 @!p3 s25, s18;
	s20 =	simm.s32 @!p3 $0x1C480  }
0x29b: {  	[tilespmem:s20], [sflag:$0x1] =	stream.linear.gather @!p3 [hbm4b:s18+s21], $0xC80, $0x38;
	[tilespmem:$0x1EA00] =	vst v63  }
0x29c: {  	_ =	swait.ge [sflag:s14], $0xC80  }
.Ltmp21:
0x29d: {  	[sflag:s14] =	ssyncset.done $0x0;
	(pc) =	sbr.rel .LBB2_26-.Ltmp21, $4  }
0x29e: {  	[sflag:s14] =	ssyncadd.s32 $0xFFFFF380  }
0x29f: {  	_ =	swait.ge [sflag:s14], $0xC80  }
0x2a0: {  	[sflag:s14] =	ssyncset.done $0x0  }
0x2a1: {  	s18 =	simm.s32 $0x0;
	[sflag:s14] =	ssyncadd.s32 $0xFFFFF380  }
.LBB2_28:
0x2a2: {  	v13 =	vxor.u32 $0x80000000, v13  }
0x2a3: {  	(xrf1) =	vsort.ascd.msk.u32 $0xffff, v13, v14;
	_ =	sdelay $0xd  }
0x2a4: {  	v13, v14, _ =	vpop (xrf1);
	_ =	sdelay $0x3  }
0x2a5: {  	v13 =	vxor.u32 $0x80000000, v13;
	v15 =	vld.idx.msk [tilespmem:v14+s2+$0x0], $0xffff  }
0x2a6: {  	v16 =	vperm.xlane v13, v3;
	_ =	sdelay $0x1  }
0x2a7: {  	v62 =	vperm.xlane v13, v10;
	vm1 =	veq.s32 v13, v16  }
0x2a8: {  	v18 =	vperm.xlane v13, v5;
	v17 =	vsel vm1, v3, v7  }
0x2a9: {  	vm1 =	vne.s32 v13, v62;
	v63 =	vperm.xlane v15, v17  }
0x2aa: {  	vm2 =	veq.s32 v13, v18;
	vm1 =	vmor vm1, vm0  }
0x2ab: {  	v27 =	vperm.xlane v13, v8;
	v19 =	vsel vm2, v6, v7;
	v20 =	vmax.f32 v15, v63  }
0x2ac: {  	v28 =	vperm.xlane v20, v19  }
0x2ad: {  	v23 =	vperm.xlane v13, v4;
	vm2 =	veq.s32 v13, v27;
	v22 =	vmul.f32 v15, v15  }
0x2ae: {  	v21 =	vsel vm2, v9, v7;
	[tilespmem:v13+s6+$0x0] =	vst.idx.add.f32.msk $0xffff, v15;
	v18 =	vmax.f32 v20, v28  }
0x2af: {  	[tilespmem:v13+s7+$0x0] =	vst.idx.add.f32.msk $0xffff, v22;
	v20 =	vperm.xlane v18, v21  }
0x2b0: {  	v29 =	vand.u32 $0x7, v7;
	vm2 =	veq.s32 v13, v23;
	v30 =	vld.idx.msk [tilespmem:v13+s8+$0x0], vm1  }
0x2b1: {  	v24 =	vsel vm2, v29, v7;
	v18 =	vmax.f32 v18, v20  }
0x2b2: {  	v15 =	vmin.f32 v15, v63;
	v31 =	vperm.xlane v18, v24  }
0x2b3: {  	v32 =	vperm.xlane v15, v19  }
0x2b4: {  	v16 =	vmax.f32 v18, v31  }
0x2b5: {  	v15 =	vmin.f32 v15, v32;
	v16 =	vmax.f32 v30, v16  }
0x2b6: {  	v33 =	vperm.xlane v15, v21;
	[tilespmem:v13+s8+$0x0] =	vst.idx.msk vm1, v16  }
0x2b7: {  	v16 =	vld.idx.msk [tilespmem:v13+s9+$0x0], vm1  }
0x2b8: {  	v15 =	vmin.f32 v15, v33  }
0x2b9: {  	v18 =	vperm.xlane v15, v24;
	_ =	sdelay $0x1  }
0x2ba: {  	v15 =	vmin.f32 v15, v18  }
0x2bb: {  	v15 =	vmin.f32 v16, v15  }
0x2bc: {  	[tilespmem:v13+s9+$0x0] =	vst.idx.msk vm1, v15  }
0x2bd: {  	v14 =	vld.idx.msk [tilespmem:v14+s19+$0x0], $0xffff;
	_ =	sdelay $0x4  }
0x2be: {  	v34 =	vperm.xlane v14, v17;
	_ =	sdelay $0x1  }
0x2bf: {  	v11 =	vxor.u32 $0x80000000, v11;
	v35 =	vmax.f32 v14, v34  }
0x2c0: {  	(xrf1) =	vsort.ascd.msk.u32 $0xffff, v11, v12;
	v36 =	vperm.xlane v35, v19  }
0x2c1: {  	v11 =	vmul.f32 v14, v14  }
0x2c2: {  	[tilespmem:v13+s10+$0x0] =	vst.idx.add.f32.msk $0xffff, v14;
	v37 =	vmax.f32 v35, v36  }
0x2c3: {  	[tilespmem:v13+s11+$0x0] =	vst.idx.add.f32.msk $0xffff, v11;
	v11 =	vperm.xlane v37, v21  }
0x2c4: {  	v38 =	vld.idx.msk [tilespmem:v13+s12+$0x0], vm1  }
0x2c5: {  	v11 =	vmax.f32 v37, v11  }
0x2c6: {  	v39 =	vmin.f32 v14, v34;
	v40 =	vperm.xlane v11, v24  }
0x2c7: {  	v15 =	vperm.xlane v39, v19  }
0x2c8: {  	v11 =	vmax.f32 v11, v40  }
0x2c9: {  	v12 =	vmin.f32 v39, v15;
	v11 =	vmax.f32 v38, v11  }
0x2ca: {  	v41 =	vperm.xlane v12, v21;
	[tilespmem:v13+s12+$0x0] =	vst.idx.msk vm1, v11  }
0x2cb: {  	v11 =	vld.idx.msk [tilespmem:v13+s13+$0x0], vm1  }
0x2cc: {  	v12 =	vmin.f32 v12, v41  }
0x2cd: {  	v14 =	vperm.xlane v12, v24  }
0x2ce: {  	v42, v43, _ =	vpop (xrf1)  }
0x2cf: {  	v12 =	vmin.f32 v12, v14  }
0x2d0: {  	v11 =	vmin.f32 v11, v12  }
0x2d1: {  	[tilespmem:v13+s13+$0x0] =	vst.idx.msk vm1, v11  }
0x2d2: {  	v11 =	vxor.u32 $0x80000000, v42;
	v44 =	vld.idx.msk [tilespmem:v43+s2+$0x0], $0xffff  }
0x2d3: {  	v45 =	vperm.xlane v11, v3;
	_ =	sdelay $0x1  }
0x2d4: {  	v46 =	vperm.xlane v11, v10;
	vm1 =	veq.s32 v11, v45  }
0x2d5: {  	v15 =	vperm.xlane v11, v5;
	v47 =	vsel vm1, v3, v7  }
0x2d6: {  	vm1 =	vne.s32 v11, v46;
	v48 =	vperm.xlane v44, v47  }
0x2d7: {  	vm2 =	veq.s32 v11, v15;
	vm1 =	vmor vm1, vm0  }
0x2d8: {  	v49 =	vperm.xlane v11, v8;
	v50 =	vsel vm2, v6, v7;
	v51 =	vmax.f32 v44, v48  }
0x2d9: {  	v52 =	vperm.xlane v51, v50  }
0x2da: {  	v55 =	vperm.xlane v11, v4;
	vm2 =	veq.s32 v11, v49;
	v54 =	vmul.f32 v44, v44  }
0x2db: {  	v53 =	vsel vm2, v9, v7;
	[tilespmem:v11+s6+$0x0] =	vst.idx.add.f32.msk $0xffff, v44;
	v15 =	vmax.f32 v51, v52  }
0x2dc: {  	[tilespmem:v11+s7+$0x0] =	vst.idx.add.f32.msk $0xffff, v54;
	v18 =	vperm.xlane v15, v53  }
0x2dd: {  	vm2 =	veq.s32 v11, v55;
	v20 =	vld.idx.msk [tilespmem:v11+s8+$0x0], vm1  }
0x2de: {  	v21 =	vsel vm2, v29, v7;
	v15 =	vmax.f32 v15, v18  }
0x2df: {  	v12 =	vmin.f32 v44, v48;
	v56 =	vperm.xlane v15, v21  }
0x2e0: {  	v57 =	vperm.xlane v12, v50  }
0x2e1: {  	v13 =	vmax.f32 v15, v56  }
0x2e2: {  	v12 =	vmin.f32 v12, v57;
	v13 =	vmax.f32 v20, v13  }
0x2e3: {  	v58 =	vperm.xlane v12, v53;
	[tilespmem:v11+s8+$0x0] =	vst.idx.msk vm1, v13  }
0x2e4: {  	v13 =	vld.idx.msk [tilespmem:v11+s9+$0x0], vm1  }
0x2e5: {  	v12 =	vmin.f32 v12, v58  }
0x2e6: {  	v15 =	vperm.xlane v12, v21;
	_ =	sdelay $0x1  }
0x2e7: {  	v12 =	vmin.f32 v12, v15  }
0x2e8: {  	v12 =	vmin.f32 v13, v12  }
0x2e9: {  	[tilespmem:v11+s9+$0x0] =	vst.idx.msk vm1, v12  }
0x2ea: {  	v12 =	vld.idx.msk [tilespmem:v43+s19+$0x0], $0xffff;
	_ =	sdelay $0x4  }
0x2eb: {  	v59 =	vperm.xlane v12, v47;
	_ =	sdelay $0x1  }
0x2ec: {  	v14 =	vmax.f32 v12, v59  }
0x2ed: {  	v60 =	vperm.xlane v14, v50  }
0x2ee: {  	v16 =	vmul.f32 v12, v12  }
0x2ef: {  	[tilespmem:v11+s10+$0x0] =	vst.idx.add.f32.msk $0xffff, v12;
	v14 =	vmax.f32 v14, v60  }
0x2f0: {  	[tilespmem:v11+s11+$0x0] =	vst.idx.add.f32.msk $0xffff, v16;
	v15 =	vperm.xlane v14, v53  }
0x2f1: {  	v16 =	vld.idx.msk [tilespmem:v11+s12+$0x0], vm1  }
0x2f2: {  	v14 =	vmax.f32 v14, v15  }
0x2f3: {  	v12 =	vmin.f32 v12, v59;
	v61 =	vperm.xlane v14, v21  }
0x2f4: {  	v62 =	vperm.xlane v12, v50  }
0x2f5: {  	v13 =	vmax.f32 v14, v61  }
0x2f6: {  	v12 =	vmin.f32 v12, v62;
	v13 =	vmax.f32 v16, v13  }
0x2f7: {  	v63 =	vperm.xlane v12, v53;
	[tilespmem:v11+s12+$0x0] =	vst.idx.msk vm1, v13  }
0x2f8: {  	v13 =	vld.idx.msk [tilespmem:v11+s13+$0x0], vm1  }
0x2f9: {  	v12 =	vmin.f32 v12, v63  }
0x2fa: {  	v14 =	vperm.xlane v12, v21;
	_ =	sdelay $0x1  }
0x2fb: {  	v12 =	vmin.f32 v12, v14  }
0x2fc: {  	v12 =	vmin.f32 v13, v12  }
0x2fd: {  	[tilespmem:v11+s13+$0x0] =	vst.idx.msk vm1, v12  }
.LBB2_29:
0x2fe: {  	s18 =	sadd.s32 $0x80, s18  }
0x2ff: {  	p3 =	sne.s32 s18, $0x3200  }
.Ltmp22:
0x300: {  	_ = 	snop;
	(pc) =	sbr.rel @!p3 .LBB2_30-.Ltmp22, $1  }
0x301: {  	_ =	sdelay $0x3  }
.LBB2_26:
0x302: {  	s20 =	sshra.s32 s18, $0x2  }
0x303: {  	v13 =	vld [tilespmem:s20+$0x1D100]  }
0x304: {  	v11 =	vld [tilespmem:s20+$0x1D110];
	_ =	sdelay $0x3  }
0x305: {  	(xrf1) =	vunique.msk.u32 $0xffff, v13  }
0x306: {  	(xrf1) =	vunique.msk.u32 $0xffff, v11;
	_ =	sdelay $0xc  }
0x307: {  	_, v12, _ =	vpop (xrf1)  }
0x308: {  	_, v14, _ =	vpop (xrf1)  }
0x309: {  	vm1 =	vgt.s32 v12, v14  }
0x30a: {  	v12 =	vsel vm1, v12, v14  }
0x30b: {  	v12 =	vxor.u32 $0x80000000, v12  }
0x30c: {  	(xrf0) =	vmax.scan.msk.u32 $0xffff, v12;
	_ =	sdelay $0x5  }
0x30d: {  	v12, _, _ =	vpop (xrf0)  }
0x30e: {  	(v2sf) =	vpush v12, $0xF;
	_ =	sdelay $0xe  }
0x30f: {  	s21 =	spop (v2sf)  }
0x310: {  	p3 =	sgt.u32 s21, $0x80000001  }
.Ltmp23:
0x311: {  	_ = 	snop;
	(pc) =	sbr.rel @p3 .LBB2_28-.Ltmp23, $2  }
0x312: {  	v14 =	vld [tilespmem:s20+$0x1DD80];
	_ =	sdelay $0x2  }
0x313: {  	v12 =	vld [tilespmem:s20+$0x1DD90]  }
0x314: {  	_ =	sdelay $0x4  }
0x315: {  	v15 =	vld.idx.msk [tilespmem:v14+s2+$0x0], $0xffff;
	_ =	sdelay $0x4  }
0x316: {  	v16 =	vmul.f32 v15, v15  }
0x317: {  	[tilespmem:v13+s6+$0x0] =	vst.idx.add.f32.msk $0xffff, v15  }
0x318: {  	[tilespmem:v13+s7+$0x0] =	vst.idx.add.f32.msk $0xffff, v16  }
0x319: {  	v16 =	vld.idx.msk [tilespmem:v13+s8+$0x0], $0xffff;
	_ =	sdelay $0x4  }
0x31a: {  	v16 =	vmax.f32 v16, v15  }
0x31b: {  	[tilespmem:v13+s8+$0x0] =	vst.idx.msk $0xffff, v16  }
0x31c: {  	v16 =	vld.idx.msk [tilespmem:v13+s9+$0x0], $0xffff;
	_ =	sdelay $0x4  }
0x31d: {  	v15 =	vmin.f32 v16, v15  }
0x31e: {  	[tilespmem:v13+s9+$0x0] =	vst.idx.msk $0xffff, v15  }
0x31f: {  	v59 =	vld.idx.msk [tilespmem:v14+s19+$0x0], $0xffff;
	_ =	sdelay $0x4  }
0x320: {  	v60 =	vmul.f32 v59, v59  }
0x321: {  	[tilespmem:v13+s10+$0x0] =	vst.idx.add.f32.msk $0xffff, v59  }
0x322: {  	[tilespmem:v13+s11+$0x0] =	vst.idx.add.f32.msk $0xffff, v60  }
0x323: {  	v15 =	vld.idx.msk [tilespmem:v13+s12+$0x0], $0xffff;
	_ =	sdelay $0x4  }
0x324: {  	v15 =	vmax.f32 v15, v59  }
0x325: {  	[tilespmem:v13+s12+$0x0] =	vst.idx.msk $0xffff, v15  }
0x326: {  	v15 =	vld.idx.msk [tilespmem:v13+s13+$0x0], $0xffff;
	_ =	sdelay $0x4  }
0x327: {  	v14 =	vmin.f32 v15, v59  }
0x328: {  	[tilespmem:v13+s13+$0x0] =	vst.idx.msk $0xffff, v14  }
0x329: {  	v13 =	vld.idx.msk [tilespmem:v12+s2+$0x0], $0xffff;
	_ =	sdelay $0x4  }
0x32a: {  	v61 =	vmul.f32 v13, v13  }
0x32b: {  	[tilespmem:v11+s6+$0x0] =	vst.idx.add.f32.msk $0xffff, v13  }
0x32c: {  	[tilespmem:v11+s7+$0x0] =	vst.idx.add.f32.msk $0xffff, v61  }
0x32d: {  	v14 =	vld.idx.msk [tilespmem:v11+s8+$0x0], $0xffff;
	_ =	sdelay $0x4  }
0x32e: {  	v14 =	vmax.f32 v14, v13  }
0x32f: {  	[tilespmem:v11+s8+$0x0] =	vst.idx.msk $0xffff, v14  }
0x330: {  	v14 =	vld.idx.msk [tilespmem:v11+s9+$0x0], $0xffff;
	_ =	sdelay $0x4  }
0x331: {  	v13 =	vmin.f32 v14, v13  }
0x332: {  	[tilespmem:v11+s9+$0x0] =	vst.idx.msk $0xffff, v13  }
0x333: {  	v62 =	vld.idx.msk [tilespmem:v12+s19+$0x0], $0xffff;
	_ =	sdelay $0x4  }
0x334: {  	v63 =	vmul.f32 v62, v62  }
0x335: {  	[tilespmem:v11+s10+$0x0] =	vst.idx.add.f32.msk $0xffff, v62  }
0x336: {  	[tilespmem:v11+s11+$0x0] =	vst.idx.add.f32.msk $0xffff, v63  }
0x337: {  	v13 =	vld.idx.msk [tilespmem:v11+s12+$0x0], $0xffff;
	_ =	sdelay $0x4  }
0x338: {  	v13 =	vmax.f32 v13, v62  }
0x339: {  	[tilespmem:v11+s12+$0x0] =	vst.idx.msk $0xffff, v13  }
0x33a: {  	v13 =	vld.idx.msk [tilespmem:v11+s13+$0x0], $0xffff;
	_ =	sdelay $0x1  }
.Ltmp24:
0x33b: {  	_ = 	snop;
	(pc) =	sbr.rel .LBB2_29-.Ltmp24, $3  }
0x33c: {  	_ =	sdelay $0x1  }
0x33d: {  	v12 =	vmin.f32 v13, v62  }
0x33e: {  	[tilespmem:v11+s13+$0x0] =	vst.idx.msk $0xffff, v12  }
.LBB2_31:
0x33f: {  	s16 =	rddreg [dreg:$0xf]  }
0x340: {  	[hbm4b:s16+s29] =	stream.strided.scatter [tilespmem:s6], [sflag:$0x3], $0x2800, s30, s29, $0x38;
	[tilespmem:$0x1EA00] =	vst v63  }
0x341: {  	_ =	swait.ge [sflag:s31], $0x2800  }
0x342: {  	[sflag:s31] =	ssyncset.done $0x0  }
0x343: {  	s22 =	rddreg [dreg:$0x10];
	[sflag:s31] =	ssyncadd.s32 $0xFFFFD800  }
0x344: {  	[hbm4b:s22+s29] =	stream.strided.scatter [tilespmem:s10], [sflag:$0x3], $0x2800, s30, s29, $0x38;
	[tilespmem:$0x1EA00] =	vst v63  }
0x345: {  	_ =	swait.ge [sflag:s31], $0x2800  }
0x346: {  	[sflag:s31] =	ssyncset.done $0x0  }
0x347: {  	s17 =	rddreg [dreg:$0x11];
	[sflag:s31] =	ssyncadd.s32 $0xFFFFD800  }
0x348: {  	[hbm4b:s17+s29] =	stream.strided.scatter [tilespmem:s7], [sflag:$0x3], $0x2800, s30, s29, $0x38;
	[tilespmem:$0x1EA00] =	vst v63  }
0x349: {  	_ =	swait.ge [sflag:s31], $0x2800  }
0x34a: {  	[sflag:s31] =	ssyncset.done $0x0  }
0x34b: {  	s18 =	rddreg [dreg:$0x12];
	[sflag:s31] =	ssyncadd.s32 $0xFFFFD800  }
0x34c: {  	[hbm4b:s18+s29] =	stream.strided.scatter [tilespmem:s11], [sflag:$0x3], $0x2800, s30, s29, $0x38;
	[tilespmem:$0x1EA00] =	vst v63  }
0x34d: {  	_ =	swait.ge [sflag:s31], $0x2800  }
0x34e: {  	[sflag:s31] =	ssyncset.done $0x0  }
0x34f: {  	s20 =	rddreg [dreg:$0x13];
	[sflag:s31] =	ssyncadd.s32 $0xFFFFD800  }
0x350: {  	[hbm4b:s20+s29] =	stream.strided.scatter [tilespmem:s8], [sflag:$0x3], $0x2800, s30, s29, $0x38;
	[tilespmem:$0x1EA00] =	vst v63  }
0x351: {  	_ =	swait.ge [sflag:s31], $0x2800  }
0x352: {  	[sflag:s31] =	ssyncset.done $0x0  }
0x353: {  	s21 =	rddreg [dreg:$0x14];
	[sflag:s31] =	ssyncadd.s32 $0xFFFFD800  }
0x354: {  	[hbm4b:s21+s29] =	stream.strided.scatter [tilespmem:s12], [sflag:$0x3], $0x2800, s30, s29, $0x38;
	[tilespmem:$0x1EA00] =	vst v63  }
0x355: {  	_ =	swait.ge [sflag:s31], $0x2800  }
0x356: {  	[sflag:s31] =	ssyncset.done $0x0  }
0x357: {  	s22 =	rddreg [dreg:$0x15];
	[sflag:s31] =	ssyncadd.s32 $0xFFFFD800  }
0x358: {  	[hbm4b:s22+s29] =	stream.strided.scatter [tilespmem:s9], [sflag:$0x3], $0x2800, s30, s29, $0x38;
	[tilespmem:$0x1EA00] =	vst v63  }
0x359: {  	_ =	swait.ge [sflag:s31], $0x2800  }
0x35a: {  	[sflag:s31] =	ssyncset.done $0x0  }
.Ltmp25:
0x35b: {  	[sflag:s31] =	ssyncadd.s32 $0xFFFFD800;
	(pc) =	sbr.rel @p1 .LBB2_34-.Ltmp25, $4  }
0x35c: {  	[hbm4b:s23+s29] =	stream.strided.scatter [tilespmem:s13], [sflag:$0x3], $0x2800, s30, s29, $0x38;
	[tilespmem:$0x1EA00] =	vst v63  }
0x35d: {  	_ =	swait.ge [sflag:s31], $0x2800  }
0x35e: {  	[sflag:s31] =	ssyncset.done $0x0  }
0x35f: {  	s16 =	smov.u32 s24;
	[sflag:s31] =	ssyncadd.s32 $0xFFFFD800  }
.Ltmp26:
0x360: {  	(pc) =	sbr.rel @p2 .LBB2_35-.Ltmp26, $1  }
0x361: {  	_ =	sdelay $0x3  }
.Ltmp27:
0x362: {  	(pc) =	sbr.rel .LBB2_34-.Ltmp27, $2  }
0x363: {  	_ =	sdelay $0x2  }
0x364: {  	s16 =	rddreg [dreg:$0x16]  }
.LBB2_36:
0x365: {  	_ =	sfence.sel $0x180000  }
0x366: {  	[bflag:$0x0] =	sbarrier.arrive $0xFFFF  }
0x367: {  	_ =	strace $0x90000047  }
0x368: {  	s0 =	stileid.u32;
	[bflag:$0x2] =	sbarrier.arrive $0xFFFF  }
0x369: {  	p0 =	sne.s32 s0, $0x0;
	s0 =	rddreg [dreg:$0x2]  }
0x36a: {  	s0 =	sadd.s32 @!p0 $0x100000, s0  }
0x36b: {  	[sflag:s0] =	ssyncadd.tile.s32 @!p0 $0x1;
	_ =	shalt  }
.Lfunc_end2:
_tile_overlayer_lowered:
.L_overlay_start_2:
0x36c: {  	(tag) =	ssettag $0x2  }
0x36d: {  	s0 =	rddreg [dreg:$0x0];
	s2 =	stileid.u32  }
0x36e: {  	s1 =	rddreg [dreg:$0x1];
	p0 =	sne.s32 s2, $0x0  }
0x36f: {  	s3 =	rddreg [dreg:$0x2];
	[bflag:$0x3] =	sbarrier.arrive $0xFFFF;
	s2 =	simm.s32 @!p0 $0x1C03  }
0x370: {  	[timem:s3], [sflag:s2] =	dma.local @!p0 [hbm:s0], s1  }
0x371: {  	s0 =	simm.s32 @!p0 $0x3  }
0x372: {  	_ =	swait.ge @!p0 [sflag:s0], s1  }
0x373: {  	s1 =	ssub.s32 @!p0 $0x0, s1;
	[sflag:s0] =	ssyncset.done @!p0 $0x0  }
0x374: {  	[sflag:s0] =	ssyncadd.s32 @!p0 s1  }
0x375: {  	[bflag:$0x3] =	sbarrier.arrive $0xFFFF  }
0x376: {  	_ =	shalt  }

</sc_bundles>
